<compile_context>
chip_gen: v7x
topology: tpu7x:2x2x1
jax: 0.10.2.dev20260603
libtpu: 0.0.44.dev20260713+nightly
codegen_flags: <defaults>
</compile_context>

<pallas_src>
import functools

import jax
import jax.numpy as jnp
from jax import lax
from jax.experimental import pallas as pl
from jax.experimental.pallas import tpu as pltpu
from jax.experimental.pallas import tpu_sc as plsc

B, CIN, N, K = 8, 4, 2000, 20
C = 64
CH = 128
CP = 128
NEG = -3.0e38



def _conv1_body(d_ref, w_ref, b_ref, o_ref):
    d = d_ref[0]
    w = w_ref[...]
    x = lax.dot_general(d, w, (((0,), (1,)), ((), ())),
                        preferred_element_type=jnp.float32)
    o_ref[0] = x + b_ref[...]


def _conv1(d3, w, b2):
    return pl.pallas_call(
        _conv1_body,
        grid=(B,),
        in_specs=[
            pl.BlockSpec((1, CIN, N), lambda b: (b, 0, 0)),
            pl.BlockSpec((C, CIN), lambda b: (0, 0)),
            pl.BlockSpec((1, C), lambda b: (0, 0)),
        ],
        out_specs=pl.BlockSpec((1, N, C), lambda b: (b, 0, 0)),
        out_shape=jax.ShapeDtypeStruct((B, N, C), jnp.float32),
    )(d3, w, b2)



R1 = 400
T1 = N // R1


def _knn_body(xr_ref, xf_ref, o_ref):
    xr = xr_ref[0]
    xf = xf_ref[0]
    xxr = jnp.sum(xr * xr, axis=1, keepdims=True)
    xxa = jnp.sum(xf * xf, axis=0, keepdims=True)
    p = 2.0 * jnp.dot(xr, xf, preferred_element_type=jnp.float32) - xxr - xxa
    col = lax.broadcasted_iota(jnp.int32, (R1, N), 1)
    cols = []
    for _ in range(K):
        m = jnp.max(p, axis=1, keepdims=True)
        j = jnp.min(jnp.where(p >= m, col, N), axis=1, keepdims=True)
        cols.append(j)
        p = jnp.where(col == j, NEG, p)
    o_ref[0] = jnp.concatenate(cols, axis=1)


def _knn(xT, xTT):
    return pl.pallas_call(
        _knn_body,
        grid=(B, T1),
        in_specs=[
            pl.BlockSpec((1, R1, C), lambda b, t: (b, t, 0)),
            pl.BlockSpec((1, C, N), lambda b, t: (b, 0, 0)),
        ],
        out_specs=pl.BlockSpec((1, R1, K), lambda b, t: (b, t, 0)),
        out_shape=jax.ShapeDtypeStruct((B, N, K), jnp.int32),
    )(xT, xTT)



NW = 32
ROWS_W = (B * N * K) // NW
CHUNK = 80
NCH = ROWS_W // CHUNK


def _sc_gather(gidx, table):
    mesh = plsc.VectorSubcoreMesh(core_axis_name="c", subcore_axis_name="s")

    @functools.partial(
        pl.kernel,
        mesh=mesh,
        out_type=jax.ShapeDtypeStruct((B * N * K, CP), jnp.float32),
        scratch_types=[
            pltpu.VMEM((ROWS_W,), jnp.int32),
            pltpu.VMEM((CHUNK, CP), jnp.float32),
            pltpu.SemaphoreType.DMA,
        ],
    )
    def k(gidx_hbm, table_hbm, out_hbm, idx_v, rows_v, sem):
        wid = lax.axis_index("s") * 2 + lax.axis_index("c")
        base = wid * ROWS_W
        pltpu.sync_copy(gidx_hbm.at[pl.ds(base, ROWS_W)], idx_v)

        def body(c, carry):
            sl = idx_v.at[pl.ds(c * CHUNK, CHUNK)]
            pltpu.async_copy(table_hbm.at[sl], rows_v, sem).wait()
            pltpu.sync_copy(rows_v, out_hbm.at[pl.ds(base + c * CHUNK, CHUNK)])
            return carry

        lax.fori_loop(0, NCH, body, 0)

    return k(gidx, table)



T2 = K // 2


def _stats_body(g_ref, x_ref, o_ref):
    t = pl.program_id(1)
    x = x_ref[0]
    g = g_ref[0][:, :, :C]
    d = x[None] - g
    s1 = jnp.sum(d, axis=(0, 1))[None, :]
    s2 = jnp.sum(d * d, axis=(0, 1))[None, :]

    @pl.when(t == 0)
    def _():
        sx = jnp.sum(x, axis=0, keepdims=True)
        sxx = jnp.sum(x * x, axis=0, keepdims=True)
        o_ref[0] = jnp.concatenate(
            [sx, sxx, jnp.zeros((2, C), jnp.float32)], axis=0)

    acc = o_ref[0]
    o_ref[0] = acc + jnp.concatenate(
        [jnp.zeros((2, C), jnp.float32), s1, s2], axis=0)


def _stats(G, xT):
    return pl.pallas_call(
        _stats_body,
        grid=(B, T2),
        in_specs=[
            pl.BlockSpec((1, 2, N, CP), lambda b, t: (b, t, 0, 0)),
            pl.BlockSpec((1, N, C), lambda b, t: (b, 0, 0)),
        ],
        out_specs=pl.BlockSpec((1, 4, C), lambda b, t: (b, 0, 0)),
        out_shape=jax.ShapeDtypeStruct((B, 4, C), jnp.float32),
    )(G, xT)


def _mk_scales(sa, sb):
    n1 = float(N)
    nk = float(N * K)
    m1 = sa[:, 0, :] / n1
    v1 = sa[:, 1, :] / n1 - m1 * m1
    m2 = sa[:, 2, :] / nk
    v2 = sa[:, 3, :] / nk - m2 * m2
    V1 = jnp.mean(v1 / (v1 + 1e-3), axis=0, keepdims=True)
    V2 = jnp.mean(v2 / (v2 + 1e-3), axis=0, keepdims=True)
    i2A = lax.rsqrt(V1 + 1e-5)
    i2B = lax.rsqrt(V2 + 1e-5)
    mA = sb[0:1, :] / n1
    vA = sb[1:2, :] / n1 - mA * mA
    mB = sb[2:3, :] / nk
    vB = sb[3:4, :] / nk - mB * mB
    sAv = lax.rsqrt(vA + 1e-3) * i2A
    sBv = lax.rsqrt(vB + 1e-3) * i2B
    return mA, sAv, mB, sBv



R3 = 400
T3 = N // R3


def _att_body(x_ref, g_ref, sa_ref, sb_ref, wA_ref, wB_ref, b1_ref,
              wq_ref, bq_ref, wk_ref, bk_ref, wv_ref, bv_ref, gam_ref, o_ref):
    xr = x_ref[0]
    mA, sAv, mB, sBv = _mk_scales(sa_ref[...], sb_ref[0])
    aA = jnp.maximum((xr - mA) * sAv, 0.0)
    xlA = jnp.dot(aA, wA_ref[...], preferred_element_type=jnp.float32) \
        + b1_ref[...]
    es = []
    vs = []
    M = jnp.full((R3, C), NEG, jnp.float32)
    for k in range(K):
        dB = xr - g_ref[0, k][:, :C]
        aB = jnp.maximum((dB - mB) * sBv, 0.0)
        xl = xlA + jnp.dot(aB, wB_ref[...], preferred_element_type=jnp.float32)
        q = jnp.dot(xl, wq_ref[...], preferred_element_type=jnp.float32) \
            + bq_ref[...]
        kk = jnp.dot(xl, wk_ref[...], preferred_element_type=jnp.float32) \
            + bk_ref[...]
        v = jnp.dot(xl, wv_ref[...], preferred_element_type=jnp.float32) \
            + bv_ref[...]
        e = q * kk
        es.append(e)
        vs.append(v)
        M = jnp.maximum(M, e)
    ssum = jnp.zeros((R3, C), jnp.float32)
    osum = jnp.zeros((R3, C), jnp.float32)
    for k in range(K):
        pexp = jnp.exp(es[k] - M)
        ssum = ssum + pexp
        osum = osum + pexp * vs[k]
    o_ref[0] = xr + gam_ref[...] * (osum / ssum)


def _att(xT, G, st, wA, wB, b1, wq, bq, wk, bk, wv, bv, gam):
    wspec = lambda shape: pl.BlockSpec(shape, lambda b, t: (0, 0))
    return pl.pallas_call(
        _att_body,
        grid=(B, T3),
        in_specs=[
            pl.BlockSpec((1, R3, C), lambda b, t: (b, t, 0)),
            pl.BlockSpec((1, K, R3, CP), lambda b, t: (b, 0, t, 0)),
            pl.BlockSpec((B, 4, C), lambda b, t: (0, 0, 0)),
            pl.BlockSpec((1, 4, C), lambda b, t: (b, 0, 0)),
            wspec((C, C)), wspec((C, C)), wspec((1, C)),
            wspec((C, C)), wspec((1, C)),
            wspec((C, C)), wspec((1, C)),
            wspec((C, C)), wspec((1, C)),
            wspec((1, 1)),
        ],
        out_specs=pl.BlockSpec((1, R3, C), lambda b, t: (b, t, 0)),
        out_shape=jax.ShapeDtypeStruct((B, N, C), jnp.float32),
    )(xT, G, st, st, wA, wB, b1, wq, bq, wk, bk, wv, bv, gam)




def _fin_body(x_ref, g_ref, sa_ref, sb_ref, wA_ref, wB_ref, bs_ref, o_ref):
    xr = x_ref[0]
    mA, sAv, mB, sBv = _mk_scales(sa_ref[...], sb_ref[0])
    aA = jnp.maximum((xr - mA) * sAv, 0.0)
    yA = jnp.dot(aA, wA_ref[...], preferred_element_type=jnp.float32) \
        + bs_ref[...]
    out = jnp.full((R3, CH), NEG, jnp.float32)
    for k in range(K):
        dB = xr - g_ref[0, k][:, :C]
        aB = jnp.maximum((dB - mB) * sBv, 0.0)
        y = yA + jnp.dot(aB, wB_ref[...], preferred_element_type=jnp.float32)
        out = jnp.maximum(out, y)
    o_ref[0] = out


def _fin(xT, G, st, wA, wB, bs):
    wspec = lambda shape: pl.BlockSpec(shape, lambda b, t: (0, 0))
    return pl.pallas_call(
        _fin_body,
        grid=(B, T3),
        in_specs=[
            pl.BlockSpec((1, R3, C), lambda b, t: (b, t, 0)),
            pl.BlockSpec((1, K, R3, CP), lambda b, t: (b, 0, t, 0)),
            pl.BlockSpec((B, 4, C), lambda b, t: (0, 0, 0)),
            pl.BlockSpec((1, 4, C), lambda b, t: (b, 0, 0)),
            wspec((C, CH)), wspec((C, CH)), wspec((1, CH)),
        ],
        out_specs=pl.BlockSpec((1, R3, CH), lambda b, t: (b, t, 0)),
        out_shape=jax.ShapeDtypeStruct((B, N, CH), jnp.float32),
    )(xT, G, st, st, wA, wB, bs)




def _graph_gather(xT, idx):
    off = (jnp.arange(B, dtype=jnp.int32) * N)[:, None, None]
    gidx = (jnp.transpose(idx, (0, 2, 1)) + off).reshape(-1)
    table = jnp.pad(xT.reshape(B * N, C), ((0, 0), (0, CP - C)))
    G = _sc_gather(gidx, table)
    return G.reshape(B, K, N, CP)


def kernel(data, xs, W_conv1, b_conv1, W_att1, b_att1, W_q, b_q,
           W_k, b_k, W_v, b_v, gamma1, W_s1, b_s1):
    d3 = data[:, :, :, 0]
    xT1 = _conv1(d3, W_conv1, b_conv1.reshape(1, C))
    idx1 = _knn(xT1, jnp.transpose(xT1, (0, 2, 1)))
    G1 = _graph_gather(xT1, idx1)
    st1 = _stats(G1, xT1)
    xT2 = _att(
        xT1, G1, st1,
        W_att1[:, :C].T, W_att1[:, C:].T, b_att1.reshape(1, C),
        W_q.T, b_q.reshape(1, C),
        W_k.T, b_k.reshape(1, C),
        W_v.T, b_v.reshape(1, C),
        gamma1.reshape(1, 1),
    )
    idx2 = _knn(xT2, jnp.transpose(xT2, (0, 2, 1)))
    G2 = _graph_gather(xT2, idx2)
    st2 = _stats(G2, xT2)
    y = _fin(xT2, G2, st2, W_s1[:, :C].T, W_s1[:, C:].T, b_s1.reshape(1, CH))
    return jnp.transpose(y, (0, 2, 1))

# --- scband reference (transcript-rebuilt; emitter-appended) ---
"""Pipeline reference for scband-ms2-dgblock-61117384622239 (READ-ONLY COPY).

The authoritative reference and input builder live on the scoring server;
editing this copy changes nothing except your own understanding.
"""

import jax, jax.numpy as jnp
import numpy as np

B, CIN, N, K = 8, 4, 2000, 20
CH = 128
CH2 = 64


def conv1x1(x, W, b):
    return jnp.einsum('bchw,oc->bohw', x, W) + b[None, :, None, None]


def inorm(x, eps=1e-3):
    m = jnp.mean(x, axis=(2, 3), keepdims=True)
    v = jnp.var(x, axis=(2, 3), keepdims=True)
    return (x - m) / jnp.sqrt(v + eps)


def bnorm(x, eps=1e-5):
    m = jnp.mean(x, axis=(0, 2, 3), keepdims=True)
    v = jnp.var(x, axis=(0, 2, 3), keepdims=True)
    return (x - m) / jnp.sqrt(v + eps)


def knn(x, k):
    inner = -2.0 * jnp.matmul(jnp.transpose(x, (0, 2, 1)), x)
    xx = jnp.sum(x ** 2, axis=1, keepdims=True)
    pairwise = -xx - inner - jnp.transpose(xx, (0, 2, 1))
    return jax.lax.top_k(pairwise, k)[1]


def get_graph_feature(x, k):
    b = x.shape[0]
    n = x.shape[2]
    x = x.reshape(b, -1, n)
    c = x.shape[1]
    idx = knn(x, k)
    xt = jnp.transpose(x, (0, 2, 1))
    feature = jax.vmap(lambda xb, ib: xb[ib])(xt, idx)
    xrep = jnp.broadcast_to(xt[:, :, None, :], (b, n, k, c))
    feature = jnp.concatenate([xrep, xrep - feature], axis=3)
    return jnp.transpose(feature, (0, 3, 1, 2))


def setup_inputs(seed: int = 0):
    key = jax.random.key(seed)
    ks = jax.random.split(key, 12)

    def p(kk, shape):
        return jax.random.normal(kk, shape, dtype=jnp.float32) * 0.05

    return {
        'data': jax.random.normal(ks[0], (B, CIN, N, 1), dtype=jnp.float32),
        'xs': jax.random.normal(ks[1], (B, 1, N, 4), dtype=jnp.float32),
        'W_conv1': p(ks[2], (CH2, CIN)),
        'b_conv1': jnp.zeros((CH2,), jnp.float32),
        'W_att1': p(ks[3], (CH2, CH)),
        'b_att1': jnp.zeros((CH2,), jnp.float32),
        'W_q': p(ks[4], (CH2, CH2)),
        'b_q': jnp.zeros((CH2,), jnp.float32),
        'W_k': p(ks[5], (CH2, CH2)),
        'b_k': jnp.zeros((CH2,), jnp.float32),
        'W_v': p(ks[6], (CH2, CH2)),
        'b_v': jnp.zeros((CH2,), jnp.float32),
        'gamma1': jnp.ones((1,), jnp.float32),
        'W_s1': p(ks[7], (CH, CH)),
        'b_s1': jnp.zeros((CH,), jnp.float32),
    }


def reference(data, xs, W_conv1, b_conv1, W_att1, b_att1, W_q, b_q, W_k, b_k, W_v, b_v, gamma1, W_s1, b_s1):
    # conv1: Conv2d(input_channel, channels//2, 1)
    x = conv1x1(data, W_conv1, b_conv1)  # [B, 64, N, 1]
    # get_graph_feature -> [B, 128, N, K]
    x_att1 = get_graph_feature(x, K)
    # transformer(channels=128, out=64): att1 = IN -> BN -> ReLU -> Conv1x1
    xl = conv1x1(jax.nn.relu(bnorm(inorm(x_att1))), W_att1, b_att1)
    q = conv1x1(xl, W_q, b_q)
    kk = conv1x1(xl, W_k, b_k)
    v = conv1x1(xl, W_v, b_v)
    att = jax.nn.softmax(q * kk, axis=3)
    out_local = jnp.sum(att * v, axis=3, keepdims=True)
    x_SDG1 = x + gamma1[0] * out_local  # [B, 64, N, 1]
    # second graph feature + MLPs(128 -> 128)
    x_f = get_graph_feature(x_SDG1, K)  # [B, 128, N, K]
    x_l11 = conv1x1(jax.nn.relu(bnorm(inorm(x_f))), W_s1, b_s1)
    x_SDG2 = jnp.max(x_l11, axis=-1)  # [B, 128, N]
    return x_SDG2

if __name__ == "__main__":
    import jax
    _d = setup_inputs()
    print(jax.jit(kernel)(*tuple(_d.values())))

</pallas_src>

<mosaic_0001>
#map = affine_map<(d0, d1) -> (0)>
#map1 = affine_map<(d0, d1) -> (0, 0)>
module attributes {stable_mosaic.version = 14 : i64} {
  func.func @k(%arg0: i32, %arg1: i32, %arg2: memref<320000xi32, #tpu.memory_space<hbm>>, %arg3: memref<16000x128xf32, #tpu.memory_space<hbm>>, %arg4: memref<320000x128xf32, #tpu.memory_space<hbm>>, %arg5: memref<10000xi32, #tpu.memory_space<vmem>>, %arg6: memref<80x128xf32, #tpu.memory_space<vmem>>, %arg7: memref<!tpu.dma_semaphore, #tpu.memory_space<semaphore_mem>>) attributes {dimension_semantics = [#tpu.dimension_semantics<core_parallel>, #tpu.dimension_semantics<subcore_parallel>], iteration_bounds = array<i64: 2, 16>, scalar_prefetch = 0 : i64, scratch_operands = 3 : i64, tpu.core_type = #tpu.core_type<sc_vector_subcore>, window_params = [{transform_indices = #map}, {transform_indices = #map1}, {transform_indices = #map1}]} {
    %mul3A = arith.constant 2 : i32
    %mul3A_0 = arith.muli %arg1, %mul3A : i32
    %add3A = arith.addi %mul3A_0, %arg0 : i32
    %mul3A_1 = arith.constant 10000 : i32
    %mul3A_2 = arith.muli %add3A, %mul3A_1 : i32
    "tpu.region"() ({
      %run_scoped3A = tpu.sem_alloc : memref<!tpu.dma_semaphore, #tpu.memory_space<semaphore_mem>>
      %dma_start3A = tpu.memref_slice %arg2[%mul3A_2] : memref<320000xi32, #tpu.memory_space<hbm>> -> memref<10000xi32, #tpu.memory_space<hbm>>
      %dma_start3A_8 = tpu.memref_slice %arg2[%mul3A_2] : memref<320000xi32, #tpu.memory_space<hbm>> -> memref<10000xi32, #tpu.memory_space<hbm>>
      tpu.enqueue_dma source(%dma_start3A_8 : memref<10000xi32, #tpu.memory_space<hbm>>) target(%arg5 : memref<10000xi32, #tpu.memory_space<vmem>>) target_semaphore(%run_scoped3A : memref<!tpu.dma_semaphore, #tpu.memory_space<semaphore_mem>>)
      %dma_wait3A = tpu.memref_slice %arg2[%mul3A_2] : memref<320000xi32, #tpu.memory_space<hbm>> -> memref<10000xi32, #tpu.memory_space<hbm>>
      %dma_wait3A_9 = tpu.memref_slice %arg2[%mul3A_2] : memref<320000xi32, #tpu.memory_space<hbm>> -> memref<10000xi32, #tpu.memory_space<hbm>>
      tpu.wait_dma2 semaphore(%run_scoped3A : memref<!tpu.dma_semaphore, #tpu.memory_space<semaphore_mem>>) src(%dma_wait3A_9 : memref<10000xi32, #tpu.memory_space<hbm>>) dst(%arg5 : memref<10000xi32, #tpu.memory_space<vmem>>)
      tpu.yield
    }) : () -> ()
    %scan3A = arith.constant 0 : i32
    %scan3A_3 = arith.constant 0 : i32
    %scan3A_4 = arith.constant 125 : i32
    %scan3A_5 = arith.addi %scan3A_3, %scan3A_4 : i32
    %scan3A_6 = arith.constant 1 : i32
    scf.for %scan3A_8 = %scan3A_3 to %scan3A_5 step %scan3A_6  : i32 {
      %mul3A_9 = arith.constant 80 : i32
      %mul3A_10 = arith.muli %scan3A_8, %mul3A_9 : i32
      %dma_start3A = tpu.memref_slice %arg5[%mul3A_10] : memref<10000xi32, #tpu.memory_space<vmem>> -> memref<80xi32, #tpu.memory_space<vmem>>
      %dma_start3A_11 = arith.constant 0 : i32
      %dma_start3A_12 = arith.constant 0 : i32
      %dma_start3A_13 = tpu.memref_slice %arg3[%dma_start3A_11, %dma_start3A_12] : memref<16000x128xf32, #tpu.memory_space<hbm>> -> memref<16000x128xf32, #tpu.memory_space<hbm>>
      tpu.enqueue_indirect_dma source(%dma_start3A_13 : memref<16000x128xf32, #tpu.memory_space<hbm>>) target(%arg6 : memref<80x128xf32, #tpu.memory_space<vmem>>) offsets(%dma_start3A : memref<80xi32, #tpu.memory_space<vmem>>) semaphore(%arg7 : memref<!tpu.dma_semaphore, #tpu.memory_space<semaphore_mem>>)
      %dma_wait3A = tpu.memref_slice %arg5[%mul3A_10] : memref<10000xi32, #tpu.memory_space<vmem>> -> memref<80xi32, #tpu.memory_space<vmem>>
      %dma_wait3A_14 = arith.constant 0 : i32
      %dma_wait3A_15 = arith.constant 0 : i32
      %dma_wait3A_16 = tpu.memref_slice %arg3[%dma_wait3A_14, %dma_wait3A_15] : memref<16000x128xf32, #tpu.memory_space<hbm>> -> memref<16000x128xf32, #tpu.memory_space<hbm>>
      tpu.wait_indirect_dma semaphore(%arg7 : memref<!tpu.dma_semaphore, #tpu.memory_space<semaphore_mem>>) src(%dma_wait3A_16 : memref<16000x128xf32, #tpu.memory_space<hbm>>) dst(%arg6 : memref<80x128xf32, #tpu.memory_space<vmem>>)
      %mul3A_17 = arith.constant 80 : i32
      %mul3A_18 = arith.muli %scan3A_8, %mul3A_17 : i32
      %add3A_19 = arith.addi %mul3A_2, %mul3A_18 : i32
      "tpu.region"() ({
        %run_scoped3A = tpu.sem_alloc : memref<!tpu.dma_semaphore, #tpu.memory_space<semaphore_mem>>
        %dma_start3A_20 = arith.constant 0 : i32
        %dma_start3A_21 = tpu.memref_slice %arg4[%add3A_19, %dma_start3A_20] : memref<320000x128xf32, #tpu.memory_space<hbm>> -> memref<80x128xf32, #tpu.memory_space<hbm>>
        %dma_start3A_22 = arith.constant 0 : i32
        %dma_start3A_23 = tpu.memref_slice %arg4[%add3A_19, %dma_start3A_22] : memref<320000x128xf32, #tpu.memory_space<hbm>> -> memref<80x128xf32, #tpu.memory_space<hbm>>
        tpu.enqueue_dma source(%arg6 : memref<80x128xf32, #tpu.memory_space<vmem>>) target(%dma_start3A_23 : memref<80x128xf32, #tpu.memory_space<hbm>>) target_semaphore(%run_scoped3A : memref<!tpu.dma_semaphore, #tpu.memory_space<semaphore_mem>>)
        %dma_wait3A_24 = arith.constant 0 : i32
        %dma_wait3A_25 = tpu.memref_slice %arg4[%add3A_19, %dma_wait3A_24] : memref<320000x128xf32, #tpu.memory_space<hbm>> -> memref<80x128xf32, #tpu.memory_space<hbm>>
        %dma_wait3A_26 = arith.constant 0 : i32
        %dma_wait3A_27 = tpu.memref_slice %arg4[%add3A_19, %dma_wait3A_26] : memref<320000x128xf32, #tpu.memory_space<hbm>> -> memref<80x128xf32, #tpu.memory_space<hbm>>
        tpu.wait_dma2 semaphore(%run_scoped3A : memref<!tpu.dma_semaphore, #tpu.memory_space<semaphore_mem>>) src(%arg6 : memref<80x128xf32, #tpu.memory_space<vmem>>) dst(%dma_wait3A_27 : memref<80x128xf32, #tpu.memory_space<hbm>>)
        tpu.yield
      }) : () -> ()
    }
    %scan3A_7 = arith.constant 125 : i32
    return
  }
}

#map = affine_map<(d0, d1) -> (0)>
#map1 = affine_map<(d0, d1) -> (0, 0)>
module attributes {stable_mosaic.version = 14 : i64} {
  func.func @k(%arg0: i32, %arg1: i32, %arg2: memref<320000xi32, #tpu.memory_space<hbm>>, %arg3: memref<16000x128xf32, #tpu.memory_space<hbm>>, %arg4: memref<320000x128xf32, #tpu.memory_space<hbm>>, %arg5: memref<10000xi32, #tpu.memory_space<vmem>>, %arg6: memref<80x128xf32, #tpu.memory_space<vmem>>, %arg7: memref<!tpu.dma_semaphore, #tpu.memory_space<semaphore_mem>>) attributes {dimension_semantics = [#tpu.dimension_semantics<core_parallel>, #tpu.dimension_semantics<subcore_parallel>], iteration_bounds = array<i64: 2, 16>, scalar_prefetch = 0 : i64, scratch_operands = 3 : i64, tpu.core_type = #tpu.core_type<sc_vector_subcore>, window_params = [{transform_indices = #map}, {transform_indices = #map1}, {transform_indices = #map1}]} {
    %mul3A = arith.constant 2 : i32
    %mul3A_0 = arith.muli %arg1, %mul3A : i32
    %add3A = arith.addi %mul3A_0, %arg0 : i32
    %mul3A_1 = arith.constant 10000 : i32
    %mul3A_2 = arith.muli %add3A, %mul3A_1 : i32
    "tpu.region"() ({
      %run_scoped3A = tpu.sem_alloc : memref<!tpu.dma_semaphore, #tpu.memory_space<semaphore_mem>>
      %dma_start3A = tpu.memref_slice %arg2[%mul3A_2] : memref<320000xi32, #tpu.memory_space<hbm>> -> memref<10000xi32, #tpu.memory_space<hbm>>
      %dma_start3A_8 = tpu.memref_slice %arg2[%mul3A_2] : memref<320000xi32, #tpu.memory_space<hbm>> -> memref<10000xi32, #tpu.memory_space<hbm>>
      tpu.enqueue_dma source(%dma_start3A_8 : memref<10000xi32, #tpu.memory_space<hbm>>) target(%arg5 : memref<10000xi32, #tpu.memory_space<vmem>>) target_semaphore(%run_scoped3A : memref<!tpu.dma_semaphore, #tpu.memory_space<semaphore_mem>>)
      %dma_wait3A = tpu.memref_slice %arg2[%mul3A_2] : memref<320000xi32, #tpu.memory_space<hbm>> -> memref<10000xi32, #tpu.memory_space<hbm>>
      %dma_wait3A_9 = tpu.memref_slice %arg2[%mul3A_2] : memref<320000xi32, #tpu.memory_space<hbm>> -> memref<10000xi32, #tpu.memory_space<hbm>>
      tpu.wait_dma2 semaphore(%run_scoped3A : memref<!tpu.dma_semaphore, #tpu.memory_space<semaphore_mem>>) src(%dma_wait3A_9 : memref<10000xi32, #tpu.memory_space<hbm>>) dst(%arg5 : memref<10000xi32, #tpu.memory_space<vmem>>)
      tpu.yield
    }) : () -> ()
    %scan3A = arith.constant 0 : i32
    %scan3A_3 = arith.constant 0 : i32
    %scan3A_4 = arith.constant 125 : i32
    %scan3A_5 = arith.addi %scan3A_3, %scan3A_4 : i32
    %scan3A_6 = arith.constant 1 : i32
    scf.for %scan3A_8 = %scan3A_3 to %scan3A_5 step %scan3A_6  : i32 {
      %mul3A_9 = arith.constant 80 : i32
      %mul3A_10 = arith.muli %scan3A_8, %mul3A_9 : i32
      %dma_start3A = tpu.memref_slice %arg5[%mul3A_10] : memref<10000xi32, #tpu.memory_space<vmem>> -> memref<80xi32, #tpu.memory_space<vmem>>
      %dma_start3A_11 = arith.constant 0 : i32
      %dma_start3A_12 = arith.constant 0 : i32
      %dma_start3A_13 = tpu.memref_slice %arg3[%dma_start3A_11, %dma_start3A_12] : memref<16000x128xf32, #tpu.memory_space<hbm>> -> memref<16000x128xf32, #tpu.memory_space<hbm>>
      tpu.enqueue_indirect_dma source(%dma_start3A_13 : memref<16000x128xf32, #tpu.memory_space<hbm>>) target(%arg6 : memref<80x128xf32, #tpu.memory_space<vmem>>) offsets(%dma_start3A : memref<80xi32, #tpu.memory_space<vmem>>) semaphore(%arg7 : memref<!tpu.dma_semaphore, #tpu.memory_space<semaphore_mem>>)
      %dma_wait3A = tpu.memref_slice %arg5[%mul3A_10] : memref<10000xi32, #tpu.memory_space<vmem>> -> memref<80xi32, #tpu.memory_space<vmem>>
      %dma_wait3A_14 = arith.constant 0 : i32
      %dma_wait3A_15 = arith.constant 0 : i32
      %dma_wait3A_16 = tpu.memref_slice %arg3[%dma_wait3A_14, %dma_wait3A_15] : memref<16000x128xf32, #tpu.memory_space<hbm>> -> memref<16000x128xf32, #tpu.memory_space<hbm>>
      tpu.wait_indirect_dma semaphore(%arg7 : memref<!tpu.dma_semaphore, #tpu.memory_space<semaphore_mem>>) src(%dma_wait3A_16 : memref<16000x128xf32, #tpu.memory_space<hbm>>) dst(%arg6 : memref<80x128xf32, #tpu.memory_space<vmem>>)
      %mul3A_17 = arith.constant 80 : i32
      %mul3A_18 = arith.muli %scan3A_8, %mul3A_17 : i32
      %add3A_19 = arith.addi %mul3A_2, %mul3A_18 : i32
      "tpu.region"() ({
        %run_scoped3A = tpu.sem_alloc : memref<!tpu.dma_semaphore, #tpu.memory_space<semaphore_mem>>
        %dma_start3A_20 = arith.constant 0 : i32
        %dma_start3A_21 = tpu.memref_slice %arg4[%add3A_19, %dma_start3A_20] : memref<320000x128xf32, #tpu.memory_space<hbm>> -> memref<80x128xf32, #tpu.memory_space<hbm>>
        %dma_start3A_22 = arith.constant 0 : i32
        %dma_start3A_23 = tpu.memref_slice %arg4[%add3A_19, %dma_start3A_22] : memref<320000x128xf32, #tpu.memory_space<hbm>> -> memref<80x128xf32, #tpu.memory_space<hbm>>
        tpu.enqueue_dma source(%arg6 : memref<80x128xf32, #tpu.memory_space<vmem>>) target(%dma_start3A_23 : memref<80x128xf32, #tpu.memory_space<hbm>>) target_semaphore(%run_scoped3A : memref<!tpu.dma_semaphore, #tpu.memory_space<semaphore_mem>>)
        %dma_wait3A_24 = arith.constant 0 : i32
        %dma_wait3A_25 = tpu.memref_slice %arg4[%add3A_19, %dma_wait3A_24] : memref<320000x128xf32, #tpu.memory_space<hbm>> -> memref<80x128xf32, #tpu.memory_space<hbm>>
        %dma_wait3A_26 = arith.constant 0 : i32
        %dma_wait3A_27 = tpu.memref_slice %arg4[%add3A_19, %dma_wait3A_26] : memref<320000x128xf32, #tpu.memory_space<hbm>> -> memref<80x128xf32, #tpu.memory_space<hbm>>
        tpu.wait_dma2 semaphore(%run_scoped3A : memref<!tpu.dma_semaphore, #tpu.memory_space<semaphore_mem>>) src(%arg6 : memref<80x128xf32, #tpu.memory_space<vmem>>) dst(%dma_wait3A_27 : memref<80x128xf32, #tpu.memory_space<hbm>>)
        tpu.yield
      }) : () -> ()
    }
    %scan3A_7 = arith.constant 125 : i32
    return
  }
}

module attributes {stable_mosaic.version = 14 : i64} {
  func.func @_conv1_body(%arg0: i32, %arg1: memref<1x4x2000xf32, #tpu.memory_space<vmem>>, %arg2: memref<64x4xf32, #tpu.memory_space<vmem>>, %arg3: memref<1x64xf32, #tpu.memory_space<vmem>>, %arg4: memref<1x2000x64xf32, #tpu.memory_space<vmem>>) attributes {dimension_semantics = [#tpu.dimension_semantics<arbitrary>], iteration_bounds = array<i64: 8>, scalar_prefetch = 0 : i64, scratch_operands = 0 : i64, tpu.core_type = #tpu.core_type<tc>, window_params = [{transform_indices = @transform_0, window_bounds = array<i64: 1, 4, 2000>}, {pipeline_mode = #tpu.pipeline_mode<synchronous>, transform_indices = @transform_1, window_bounds = array<i64: 64, 4>}, {pipeline_mode = #tpu.pipeline_mode<synchronous>, transform_indices = @transform_2, window_bounds = array<i64: 1, 64>}, {transform_indices = @transform_3, window_bounds = array<i64: 1, 2000, 64>}]} {
    %get3A = arith.constant 0 : index
    %get3A_0 = arith.constant 0 : index
    %get3A_1 = arith.constant 0 : index
    %get3A_2 = vector.load %arg1[%get3A, %get3A_0, %get3A_1] : memref<1x4x2000xf32, #tpu.memory_space<vmem>>, vector<1x4x2000xf32>
    %get3A_3 = vector.shape_cast %get3A_2 : vector<1x4x2000xf32> to vector<4x2000xf32>
    %get3A_4 = arith.constant 0 : index
    %get3A_5 = arith.constant 0 : index
    %get3A_6 = vector.load %arg2[%get3A_4, %get3A_5] : memref<64x4xf32, #tpu.memory_space<vmem>>, vector<64x4xf32>
    %dot_general3A = arith.constant dense<0.000000e+00> : vector<2000x64xf32>
    %dot_general3A_7 = tpu.matmul %get3A_3, %get3A_6, %dot_general3A {dimension_numbers = #tpu.dot_dimension_numbers<[0], [1], [1], [0], [0, 1, 1, 0], [], []>, transpose_lhs_hint = false} : vector<4x2000xf32>, vector<64x4xf32>, vector<2000x64xf32> -> vector<2000x64xf32>
    %get3A_8 = arith.constant 0 : index
    %get3A_9 = arith.constant 0 : index
    %get3A_10 = vector.load %arg3[%get3A_8, %get3A_9] : memref<1x64xf32, #tpu.memory_space<vmem>>, vector<1x64xf32>
    %add3A = vector.broadcast %get3A_10 : vector<1x64xf32> to vector<2000x64xf32>
    %add3A_11 = arith.addf %dot_general3A_7, %add3A : vector<2000x64xf32>
    %swap3A = arith.constant 0 : index
    %swap3A_12 = arith.constant 0 : index
    %swap3A_13 = arith.constant 0 : index
    %swap3A_14 = vector.load %arg4[%swap3A, %swap3A_12, %swap3A_13] : memref<1x2000x64xf32, #tpu.memory_space<vmem>>, vector<1x2000x64xf32>
    %swap3A_15 = vector.shape_cast %swap3A_14 : vector<1x2000x64xf32> to vector<2000x64xf32>
    %swap3A_16 = vector.shape_cast %add3A_11 : vector<2000x64xf32> to vector<1x2000x64xf32>
    tpu.vector_store %arg4[%swap3A, %swap3A_12, %swap3A_13], %swap3A_16 {strides = array<i32>} : memref<1x2000x64xf32, #tpu.memory_space<vmem>>, vector<1x2000x64xf32>,
    return
  }
  func.func @transform_0(%arg0: i32) -> (i32, i32, i32) {
    %c0_i32 = arith.constant 0 : i32
    %c0_i32_0 = arith.constant 0 : i32
    %c0_i32_1 = arith.constant 0 : i32
    return %arg0, %c0_i32, %c0_i32_0 : i32, i32, i32
  }
  func.func @transform_1(%arg0: i32) -> (i32, i32) {
    %c0_i32 = arith.constant 0 : i32
    %c0_i32_0 = arith.constant 0 : i32
    %c0_i32_1 = arith.constant 0 : i32
    return %c0_i32, %c0_i32_0 : i32, i32
  }
  func.func @transform_2(%arg0: i32) -> (i32, i32) {
    %c0_i32 = arith.constant 0 : i32
    %c0_i32_0 = arith.constant 0 : i32
    %c0_i32_1 = arith.constant 0 : i32
    return %c0_i32, %c0_i32_0 : i32, i32
  }
  func.func @transform_3(%arg0: i32) -> (i32, i32, i32) {
    %c0_i32 = arith.constant 0 : i32
    %c0_i32_0 = arith.constant 0 : i32
    %c0_i32_1 = arith.constant 0 : i32
    return %arg0, %c0_i32, %c0_i32_0 : i32, i32, i32
  }
}

module attributes {stable_mosaic.version = 14 : i64} {
  func.func @_knn_body(%arg0: i32, %arg1: i32, %arg2: memref<1x400x64xf32, #tpu.memory_space<vmem>>, %arg3: memref<1x64x2000xf32, #tpu.memory_space<vmem>>, %arg4: memref<1x400x20xi32, #tpu.memory_space<vmem>>) attributes {dimension_semantics = [#tpu.dimension_semantics<arbitrary>, #tpu.dimension_semantics<arbitrary>], iteration_bounds = array<i64: 8, 5>, scalar_prefetch = 0 : i64, scratch_operands = 0 : i64, tpu.core_type = #tpu.core_type<tc>, window_params = [{transform_indices = @transform_0, window_bounds = array<i64: 1, 400, 64>}, {transform_indices = @transform_1, window_bounds = array<i64: 1, 64, 2000>}, {transform_indices = @transform_2, window_bounds = array<i64: 1, 400, 20>}]} {
    %get3A = arith.constant 0 : index
    %get3A_0 = arith.constant 0 : index
    %get3A_1 = arith.constant 0 : index
    %get3A_2 = vector.load %arg2[%get3A, %get3A_0, %get3A_1] : memref<1x400x64xf32, #tpu.memory_space<vmem>>, vector<1x400x64xf32>
    %get3A_3 = vector.shape_cast %get3A_2 : vector<1x400x64xf32> to vector<400x64xf32>
    %get3A_4 = arith.constant 0 : index
    %get3A_5 = arith.constant 0 : index
    %get3A_6 = arith.constant 0 : index
    %get3A_7 = vector.load %arg3[%get3A_4, %get3A_5, %get3A_6] : memref<1x64x2000xf32, #tpu.memory_space<vmem>>, vector<1x64x2000xf32>
    %get3A_8 = vector.shape_cast %get3A_7 : vector<1x64x2000xf32> to vector<64x2000xf32>
    %mul3A = arith.mulf %get3A_3, %get3A_3 : vector<400x64xf32>
    %reduce_sum3A = arith.constant dense<0.000000e+00> : vector<400xf32>
    %reduce_sum3A_9 = vector.multi_reduction <add>, %mul3A, %reduce_sum3A [1] : vector<400x64xf32> to vector<400xf32>
    %broadcast_in_dim3A = vector.shape_cast %reduce_sum3A_9 : vector<400xf32> to vector<400x1xf32>
    %mul3A_10 = arith.mulf %get3A_8, %get3A_8 : vector<64x2000xf32>
    %reduce_sum3A_11 = arith.constant dense<0.000000e+00> : vector<2000xf32>
    %reduce_sum3A_12 = vector.multi_reduction <add>, %mul3A_10, %reduce_sum3A_11 [0] : vector<64x2000xf32> to vector<2000xf32>
    %broadcast_in_dim3A_13 = vector.shape_cast %reduce_sum3A_12 : vector<2000xf32> to vector<1x2000xf32>
    %dot_general3A = arith.constant dense<0.000000e+00> : vector<400x2000xf32>
    %dot_general3A_14 = tpu.matmul %get3A_3, %get3A_8, %dot_general3A {dimension_numbers = #tpu.dot_dimension_numbers<[1], [0], [0], [1], [0, 0, 1, 1], [], []>, transpose_lhs_hint = false} : vector<400x64xf32>, vector<64x2000xf32>, vector<400x2000xf32> -> vector<400x2000xf32>
    %mul3A_15 = arith.constant 2.000000e+00 : f32
    %mul3A_16 = vector.broadcast %mul3A_15 : f32 to vector<400x2000xf32>
    %mul3A_17 = arith.mulf %mul3A_16, %dot_general3A_14 : vector<400x2000xf32>
    %sub3A = vector.broadcast %broadcast_in_dim3A : vector<400x1xf32> to vector<400x2000xf32>
    %sub3A_18 = arith.subf %mul3A_17, %sub3A : vector<400x2000xf32>
    %sub3A_19 = vector.broadcast %broadcast_in_dim3A_13 : vector<1x2000xf32> to vector<400x2000xf32>
    %sub3A_20 = arith.subf %sub3A_18, %sub3A_19 : vector<400x2000xf32>
    %iota3A = tpu.iota {dimensions = array<i32: 1>} : vector<400x2000xi32>
    %reduce_max3A = arith.constant dense<0xFF800000> : vector<400xf32>
    %reduce_max3A_21 = vector.multi_reduction <maximumf>, %sub3A_20, %reduce_max3A [1] : vector<400x2000xf32> to vector<400xf32>
    %broadcast_in_dim3A_22 = vector.shape_cast %reduce_max3A_21 : vector<400xf32> to vector<400x1xf32>
    %ge3A = vector.broadcast %broadcast_in_dim3A_22 : vector<400x1xf32> to vector<400x2000xf32>
    %ge3A_23 = arith.cmpf oge, %sub3A_20, %ge3A : vector<400x2000xf32>
    %jit3A = arith.constant 2000 : i32
    %broadcast_in_dim3A_24 = vector.broadcast %jit3A : i32 to vector<400x2000xi32>
    %select_n3A = arith.select %ge3A_23, %iota3A, %broadcast_in_dim3A_24 : vector<400x2000xi1>, vector<400x2000xi32>
    %reduce_min3A = arith.constant dense<2147483647> : vector<400xi32>
    %reduce_min3A_25 = vector.multi_reduction <minsi>, %select_n3A, %reduce_min3A [1] : vector<400x2000xi32> to vector<400xi32>
    %broadcast_in_dim3A_26 = vector.shape_cast %reduce_min3A_25 : vector<400xi32> to vector<400x1xi32>
    %eq3A = vector.broadcast %broadcast_in_dim3A_26 : vector<400x1xi32> to vector<400x2000xi32>
    %eq3A_27 = arith.cmpi eq, %iota3A, %eq3A : vector<400x2000xi32>
    %jit3A_28 = arith.constant -3.000000e+38 : f32
    %broadcast_in_dim3A_29 = vector.broadcast %jit3A_28 : f32 to vector<400x2000xf32>
    %select_n3A_30 = arith.select %eq3A_27, %broadcast_in_dim3A_29, %sub3A_20 : vector<400x2000xi1>, vector<400x2000xf32>
    %reduce_max3A_31 = arith.constant dense<0xFF800000> : vector<400xf32>
    %reduce_max3A_32 = vector.multi_reduction <maximumf>, %select_n3A_30, %reduce_max3A_31 [1] : vector<400x2000xf32> to vector<400xf32>
    %broadcast_in_dim3A_33 = vector.shape_cast %reduce_max3A_32 : vector<400xf32> to vector<400x1xf32>
    %ge3A_34 = vector.broadcast %broadcast_in_dim3A_33 : vector<400x1xf32> to vector<400x2000xf32>
    %ge3A_35 = arith.cmpf oge, %select_n3A_30, %ge3A_34 : vector<400x2000xf32>
    %jit3A_36 = arith.constant 2000 : i32
    %broadcast_in_dim3A_37 = vector.broadcast %jit3A_36 : i32 to vector<400x2000xi32>
    %select_n3A_38 = arith.select %ge3A_35, %iota3A, %broadcast_in_dim3A_37 : vector<400x2000xi1>, vector<400x2000xi32>
    %reduce_min3A_39 = arith.constant dense<2147483647> : vector<400xi32>
    %reduce_min3A_40 = vector.multi_reduction <minsi>, %select_n3A_38, %reduce_min3A_39 [1] : vector<400x2000xi32> to vector<400xi32>
    %broadcast_in_dim3A_41 = vector.shape_cast %reduce_min3A_40 : vector<400xi32> to vector<400x1xi32>
    %eq3A_42 = vector.broadcast %broadcast_in_dim3A_41 : vector<400x1xi32> to vector<400x2000xi32>
    %eq3A_43 = arith.cmpi eq, %iota3A, %eq3A_42 : vector<400x2000xi32>
    %jit3A_44 = arith.constant -3.000000e+38 : f32
    %broadcast_in_dim3A_45 = vector.broadcast %jit3A_44 : f32 to vector<400x2000xf32>
    %select_n3A_46 = arith.select %eq3A_43, %broadcast_in_dim3A_45, %select_n3A_30 : vector<400x2000xi1>, vector<400x2000xf32>
    %reduce_max3A_47 = arith.constant dense<0xFF800000> : vector<400xf32>
    %reduce_max3A_48 = vector.multi_reduction <maximumf>, %select_n3A_46, %reduce_max3A_47 [1] : vector<400x2000xf32> to vector<400xf32>
    %broadcast_in_dim3A_49 = vector.shape_cast %reduce_max3A_48 : vector<400xf32> to vector<400x1xf32>
    %ge3A_50 = vector.broadcast %broadcast_in_dim3A_49 : vector<400x1xf32> to vector<400x2000xf32>
    %ge3A_51 = arith.cmpf oge, %select_n3A_46, %ge3A_50 : vector<400x2000xf32>
    %jit3A_52 = arith.constant 2000 : i32
    %broadcast_in_dim3A_53 = vector.broadcast %jit3A_52 : i32 to vector<400x2000xi32>
    %select_n3A_54 = arith.select %ge3A_51, %iota3A, %broadcast_in_dim3A_53 : vector<400x2000xi1>, vector<400x2000xi32>
    %reduce_min3A_55 = arith.constant dense<2147483647> : vector<400xi32>
    %reduce_min3A_56 = vector.multi_reduction <minsi>, %select_n3A_54, %reduce_min3A_55 [1] : vector<400x2000xi32> to vector<400xi32>
    %broadcast_in_dim3A_57 = vector.shape_cast %reduce_min3A_56 : vector<400xi32> to vector<400x1xi32>
    %eq3A_58 = vector.broadcast %broadcast_in_dim3A_57 : vector<400x1xi32> to vector<400x2000xi32>
    %eq3A_59 = arith.cmpi eq, %iota3A, %eq3A_58 : vector<400x2000xi32>
    %jit3A_60 = arith.constant -3.000000e+38 : f32
    %broadcast_in_dim3A_61 = vector.broadcast %jit3A_60 : f32 to vector<400x2000xf32>
    %select_n3A_62 = arith.select %eq3A_59, %broadcast_in_dim3A_61, %select_n3A_46 : vector<400x2000xi1>, vector<400x2000xf32>
    %reduce_max3A_63 = arith.constant dense<0xFF800000> : vector<400xf32>
    %reduce_max3A_64 = vector.multi_reduction <maximumf>, %select_n3A_62, %reduce_max3A_63 [1] : vector<400x2000xf32> to vector<400xf32>
    %broadcast_in_dim3A_65 = vector.shape_cast %reduce_max3A_64 : vector<400xf32> to vector<400x1xf32>
    %ge3A_66 = vector.broadcast %broadcast_in_dim3A_65 : vector<400x1xf32> to vector<400x2000xf32>
    %ge3A_67 = arith.cmpf oge, %select_n3A_62, %ge3A_66 : vector<400x2000xf32>
    %jit3A_68 = arith.constant 2000 : i32
    %broadcast_in_dim3A_69 = vector.broadcast %jit3A_68 : i32 to vector<400x2000xi32>
    %select_n3A_70 = arith.select %ge3A_67, %iota3A, %broadcast_in_dim3A_69 : vector<400x2000xi1>, vector<400x2000xi32>
    %reduce_min3A_71 = arith.constant dense<2147483647> : vector<400xi32>
    %reduce_min3A_72 = vector.multi_reduction <minsi>, %select_n3A_70, %reduce_min3A_71 [1] : vector<400x2000xi32> to vector<400xi32>
    %broadcast_in_dim3A_73 = vector.shape_cast %reduce_min3A_72 : vector<400xi32> to vector<400x1xi32>
    %eq3A_74 = vector.broadcast %broadcast_in_dim3A_73 : vector<400x1xi32> to vector<400x2000xi32>
    %eq3A_75 = arith.cmpi eq, %iota3A, %eq3A_74 : vector<400x2000xi32>
    %jit3A_76 = arith.constant -3.000000e+38 : f32
    %broadcast_in_dim3A_77 = vector.broadcast %jit3A_76 : f32 to vector<400x2000xf32>
    %select_n3A_78 = arith.select %eq3A_75, %broadcast_in_dim3A_77, %select_n3A_62 : vector<400x2000xi1>, vector<400x2000xf32>
    %reduce_max3A_79 = arith.constant dense<0xFF800000> : vector<400xf32>
    %reduce_max3A_80 = vector.multi_reduction <maximumf>, %select_n3A_78, %reduce_max3A_79 [1] : vector<400x2000xf32> to vector<400xf32>
    %broadcast_in_dim3A_81 = vector.shape_cast %reduce_max3A_80 : vector<400xf32> to vector<400x1xf32>
    %ge3A_82 = vector.broadcast %broadcast_in_dim3A_81 : vector<400x1xf32> to vector<400x2000xf32>
    %ge3A_83 = arith.cmpf oge, %select_n3A_78, %ge3A_82 : vector<400x2000xf32>
    %jit3A_84 = arith.constant 2000 : i32
    %broadcast_in_dim3A_85 = vector.broadcast %jit3A_84 : i32 to vector<400x2000xi32>
    %select_n3A_86 = arith.select %ge3A_83, %iota3A, %broadcast_in_dim3A_85 : vector<400x2000xi1>, vector<400x2000xi32>
    %reduce_min3A_87 = arith.constant dense<2147483647> : vector<400xi32>
    %reduce_min3A_88 = vector.multi_reduction <minsi>, %select_n3A_86, %reduce_min3A_87 [1] : vector<400x2000xi32> to vector<400xi32>
    %broadcast_in_dim3A_89 = vector.shape_cast %reduce_min3A_88 : vector<400xi32> to vector<400x1xi32>
    %eq3A_90 = vector.broadcast %broadcast_in_dim3A_89 : vector<400x1xi32> to vector<400x2000xi32>
    %eq3A_91 = arith.cmpi eq, %iota3A, %eq3A_90 : vector<400x2000xi32>
    %jit3A_92 = arith.constant -3.000000e+38 : f32
    %broadcast_in_dim3A_93 = vector.broadcast %jit3A_92 : f32 to vector<400x2000xf32>
    %select_n3A_94 = arith.select %eq3A_91, %broadcast_in_dim3A_93, %select_n3A_78 : vector<400x2000xi1>, vector<400x2000xf32>
    %reduce_max3A_95 = arith.constant dense<0xFF800000> : vector<400xf32>
    %reduce_max3A_96 = vector.multi_reduction <maximumf>, %select_n3A_94, %reduce_max3A_95 [1] : vector<400x2000xf32> to vector<400xf32>
    %broadcast_in_dim3A_97 = vector.shape_cast %reduce_max3A_96 : vector<400xf32> to vector<400x1xf32>
    %ge3A_98 = vector.broadcast %broadcast_in_dim3A_97 : vector<400x1xf32> to vector<400x2000xf32>
    %ge3A_99 = arith.cmpf oge, %select_n3A_94, %ge3A_98 : vector<400x2000xf32>
    %jit3A_100 = arith.constant 2000 : i32
    %broadcast_in_dim3A_101 = vector.broadcast %jit3A_100 : i32 to vector<400x2000xi32>
    %select_n3A_102 = arith.select %ge3A_99, %iota3A, %broadcast_in_dim3A_101 : vector<400x2000xi1>, vector<400x2000xi32>
    %reduce_min3A_103 = arith.constant dense<2147483647> : vector<400xi32>
    %reduce_min3A_104 = vector.multi_reduction <minsi>, %select_n3A_102, %reduce_min3A_103 [1] : vector<400x2000xi32> to vector<400xi32>
    %broadcast_in_dim3A_105 = vector.shape_cast %reduce_min3A_104 : vector<400xi32> to vector<400x1xi32>
    %eq3A_106 = vector.broadcast %broadcast_in_dim3A_105 : vector<400x1xi32> to vector<400x2000xi32>
    %eq3A_107 = arith.cmpi eq, %iota3A, %eq3A_106 : vector<400x2000xi32>
    %jit3A_108 = arith.constant -3.000000e+38 : f32
    %broadcast_in_dim3A_109 = vector.broadcast %jit3A_108 : f32 to vector<400x2000xf32>
    %select_n3A_110 = arith.select %eq3A_107, %broadcast_in_dim3A_109, %select_n3A_94 : vector<400x2000xi1>, vector<400x2000xf32>
    %reduce_max3A_111 = arith.constant dense<0xFF800000> : vector<400xf32>
    %reduce_max3A_112 = vector.multi_reduction <maximumf>, %select_n3A_110, %reduce_max3A_111 [1] : vector<400x2000xf32> to vector<400xf32>
    %broadcast_in_dim3A_113 = vector.shape_cast %reduce_max3A_112 : vector<400xf32> to vector<400x1xf32>
    %ge3A_114 = vector.broadcast %broadcast_in_dim3A_113 : vector<400x1xf32> to vector<400x2000xf32>
    %ge3A_115 = arith.cmpf oge, %select_n3A_110, %ge3A_114 : vector<400x2000xf32>
    %jit3A_116 = arith.constant 2000 : i32
    %broadcast_in_dim3A_117 = vector.broadcast %jit3A_116 : i32 to vector<400x2000xi32>
    %select_n3A_118 = arith.select %ge3A_115, %iota3A, %broadcast_in_dim3A_117 : vector<400x2000xi1>, vector<400x2000xi32>
    %reduce_min3A_119 = arith.constant dense<2147483647> : vector<400xi32>
    %reduce_min3A_120 = vector.multi_reduction <minsi>, %select_n3A_118, %reduce_min3A_119 [1] : vector<400x2000xi32> to vector<400xi32>
    %broadcast_in_dim3A_121 = vector.shape_cast %reduce_min3A_120 : vector<400xi32> to vector<400x1xi32>
    %eq3A_122 = vector.broadcast %broadcast_in_dim3A_121 : vector<400x1xi32> to vector<400x2000xi32>
    %eq3A_123 = arith.cmpi eq, %iota3A, %eq3A_122 : vector<400x2000xi32>
    %jit3A_124 = arith.constant -3.000000e+38 : f32
    %broadcast_in_dim3A_125 = vector.broadcast %jit3A_124 : f32 to vector<400x2000xf32>
    %select_n3A_126 = arith.select %eq3A_123, %broadcast_in_dim3A_125, %select_n3A_110 : vector<400x2000xi1>, vector<400x2000xf32>
    %reduce_max3A_127 = arith.constant dense<0xFF800000> : vector<400xf32>
    %reduce_max3A_128 = vector.multi_reduction <maximumf>, %select_n3A_126, %reduce_max3A_127 [1] : vector<400x2000xf32> to vector<400xf32>
    %broadcast_in_dim3A_129 = vector.shape_cast %reduce_max3A_128 : vector<400xf32> to vector<400x1xf32>
    %ge3A_130 = vector.broadcast %broadcast_in_dim3A_129 : vector<400x1xf32> to vector<400x2000xf32>
    %ge3A_131 = arith.cmpf oge, %select_n3A_126, %ge3A_130 : vector<400x2000xf32>
    %jit3A_132 = arith.constant 2000 : i32
    %broadcast_in_dim3A_133 = vector.broadcast %jit3A_132 : i32 to vector<400x2000xi32>
    %select_n3A_134 = arith.select %ge3A_131, %iota3A, %broadcast_in_dim3A_133 : vector<400x2000xi1>, vector<400x2000xi32>
    %reduce_min3A_135 = arith.constant dense<2147483647> : vector<400xi32>
    %reduce_min3A_136 = vector.multi_reduction <minsi>, %select_n3A_134, %reduce_min3A_135 [1] : vector<400x2000xi32> to vector<400xi32>
    %broadcast_in_dim3A_137 = vector.shape_cast %reduce_min3A_136 : vector<400xi32> to vector<400x1xi32>
    %eq3A_138 = vector.broadcast %broadcast_in_dim3A_137 : vector<400x1xi32> to vector<400x2000xi32>
    %eq3A_139 = arith.cmpi eq, %iota3A, %eq3A_138 : vector<400x2000xi32>
    %jit3A_140 = arith.constant -3.000000e+38 : f32
    %broadcast_in_dim3A_141 = vector.broadcast %jit3A_140 : f32 to vector<400x2000xf32>
    %select_n3A_142 = arith.select %eq3A_139, %broadcast_in_dim3A_141, %select_n3A_126 : vector<400x2000xi1>, vector<400x2000xf32>
    %reduce_max3A_143 = arith.constant dense<0xFF800000> : vector<400xf32>
    %reduce_max3A_144 = vector.multi_reduction <maximumf>, %select_n3A_142, %reduce_max3A_143 [1] : vector<400x2000xf32> to vector<400xf32>
    %broadcast_in_dim3A_145 = vector.shape_cast %reduce_max3A_144 : vector<400xf32> to vector<400x1xf32>
    %ge3A_146 = vector.broadcast %broadcast_in_dim3A_145 : vector<400x1xf32> to vector<400x2000xf32>
    %ge3A_147 = arith.cmpf oge, %select_n3A_142, %ge3A_146 : vector<400x2000xf32>
    %jit3A_148 = arith.constant 2000 : i32
    %broadcast_in_dim3A_149 = vector.broadcast %jit3A_148 : i32 to vector<400x2000xi32>
    %select_n3A_150 = arith.select %ge3A_147, %iota3A, %broadcast_in_dim3A_149 : vector<400x2000xi1>, vector<400x2000xi32>
    %reduce_min3A_151 = arith.constant dense<2147483647> : vector<400xi32>
    %reduce_min3A_152 = vector.multi_reduction <minsi>, %select_n3A_150, %reduce_min3A_151 [1] : vector<400x2000xi32> to vector<400xi32>
    %broadcast_in_dim3A_153 = vector.shape_cast %reduce_min3A_152 : vector<400xi32> to vector<400x1xi32>
    %eq3A_154 = vector.broadcast %broadcast_in_dim3A_153 : vector<400x1xi32> to vector<400x2000xi32>
    %eq3A_155 = arith.cmpi eq, %iota3A, %eq3A_154 : vector<400x2000xi32>
    %jit3A_156 = arith.constant -3.000000e+38 : f32
    %broadcast_in_dim3A_157 = vector.broadcast %jit3A_156 : f32 to vector<400x2000xf32>
    %select_n3A_158 = arith.select %eq3A_155, %broadcast_in_dim3A_157, %select_n3A_142 : vector<400x2000xi1>, vector<400x2000xf32>
    %reduce_max3A_159 = arith.constant dense<0xFF800000> : vector<400xf32>
    %reduce_max3A_160 = vector.multi_reduction <maximumf>, %select_n3A_158, %reduce_max3A_159 [1] : vector<400x2000xf32> to vector<400xf32>
    %broadcast_in_dim3A_161 = vector.shape_cast %reduce_max3A_160 : vector<400xf32> to vector<400x1xf32>
    %ge3A_162 = vector.broadcast %broadcast_in_dim3A_161 : vector<400x1xf32> to vector<400x2000xf32>
    %ge3A_163 = arith.cmpf oge, %select_n3A_158, %ge3A_162 : vector<400x2000xf32>
    %jit3A_164 = arith.constant 2000 : i32
    %broadcast_in_dim3A_165 = vector.broadcast %jit3A_164 : i32 to vector<400x2000xi32>
    %select_n3A_166 = arith.select %ge3A_163, %iota3A, %broadcast_in_dim3A_165 : vector<400x2000xi1>, vector<400x2000xi32>
    %reduce_min3A_167 = arith.constant dense<2147483647> : vector<400xi32>
    %reduce_min3A_168 = vector.multi_reduction <minsi>, %select_n3A_166, %reduce_min3A_167 [1] : vector<400x2000xi32> to vector<400xi32>
    %broadcast_in_dim3A_169 = vector.shape_cast %reduce_min3A_168 : vector<400xi32> to vector<400x1xi32>
    %eq3A_170 = vector.broadcast %broadcast_in_dim3A_169 : vector<400x1xi32> to vector<400x2000xi32>
    %eq3A_171 = arith.cmpi eq, %iota3A, %eq3A_170 : vector<400x2000xi32>
    %jit3A_172 = arith.constant -3.000000e+38 : f32
    %broadcast_in_dim3A_173 = vector.broadcast %jit3A_172 : f32 to vector<400x2000xf32>
    %select_n3A_174 = arith.select %eq3A_171, %broadcast_in_dim3A_173, %select_n3A_158 : vector<400x2000xi1>, vector<400x2000xf32>
    %reduce_max3A_175 = arith.constant dense<0xFF800000> : vector<400xf32>
    %reduce_max3A_176 = vector.multi_reduction <maximumf>, %select_n3A_174, %reduce_max3A_175 [1] : vector<400x2000xf32> to vector<400xf32>
    %broadcast_in_dim3A_177 = vector.shape_cast %reduce_max3A_176 : vector<400xf32> to vector<400x1xf32>
    %ge3A_178 = vector.broadcast %broadcast_in_dim3A_177 : vector<400x1xf32> to vector<400x2000xf32>
    %ge3A_179 = arith.cmpf oge, %select_n3A_174, %ge3A_178 : vector<400x2000xf32>
    %jit3A_180 = arith.constant 2000 : i32
    %broadcast_in_dim3A_181 = vector.broadcast %jit3A_180 : i32 to vector<400x2000xi32>
    %select_n3A_182 = arith.select %ge3A_179, %iota3A, %broadcast_in_dim3A_181 : vector<400x2000xi1>, vector<400x2000xi32>
    %reduce_min3A_183 = arith.constant dense<2147483647> : vector<400xi32>
    %reduce_min3A_184 = vector.multi_reduction <minsi>, %select_n3A_182, %reduce_min3A_183 [1] : vector<400x2000xi32> to vector<400xi32>
    %broadcast_in_dim3A_185 = vector.shape_cast %reduce_min3A_184 : vector<400xi32> to vector<400x1xi32>
    %eq3A_186 = vector.broadcast %broadcast_in_dim3A_185 : vector<400x1xi32> to vector<400x2000xi32>
    %eq3A_187 = arith.cmpi eq, %iota3A, %eq3A_186 : vector<400x2000xi32>
    %jit3A_188 = arith.constant -3.000000e+38 : f32
    %broadcast_in_dim3A_189 = vector.broadcast %jit3A_188 : f32 to vector<400x2000xf32>
    %select_n3A_190 = arith.select %eq3A_187, %broadcast_in_dim3A_189, %select_n3A_174 : vector<400x2000xi1>, vector<400x2000xf32>
    %reduce_max3A_191 = arith.constant dense<0xFF800000> : vector<400xf32>
    %reduce_max3A_192 = vector.multi_reduction <maximumf>, %select_n3A_190, %reduce_max3A_191 [1] : vector<400x2000xf32> to vector<400xf32>
    %broadcast_in_dim3A_193 = vector.shape_cast %reduce_max3A_192 : vector<400xf32> to vector<400x1xf32>
    %ge3A_194 = vector.broadcast %broadcast_in_dim3A_193 : vector<400x1xf32> to vector<400x2000xf32>
    %ge3A_195 = arith.cmpf oge, %select_n3A_190, %ge3A_194 : vector<400x2000xf32>
    %jit3A_196 = arith.constant 2000 : i32
    %broadcast_in_dim3A_197 = vector.broadcast %jit3A_196 : i32 to vector<400x2000xi32>
    %select_n3A_198 = arith.select %ge3A_195, %iota3A, %broadcast_in_dim3A_197 : vector<400x2000xi1>, vector<400x2000xi32>
    %reduce_min3A_199 = arith.constant dense<2147483647> : vector<400xi32>
    %reduce_min3A_200 = vector.multi_reduction <minsi>, %select_n3A_198, %reduce_min3A_199 [1] : vector<400x2000xi32> to vector<400xi32>
    %broadcast_in_dim3A_201 = vector.shape_cast %reduce_min3A_200 : vector<400xi32> to vector<400x1xi32>
    %eq3A_202 = vector.broadcast %broadcast_in_dim3A_201 : vector<400x1xi32> to vector<400x2000xi32>
    %eq3A_203 = arith.cmpi eq, %iota3A, %eq3A_202 : vector<400x2000xi32>
    %jit3A_204 = arith.constant -3.000000e+38 : f32
    %broadcast_in_dim3A_205 = vector.broadcast %jit3A_204 : f32 to vector<400x2000xf32>
    %select_n3A_206 = arith.select %eq3A_203, %broadcast_in_dim3A_205, %select_n3A_190 : vector<400x2000xi1>, vector<400x2000xf32>
    %reduce_max3A_207 = arith.constant dense<0xFF800000> : vector<400xf32>
    %reduce_max3A_208 = vector.multi_reduction <maximumf>, %select_n3A_206, %reduce_max3A_207 [1] : vector<400x2000xf32> to vector<400xf32>
    %broadcast_in_dim3A_209 = vector.shape_cast %reduce_max3A_208 : vector<400xf32> to vector<400x1xf32>
    %ge3A_210 = vector.broadcast %broadcast_in_dim3A_209 : vector<400x1xf32> to vector<400x2000xf32>
    %ge3A_211 = arith.cmpf oge, %select_n3A_206, %ge3A_210 : vector<400x2000xf32>
    %jit3A_212 = arith.constant 2000 : i32
    %broadcast_in_dim3A_213 = vector.broadcast %jit3A_212 : i32 to vector<400x2000xi32>
    %select_n3A_214 = arith.select %ge3A_211, %iota3A, %broadcast_in_dim3A_213 : vector<400x2000xi1>, vector<400x2000xi32>
    %reduce_min3A_215 = arith.constant dense<2147483647> : vector<400xi32>
    %reduce_min3A_216 = vector.multi_reduction <minsi>, %select_n3A_214, %reduce_min3A_215 [1] : vector<400x2000xi32> to vector<400xi32>
    %broadcast_in_dim3A_217 = vector.shape_cast %reduce_min3A_216 : vector<400xi32> to vector<400x1xi32>
    %eq3A_218 = vector.broadcast %broadcast_in_dim3A_217 : vector<400x1xi32> to vector<400x2000xi32>
    %eq3A_219 = arith.cmpi eq, %iota3A, %eq3A_218 : vector<400x2000xi32>
    %jit3A_220 = arith.constant -3.000000e+38 : f32
    %broadcast_in_dim3A_221 = vector.broadcast %jit3A_220 : f32 to vector<400x2000xf32>
    %select_n3A_222 = arith.select %eq3A_219, %broadcast_in_dim3A_221, %select_n3A_206 : vector<400x2000xi1>, vector<400x2000xf32>
    %reduce_max3A_223 = arith.constant dense<0xFF800000> : vector<400xf32>
    %reduce_max3A_224 = vector.multi_reduction <maximumf>, %select_n3A_222, %reduce_max3A_223 [1] : vector<400x2000xf32> to vector<400xf32>
    %broadcast_in_dim3A_225 = vector.shape_cast %reduce_max3A_224 : vector<400xf32> to vector<400x1xf32>
    %ge3A_226 = vector.broadcast %broadcast_in_dim3A_225 : vector<400x1xf32> to vector<400x2000xf32>
    %ge3A_227 = arith.cmpf oge, %select_n3A_222, %ge3A_226 : vector<400x2000xf32>
    %jit3A_228 = arith.constant 2000 : i32
    %broadcast_in_dim3A_229 = vector.broadcast %jit3A_228 : i32 to vector<400x2000xi32>
    %select_n3A_230 = arith.select %ge3A_227, %iota3A, %broadcast_in_dim3A_229 : vector<400x2000xi1>, vector<400x2000xi32>
    %reduce_min3A_231 = arith.constant dense<2147483647> : vector<400xi32>
    %reduce_min3A_232 = vector.multi_reduction <minsi>, %select_n3A_230, %reduce_min3A_231 [1] : vector<400x2000xi32> to vector<400xi32>
    %broadcast_in_dim3A_233 = vector.shape_cast %reduce_min3A_232 : vector<400xi32> to vector<400x1xi32>
    %eq3A_234 = vector.broadcast %broadcast_in_dim3A_233 : vector<400x1xi32> to vector<400x2000xi32>
    %eq3A_235 = arith.cmpi eq, %iota3A, %eq3A_234 : vector<400x2000xi32>
    %jit3A_236 = arith.constant -3.000000e+38 : f32
    %broadcast_in_dim3A_237 = vector.broadcast %jit3A_236 : f32 to vector<400x2000xf32>
    %select_n3A_238 = arith.select %eq3A_235, %broadcast_in_dim3A_237, %select_n3A_222 : vector<400x2000xi1>, vector<400x2000xf32>
    %reduce_max3A_239 = arith.constant dense<0xFF800000> : vector<400xf32>
    %reduce_max3A_240 = vector.multi_reduction <maximumf>, %select_n3A_238, %reduce_max3A_239 [1] : vector<400x2000xf32> to vector<400xf32>
    %broadcast_in_dim3A_241 = vector.shape_cast %reduce_max3A_240 : vector<400xf32> to vector<400x1xf32>
    %ge3A_242 = vector.broadcast %broadcast_in_dim3A_241 : vector<400x1xf32> to vector<400x2000xf32>
    %ge3A_243 = arith.cmpf oge, %select_n3A_238, %ge3A_242 : vector<400x2000xf32>
    %jit3A_244 = arith.constant 2000 : i32
    %broadcast_in_dim3A_245 = vector.broadcast %jit3A_244 : i32 to vector<400x2000xi32>
    %select_n3A_246 = arith.select %ge3A_243, %iota3A, %broadcast_in_dim3A_245 : vector<400x2000xi1>, vector<400x2000xi32>
    %reduce_min3A_247 = arith.constant dense<2147483647> : vector<400xi32>
    %reduce_min3A_248 = vector.multi_reduction <minsi>, %select_n3A_246, %reduce_min3A_247 [1] : vector<400x2000xi32> to vector<400xi32>
    %broadcast_in_dim3A_249 = vector.shape_cast %reduce_min3A_248 : vector<400xi32> to vector<400x1xi32>
    %eq3A_250 = vector.broadcast %broadcast_in_dim3A_249 : vector<400x1xi32> to vector<400x2000xi32>
    %eq3A_251 = arith.cmpi eq, %iota3A, %eq3A_250 : vector<400x2000xi32>
    %jit3A_252 = arith.constant -3.000000e+38 : f32
    %broadcast_in_dim3A_253 = vector.broadcast %jit3A_252 : f32 to vector<400x2000xf32>
    %select_n3A_254 = arith.select %eq3A_251, %broadcast_in_dim3A_253, %select_n3A_238 : vector<400x2000xi1>, vector<400x2000xf32>
    %reduce_max3A_255 = arith.constant dense<0xFF800000> : vector<400xf32>
    %reduce_max3A_256 = vector.multi_reduction <maximumf>, %select_n3A_254, %reduce_max3A_255 [1] : vector<400x2000xf32> to vector<400xf32>
    %broadcast_in_dim3A_257 = vector.shape_cast %reduce_max3A_256 : vector<400xf32> to vector<400x1xf32>
    %ge3A_258 = vector.broadcast %broadcast_in_dim3A_257 : vector<400x1xf32> to vector<400x2000xf32>
    %ge3A_259 = arith.cmpf oge, %select_n3A_254, %ge3A_258 : vector<400x2000xf32>
    %jit3A_260 = arith.constant 2000 : i32
    %broadcast_in_dim3A_261 = vector.broadcast %jit3A_260 : i32 to vector<400x2000xi32>
    %select_n3A_262 = arith.select %ge3A_259, %iota3A, %broadcast_in_dim3A_261 : vector<400x2000xi1>, vector<400x2000xi32>
    %reduce_min3A_263 = arith.constant dense<2147483647> : vector<400xi32>
    %reduce_min3A_264 = vector.multi_reduction <minsi>, %select_n3A_262, %reduce_min3A_263 [1] : vector<400x2000xi32> to vector<400xi32>
    %broadcast_in_dim3A_265 = vector.shape_cast %reduce_min3A_264 : vector<400xi32> to vector<400x1xi32>
    %eq3A_266 = vector.broadcast %broadcast_in_dim3A_265 : vector<400x1xi32> to vector<400x2000xi32>
    %eq3A_267 = arith.cmpi eq, %iota3A, %eq3A_266 : vector<400x2000xi32>
    %jit3A_268 = arith.constant -3.000000e+38 : f32
    %broadcast_in_dim3A_269 = vector.broadcast %jit3A_268 : f32 to vector<400x2000xf32>
    %select_n3A_270 = arith.select %eq3A_267, %broadcast_in_dim3A_269, %select_n3A_254 : vector<400x2000xi1>, vector<400x2000xf32>
    %reduce_max3A_271 = arith.constant dense<0xFF800000> : vector<400xf32>
    %reduce_max3A_272 = vector.multi_reduction <maximumf>, %select_n3A_270, %reduce_max3A_271 [1] : vector<400x2000xf32> to vector<400xf32>
    %broadcast_in_dim3A_273 = vector.shape_cast %reduce_max3A_272 : vector<400xf32> to vector<400x1xf32>
    %ge3A_274 = vector.broadcast %broadcast_in_dim3A_273 : vector<400x1xf32> to vector<400x2000xf32>
    %ge3A_275 = arith.cmpf oge, %select_n3A_270, %ge3A_274 : vector<400x2000xf32>
    %jit3A_276 = arith.constant 2000 : i32
    %broadcast_in_dim3A_277 = vector.broadcast %jit3A_276 : i32 to vector<400x2000xi32>
    %select_n3A_278 = arith.select %ge3A_275, %iota3A, %broadcast_in_dim3A_277 : vector<400x2000xi1>, vector<400x2000xi32>
    %reduce_min3A_279 = arith.constant dense<2147483647> : vector<400xi32>
    %reduce_min3A_280 = vector.multi_reduction <minsi>, %select_n3A_278, %reduce_min3A_279 [1] : vector<400x2000xi32> to vector<400xi32>
    %broadcast_in_dim3A_281 = vector.shape_cast %reduce_min3A_280 : vector<400xi32> to vector<400x1xi32>
    %eq3A_282 = vector.broadcast %broadcast_in_dim3A_281 : vector<400x1xi32> to vector<400x2000xi32>
    %eq3A_283 = arith.cmpi eq, %iota3A, %eq3A_282 : vector<400x2000xi32>
    %jit3A_284 = arith.constant -3.000000e+38 : f32
    %broadcast_in_dim3A_285 = vector.broadcast %jit3A_284 : f32 to vector<400x2000xf32>
    %select_n3A_286 = arith.select %eq3A_283, %broadcast_in_dim3A_285, %select_n3A_270 : vector<400x2000xi1>, vector<400x2000xf32>
    %reduce_max3A_287 = arith.constant dense<0xFF800000> : vector<400xf32>
    %reduce_max3A_288 = vector.multi_reduction <maximumf>, %select_n3A_286, %reduce_max3A_287 [1] : vector<400x2000xf32> to vector<400xf32>
    %broadcast_in_dim3A_289 = vector.shape_cast %reduce_max3A_288 : vector<400xf32> to vector<400x1xf32>
    %ge3A_290 = vector.broadcast %broadcast_in_dim3A_289 : vector<400x1xf32> to vector<400x2000xf32>
    %ge3A_291 = arith.cmpf oge, %select_n3A_286, %ge3A_290 : vector<400x2000xf32>
    %jit3A_292 = arith.constant 2000 : i32
    %broadcast_in_dim3A_293 = vector.broadcast %jit3A_292 : i32 to vector<400x2000xi32>
    %select_n3A_294 = arith.select %ge3A_291, %iota3A, %broadcast_in_dim3A_293 : vector<400x2000xi1>, vector<400x2000xi32>
    %reduce_min3A_295 = arith.constant dense<2147483647> : vector<400xi32>
    %reduce_min3A_296 = vector.multi_reduction <minsi>, %select_n3A_294, %reduce_min3A_295 [1] : vector<400x2000xi32> to vector<400xi32>
    %broadcast_in_dim3A_297 = vector.shape_cast %reduce_min3A_296 : vector<400xi32> to vector<400x1xi32>
    %eq3A_298 = vector.broadcast %broadcast_in_dim3A_297 : vector<400x1xi32> to vector<400x2000xi32>
    %eq3A_299 = arith.cmpi eq, %iota3A, %eq3A_298 : vector<400x2000xi32>
    %jit3A_300 = arith.constant -3.000000e+38 : f32
    %broadcast_in_dim3A_301 = vector.broadcast %jit3A_300 : f32 to vector<400x2000xf32>
    %select_n3A_302 = arith.select %eq3A_299, %broadcast_in_dim3A_301, %select_n3A_286 : vector<400x2000xi1>, vector<400x2000xf32>
    %reduce_max3A_303 = arith.constant dense<0xFF800000> : vector<400xf32>
    %reduce_max3A_304 = vector.multi_reduction <maximumf>, %select_n3A_302, %reduce_max3A_303 [1] : vector<400x2000xf32> to vector<400xf32>
    %broadcast_in_dim3A_305 = vector.shape_cast %reduce_max3A_304 : vector<400xf32> to vector<400x1xf32>
    %ge3A_306 = vector.broadcast %broadcast_in_dim3A_305 : vector<400x1xf32> to vector<400x2000xf32>
    %ge3A_307 = arith.cmpf oge, %select_n3A_302, %ge3A_306 : vector<400x2000xf32>
    %jit3A_308 = arith.constant 2000 : i32
    %broadcast_in_dim3A_309 = vector.broadcast %jit3A_308 : i32 to vector<400x2000xi32>
    %select_n3A_310 = arith.select %ge3A_307, %iota3A, %broadcast_in_dim3A_309 : vector<400x2000xi1>, vector<400x2000xi32>
    %reduce_min3A_311 = arith.constant dense<2147483647> : vector<400xi32>
    %reduce_min3A_312 = vector.multi_reduction <minsi>, %select_n3A_310, %reduce_min3A_311 [1] : vector<400x2000xi32> to vector<400xi32>
    %broadcast_in_dim3A_313 = vector.shape_cast %reduce_min3A_312 : vector<400xi32> to vector<400x1xi32>
    %eq3A_314 = vector.broadcast %broadcast_in_dim3A_313 : vector<400x1xi32> to vector<400x2000xi32>
    %eq3A_315 = arith.cmpi eq, %iota3A, %eq3A_314 : vector<400x2000xi32>
    %jit3A_316 = arith.constant -3.000000e+38 : f32
    %broadcast_in_dim3A_317 = vector.broadcast %jit3A_316 : f32 to vector<400x2000xf32>
    %select_n3A_318 = arith.select %eq3A_315, %broadcast_in_dim3A_317, %select_n3A_302 : vector<400x2000xi1>, vector<400x2000xf32>
    %reduce_max3A_319 = arith.constant dense<0xFF800000> : vector<400xf32>
    %reduce_max3A_320 = vector.multi_reduction <maximumf>, %select_n3A_318, %reduce_max3A_319 [1] : vector<400x2000xf32> to vector<400xf32>
    %broadcast_in_dim3A_321 = vector.shape_cast %reduce_max3A_320 : vector<400xf32> to vector<400x1xf32>
    %ge3A_322 = vector.broadcast %broadcast_in_dim3A_321 : vector<400x1xf32> to vector<400x2000xf32>
    %ge3A_323 = arith.cmpf oge, %select_n3A_318, %ge3A_322 : vector<400x2000xf32>
    %jit3A_324 = arith.constant 2000 : i32
    %broadcast_in_dim3A_325 = vector.broadcast %jit3A_324 : i32 to vector<400x2000xi32>
    %select_n3A_326 = arith.select %ge3A_323, %iota3A, %broadcast_in_dim3A_325 : vector<400x2000xi1>, vector<400x2000xi32>
    %reduce_min3A_327 = arith.constant dense<2147483647> : vector<400xi32>
    %reduce_min3A_328 = vector.multi_reduction <minsi>, %select_n3A_326, %reduce_min3A_327 [1] : vector<400x2000xi32> to vector<400xi32>
    %broadcast_in_dim3A_329 = vector.shape_cast %reduce_min3A_328 : vector<400xi32> to vector<400x1xi32>
    %concatenate3A = tpu.concatenate %broadcast_in_dim3A_26, %broadcast_in_dim3A_41, %broadcast_in_dim3A_57, %broadcast_in_dim3A_73, %broadcast_in_dim3A_89, %broadcast_in_dim3A_105, %broadcast_in_dim3A_121, %broadcast_in_dim3A_137, %broadcast_in_dim3A_153, %broadcast_in_dim3A_169, %broadcast_in_dim3A_185, %broadcast_in_dim3A_201, %broadcast_in_dim3A_217, %broadcast_in_dim3A_233, %broadcast_in_dim3A_249, %broadcast_in_dim3A_265, %broadcast_in_dim3A_281, %broadcast_in_dim3A_297, %broadcast_in_dim3A_313, %broadcast_in_dim3A_329 in 1 : vector<400x1xi32>, vector<400x1xi32>, vector<400x1xi32>, vector<400x1xi32>, vector<400x1xi32>, vector<400x1xi32>, vector<400x1xi32>, vector<400x1xi32>, vector<400x1xi32>, vector<400x1xi32>, vector<400x1xi32>, vector<400x1xi32>, vector<400x1xi32>, vector<400x1xi32>, vector<400x1xi32>, vector<400x1xi32>, vector<400x1xi32>, vector<400x1xi32>, vector<400x1xi32>, vector<400x1xi32> -> vector<400x20xi32>
    %swap3A = arith.constant 0 : index
    %swap3A_330 = arith.constant 0 : index
    %swap3A_331 = arith.constant 0 : index
    %swap3A_332 = vector.load %arg4[%swap3A, %swap3A_330, %swap3A_331] : memref<1x400x20xi32, #tpu.memory_space<vmem>>, vector<1x400x20xi32>
    %swap3A_333 = vector.shape_cast %swap3A_332 : vector<1x400x20xi32> to vector<400x20xi32>
    %swap3A_334 = vector.shape_cast %concatenate3A : vector<400x20xi32> to vector<1x400x20xi32>
    tpu.vector_store %arg4[%swap3A, %swap3A_330, %swap3A_331], %swap3A_334 {strides = array<i32>} : memref<1x400x20xi32, #tpu.memory_space<vmem>>, vector<1x400x20xi32>,
    return
  }
  func.func @transform_0(%arg0: i32, %arg1: i32) -> (i32, i32, i32) {
    %c0_i32 = arith.constant 0 : i32
    %c0_i32_0 = arith.constant 0 : i32
    return %arg0, %arg1, %c0_i32 : i32, i32, i32
  }
  func.func @transform_1(%arg0: i32, %arg1: i32) -> (i32, i32, i32) {
    %c0_i32 = arith.constant 0 : i32
    %c0_i32_0 = arith.constant 0 : i32
    %c0_i32_1 = arith.constant 0 : i32
    return %arg0, %c0_i32, %c0_i32_0 : i32, i32, i32
  }
  func.func @transform_2(%arg0: i32, %arg1: i32) -> (i32, i32, i32) {
    %c0_i32 = arith.constant 0 : i32
    %c0_i32_0 = arith.constant 0 : i32
    return %arg0, %arg1, %c0_i32 : i32, i32, i32
  }
}

module attributes {stable_mosaic.version = 14 : i64} {
  func.func @_stats_body(%arg0: i32, %arg1: i32, %arg2: memref<1x2x2000x128xf32, #tpu.memory_space<vmem>>, %arg3: memref<1x2000x64xf32, #tpu.memory_space<vmem>>, %arg4: memref<1x4x64xf32, #tpu.memory_space<vmem>>) attributes {dimension_semantics = [#tpu.dimension_semantics<arbitrary>, #tpu.dimension_semantics<arbitrary>], iteration_bounds = array<i64: 8, 10>, scalar_prefetch = 0 : i64, scratch_operands = 0 : i64, tpu.core_type = #tpu.core_type<tc>, window_params = [{transform_indices = @transform_0, window_bounds = array<i64: 1, 2, 2000, 128>}, {transform_indices = @transform_1, window_bounds = array<i64: 1, 2000, 64>}, {transform_indices = @transform_2, window_bounds = array<i64: 1, 4, 64>}]} {
    %get3A = arith.constant 0 : index
    %get3A_0 = arith.constant 0 : index
    %get3A_1 = arith.constant 0 : index
    %get3A_2 = vector.load %arg3[%get3A, %get3A_0, %get3A_1] : memref<1x2000x64xf32, #tpu.memory_space<vmem>>, vector<1x2000x64xf32>
    %get3A_3 = vector.shape_cast %get3A_2 : vector<1x2000x64xf32> to vector<2000x64xf32>
    %get3A_4 = arith.constant 0 : index
    %get3A_5 = arith.constant 0 : index
    %get3A_6 = arith.constant 0 : index
    %get3A_7 = arith.constant 0 : index
    %get3A_8 = vector.load %arg2[%get3A_4, %get3A_5, %get3A_6, %get3A_7] : memref<1x2x2000x128xf32, #tpu.memory_space<vmem>>, vector<1x2x2000x128xf32>
    %get3A_9 = vector.shape_cast %get3A_8 : vector<1x2x2000x128xf32> to vector<2x2000x128xf32>
    %slice3A = vector.extract_strided_slice %get3A_9 {offsets = [0, 0, 0], sizes = [2, 2000, 64], strides = [1, 1, 1]} : vector<2x2000x128xf32> to vector<2x2000x64xf32>
    %broadcast_in_dim3A = vector.shape_cast %get3A_3 : vector<2000x64xf32> to vector<1x2000x64xf32>
    %sub3A = vector.broadcast %broadcast_in_dim3A : vector<1x2000x64xf32> to vector<2x2000x64xf32>
    %sub3A_10 = arith.subf %sub3A, %slice3A : vector<2x2000x64xf32>
    %reduce_sum3A = arith.constant dense<0.000000e+00> : vector<64xf32>
    %reduce_sum3A_11 = vector.multi_reduction <add>, %sub3A_10, %reduce_sum3A [0, 1] : vector<2x2000x64xf32> to vector<64xf32>
    %broadcast_in_dim3A_12 = vector.shape_cast %reduce_sum3A_11 : vector<64xf32> to vector<1x64xf32>
    %mul3A = arith.mulf %sub3A_10, %sub3A_10 : vector<2x2000x64xf32>
    %reduce_sum3A_13 = arith.constant dense<0.000000e+00> : vector<64xf32>
    %reduce_sum3A_14 = vector.multi_reduction <add>, %mul3A, %reduce_sum3A_13 [0, 1] : vector<2x2000x64xf32> to vector<64xf32>
    %broadcast_in_dim3A_15 = vector.shape_cast %reduce_sum3A_14 : vector<64xf32> to vector<1x64xf32>
    %eq3A = arith.constant 0 : i32
    %eq3A_16 = arith.cmpi eq, %arg1, %eq3A : i32
    %convert_element_type3A = arith.extui %eq3A_16 : i1 to i32
    %cond3A = arith.constant 0 : i32
    %cond3A_17 = arith.cmpi ne, %convert_element_type3A, %cond3A : i32
    scf.if %cond3A_17 {
      %reduce_sum3A_30 = arith.constant dense<0.000000e+00> : vector<64xf32>
      %reduce_sum3A_31 = vector.multi_reduction <add>, %get3A_3, %reduce_sum3A_30 [0] : vector<2000x64xf32> to vector<64xf32>
      %broadcast_in_dim3A_32 = vector.shape_cast %reduce_sum3A_31 : vector<64xf32> to vector<1x64xf32>
      %mul3A_33 = arith.mulf %get3A_3, %get3A_3 : vector<2000x64xf32>
      %reduce_sum3A_34 = arith.constant dense<0.000000e+00> : vector<64xf32>
      %reduce_sum3A_35 = vector.multi_reduction <add>, %mul3A_33, %reduce_sum3A_34 [0] : vector<2000x64xf32> to vector<64xf32>
      %broadcast_in_dim3A_36 = vector.shape_cast %reduce_sum3A_35 : vector<64xf32> to vector<1x64xf32>
      %broadcast_in_dim3A_37 = arith.constant 0.000000e+00 : f32
      %broadcast_in_dim3A_38 = vector.broadcast %broadcast_in_dim3A_37 : f32 to vector<2x64xf32>
      %concatenate3A_39 = tpu.concatenate %broadcast_in_dim3A_32, %broadcast_in_dim3A_36, %broadcast_in_dim3A_38 in 0 : vector<1x64xf32>, vector<1x64xf32>, vector<2x64xf32> -> vector<4x64xf32>
      %swap3A_40 = arith.constant 0 : index
      %swap3A_41 = arith.constant 0 : index
      %swap3A_42 = arith.constant 0 : index
      %swap3A_43 = vector.load %arg4[%swap3A_40, %swap3A_41, %swap3A_42] : memref<1x4x64xf32, #tpu.memory_space<vmem>>, vector<1x4x64xf32>
      %swap3A_44 = vector.shape_cast %swap3A_43 : vector<1x4x64xf32> to vector<4x64xf32>
      %swap3A_45 = vector.shape_cast %concatenate3A_39 : vector<4x64xf32> to vector<1x4x64xf32>
      tpu.vector_store %arg4[%swap3A_40, %swap3A_41, %swap3A_42], %swap3A_45 {strides = array<i32>} : memref<1x4x64xf32, #tpu.memory_space<vmem>>, vector<1x4x64xf32>,
    } else {
    }
    %get3A_18 = arith.constant 0 : index
    %get3A_19 = arith.constant 0 : index
    %get3A_20 = arith.constant 0 : index
    %get3A_21 = vector.load %arg4[%get3A_18, %get3A_19, %get3A_20] : memref<1x4x64xf32, #tpu.memory_space<vmem>>, vector<1x4x64xf32>
    %get3A_22 = vector.shape_cast %get3A_21 : vector<1x4x64xf32> to vector<4x64xf32>
    %broadcast_in_dim3A_23 = arith.constant 0.000000e+00 : f32
    %broadcast_in_dim3A_24 = vector.broadcast %broadcast_in_dim3A_23 : f32 to vector<2x64xf32>
    %concatenate3A = tpu.concatenate %broadcast_in_dim3A_24, %broadcast_in_dim3A_12, %broadcast_in_dim3A_15 in 0 : vector<2x64xf32>, vector<1x64xf32>, vector<1x64xf32> -> vector<4x64xf32>
    %add3A = arith.addf %get3A_22, %concatenate3A : vector<4x64xf32>
    %swap3A = arith.constant 0 : index
    %swap3A_25 = arith.constant 0 : index
    %swap3A_26 = arith.constant 0 : index
    %swap3A_27 = vector.load %arg4[%swap3A, %swap3A_25, %swap3A_26] : memref<1x4x64xf32, #tpu.memory_space<vmem>>, vector<1x4x64xf32>
    %swap3A_28 = vector.shape_cast %swap3A_27 : vector<1x4x64xf32> to vector<4x64xf32>
    %swap3A_29 = vector.shape_cast %add3A : vector<4x64xf32> to vector<1x4x64xf32>
    tpu.vector_store %arg4[%swap3A, %swap3A_25, %swap3A_26], %swap3A_29 {strides = array<i32>} : memref<1x4x64xf32, #tpu.memory_space<vmem>>, vector<1x4x64xf32>,
    return
  }
  func.func @transform_0(%arg0: i32, %arg1: i32) -> (i32, i32, i32, i32) {
    %c0_i32 = arith.constant 0 : i32
    %c0_i32_0 = arith.constant 0 : i32
    %c0_i32_1 = arith.constant 0 : i32
    return %arg0, %arg1, %c0_i32, %c0_i32_0 : i32, i32, i32, i32
  }
  func.func @transform_1(%arg0: i32, %arg1: i32) -> (i32, i32, i32) {
    %c0_i32 = arith.constant 0 : i32
    %c0_i32_0 = arith.constant 0 : i32
    %c0_i32_1 = arith.constant 0 : i32
    return %arg0, %c0_i32, %c0_i32_0 : i32, i32, i32
  }
  func.func @transform_2(%arg0: i32, %arg1: i32) -> (i32, i32, i32) {
    %c0_i32 = arith.constant 0 : i32
    %c0_i32_0 = arith.constant 0 : i32
    %c0_i32_1 = arith.constant 0 : i32
    return %arg0, %c0_i32, %c0_i32_0 : i32, i32, i32
  }
}

module attributes {stable_mosaic.version = 14 : i64} {
  func.func @_att_body(%arg0: i32, %arg1: i32, %arg2: memref<1x400x64xf32, #tpu.memory_space<vmem>>, %arg3: memref<1x20x400x128xf32, #tpu.memory_space<vmem>>, %arg4: memref<8x4x64xf32, #tpu.memory_space<vmem>>, %arg5: memref<1x4x64xf32, #tpu.memory_space<vmem>>, %arg6: memref<64x64xf32, #tpu.memory_space<vmem>>, %arg7: memref<64x64xf32, #tpu.memory_space<vmem>>, %arg8: memref<1x64xf32, #tpu.memory_space<vmem>>, %arg9: memref<64x64xf32, #tpu.memory_space<vmem>>, %arg10: memref<1x64xf32, #tpu.memory_space<vmem>>, %arg11: memref<64x64xf32, #tpu.memory_space<vmem>>, %arg12: memref<1x64xf32, #tpu.memory_space<vmem>>, %arg13: memref<64x64xf32, #tpu.memory_space<vmem>>, %arg14: memref<1x64xf32, #tpu.memory_space<vmem>>, %arg15: memref<1x1xf32, #tpu.memory_space<vmem>>, %arg16: memref<1x400x64xf32, #tpu.memory_space<vmem>>) attributes {dimension_semantics = [#tpu.dimension_semantics<arbitrary>, #tpu.dimension_semantics<arbitrary>], iteration_bounds = array<i64: 8, 5>, scalar_prefetch = 0 : i64, scratch_operands = 0 : i64, tpu.core_type = #tpu.core_type<tc>, window_params = [{transform_indices = @transform_0, window_bounds = array<i64: 1, 400, 64>}, {transform_indices = @transform_1, window_bounds = array<i64: 1, 20, 400, 128>}, {pipeline_mode = #tpu.pipeline_mode<synchronous>, transform_indices = @transform_2, window_bounds = array<i64: 8, 4, 64>}, {transform_indices = @transform_3, window_bounds = array<i64: 1, 4, 64>}, {pipeline_mode = #tpu.pipeline_mode<synchronous>, transform_indices = @transform_4, window_bounds = array<i64: 64, 64>}, {pipeline_mode = #tpu.pipeline_mode<synchronous>, transform_indices = @transform_5, window_bounds = array<i64: 64, 64>}, {pipeline_mode = #tpu.pipeline_mode<synchronous>, transform_indices = @transform_6, window_bounds = array<i64: 1, 64>}, {pipeline_mode = #tpu.pipeline_mode<synchronous>, transform_indices = @transform_7, window_bounds = array<i64: 64, 64>}, {pipeline_mode = #tpu.pipeline_mode<synchronous>, transform_indices = @transform_8, window_bounds = array<i64: 1, 64>}, {pipeline_mode = #tpu.pipeline_mode<synchronous>, transform_indices = @transform_9, window_bounds = array<i64: 64, 64>}, {pipeline_mode = #tpu.pipeline_mode<synchronous>, transform_indices = @transform_10, window_bounds = array<i64: 1, 64>}, {pipeline_mode = #tpu.pipeline_mode<synchronous>, transform_indices = @transform_11, window_bounds = array<i64: 64, 64>}, {pipeline_mode = #tpu.pipeline_mode<synchronous>, transform_indices = @transform_12, window_bounds = array<i64: 1, 64>}, {pipeline_mode = #tpu.pipeline_mode<synchronous>, transform_indices = @transform_13, window_bounds = array<i64: 1, 1>}, {transform_indices = @transform_14, window_bounds = array<i64: 1, 400, 64>}]} {
    %get3A = arith.constant 0 : index
    %get3A_0 = arith.constant 0 : index
    %get3A_1 = arith.constant 0 : index
    %get3A_2 = vector.load %arg2[%get3A, %get3A_0, %get3A_1] : memref<1x400x64xf32, #tpu.memory_space<vmem>>, vector<1x400x64xf32>
    %get3A_3 = vector.shape_cast %get3A_2 : vector<1x400x64xf32> to vector<400x64xf32>
    %get3A_4 = arith.constant 0 : index
    %get3A_5 = arith.constant 0 : index
    %get3A_6 = arith.constant 0 : index
    %get3A_7 = vector.load %arg4[%get3A_4, %get3A_5, %get3A_6] : memref<8x4x64xf32, #tpu.memory_space<vmem>>, vector<8x4x64xf32>
    %get3A_8 = arith.constant 0 : index
    %get3A_9 = arith.constant 0 : index
    %get3A_10 = arith.constant 0 : index
    %get3A_11 = vector.load %arg5[%get3A_8, %get3A_9, %get3A_10] : memref<1x4x64xf32, #tpu.memory_space<vmem>>, vector<1x4x64xf32>
    %get3A_12 = vector.shape_cast %get3A_11 : vector<1x4x64xf32> to vector<4x64xf32>
    %slice3A = vector.extract_strided_slice %get3A_7 {offsets = [0, 0, 0], sizes = [8, 1, 64], strides = [1, 1, 1]} : vector<8x4x64xf32> to vector<8x1x64xf32>
    %squeeze3A = vector.shape_cast %slice3A : vector<8x1x64xf32> to vector<8x64xf32>
    %div3A = arith.constant 2.000000e+03 : f32
    %div3A_13 = vector.broadcast %div3A : f32 to vector<8x64xf32>
    %div3A_14 = arith.divf %squeeze3A, %div3A_13 : vector<8x64xf32>
    %slice3A_15 = vector.extract_strided_slice %get3A_7 {offsets = [0, 1, 0], sizes = [8, 1, 64], strides = [1, 1, 1]} : vector<8x4x64xf32> to vector<8x1x64xf32>
    %squeeze3A_16 = vector.shape_cast %slice3A_15 : vector<8x1x64xf32> to vector<8x64xf32>
    %div3A_17 = arith.constant 2.000000e+03 : f32
    %div3A_18 = vector.broadcast %div3A_17 : f32 to vector<8x64xf32>
    %div3A_19 = arith.divf %squeeze3A_16, %div3A_18 : vector<8x64xf32>
    %mul3A = arith.mulf %div3A_14, %div3A_14 : vector<8x64xf32>
    %sub3A = arith.subf %div3A_19, %mul3A : vector<8x64xf32>
    %slice3A_20 = vector.extract_strided_slice %get3A_7 {offsets = [0, 2, 0], sizes = [8, 1, 64], strides = [1, 1, 1]} : vector<8x4x64xf32> to vector<8x1x64xf32>
    %squeeze3A_21 = vector.shape_cast %slice3A_20 : vector<8x1x64xf32> to vector<8x64xf32>
    %div3A_22 = arith.constant 4.000000e+04 : f32
    %div3A_23 = vector.broadcast %div3A_22 : f32 to vector<8x64xf32>
    %div3A_24 = arith.divf %squeeze3A_21, %div3A_23 : vector<8x64xf32>
    %slice3A_25 = vector.extract_strided_slice %get3A_7 {offsets = [0, 3, 0], sizes = [8, 1, 64], strides = [1, 1, 1]} : vector<8x4x64xf32> to vector<8x1x64xf32>
    %squeeze3A_26 = vector.shape_cast %slice3A_25 : vector<8x1x64xf32> to vector<8x64xf32>
    %div3A_27 = arith.constant 4.000000e+04 : f32
    %div3A_28 = vector.broadcast %div3A_27 : f32 to vector<8x64xf32>
    %div3A_29 = arith.divf %squeeze3A_26, %div3A_28 : vector<8x64xf32>
    %mul3A_30 = arith.mulf %div3A_24, %div3A_24 : vector<8x64xf32>
    %sub3A_31 = arith.subf %div3A_29, %mul3A_30 : vector<8x64xf32>
    %add3A = arith.constant 1.000000e-03 : f32
    %add3A_32 = vector.broadcast %add3A : f32 to vector<8x64xf32>
    %add3A_33 = arith.addf %sub3A, %add3A_32 : vector<8x64xf32>
    %div3A_34 = arith.divf %sub3A, %add3A_33 : vector<8x64xf32>
    %reduce_sum3A = arith.constant dense<0.000000e+00> : vector<64xf32>
    %reduce_sum3A_35 = vector.multi_reduction <add>, %div3A_34, %reduce_sum3A [0] : vector<8x64xf32> to vector<64xf32>
    %broadcast_in_dim3A = vector.shape_cast %reduce_sum3A_35 : vector<64xf32> to vector<1x64xf32>
    %div3A_36 = arith.constant 8.000000e+00 : f32
    %div3A_37 = vector.broadcast %div3A_36 : f32 to vector<1x64xf32>
    %div3A_38 = arith.divf %broadcast_in_dim3A, %div3A_37 : vector<1x64xf32>
    %add3A_39 = arith.constant 1.000000e-03 : f32
    %add3A_40 = vector.broadcast %add3A_39 : f32 to vector<8x64xf32>
    %add3A_41 = arith.addf %sub3A_31, %add3A_40 : vector<8x64xf32>
    %div3A_42 = arith.divf %sub3A_31, %add3A_41 : vector<8x64xf32>
    %reduce_sum3A_43 = arith.constant dense<0.000000e+00> : vector<64xf32>
    %reduce_sum3A_44 = vector.multi_reduction <add>, %div3A_42, %reduce_sum3A_43 [0] : vector<8x64xf32> to vector<64xf32>
    %broadcast_in_dim3A_45 = vector.shape_cast %reduce_sum3A_44 : vector<64xf32> to vector<1x64xf32>
    %div3A_46 = arith.constant 8.000000e+00 : f32
    %div3A_47 = vector.broadcast %div3A_46 : f32 to vector<1x64xf32>
    %div3A_48 = arith.divf %broadcast_in_dim3A_45, %div3A_47 : vector<1x64xf32>
    %add3A_49 = arith.constant 9.99999974E-6 : f32
    %add3A_50 = vector.broadcast %add3A_49 : f32 to vector<1x64xf32>
    %add3A_51 = arith.addf %div3A_38, %add3A_50 : vector<1x64xf32>
    %rsqrt3A = math.rsqrt %add3A_51 : vector<1x64xf32>
    %add3A_52 = arith.constant 9.99999974E-6 : f32
    %add3A_53 = vector.broadcast %add3A_52 : f32 to vector<1x64xf32>
    %add3A_54 = arith.addf %div3A_48, %add3A_53 : vector<1x64xf32>
    %rsqrt3A_55 = math.rsqrt %add3A_54 : vector<1x64xf32>
    %slice3A_56 = vector.extract_strided_slice %get3A_12 {offsets = [0, 0], sizes = [1, 64], strides = [1, 1]} : vector<4x64xf32> to vector<1x64xf32>
    %div3A_57 = arith.constant 2.000000e+03 : f32
    %div3A_58 = vector.broadcast %div3A_57 : f32 to vector<1x64xf32>
    %div3A_59 = arith.divf %slice3A_56, %div3A_58 : vector<1x64xf32>
    %slice3A_60 = vector.extract_strided_slice %get3A_12 {offsets = [1, 0], sizes = [1, 64], strides = [1, 1]} : vector<4x64xf32> to vector<1x64xf32>
    %div3A_61 = arith.constant 2.000000e+03 : f32
    %div3A_62 = vector.broadcast %div3A_61 : f32 to vector<1x64xf32>
    %div3A_63 = arith.divf %slice3A_60, %div3A_62 : vector<1x64xf32>
    %mul3A_64 = arith.mulf %div3A_59, %div3A_59 : vector<1x64xf32>
    %sub3A_65 = arith.subf %div3A_63, %mul3A_64 : vector<1x64xf32>
    %slice3A_66 = vector.extract_strided_slice %get3A_12 {offsets = [2, 0], sizes = [1, 64], strides = [1, 1]} : vector<4x64xf32> to vector<1x64xf32>
    %div3A_67 = arith.constant 4.000000e+04 : f32
    %div3A_68 = vector.broadcast %div3A_67 : f32 to vector<1x64xf32>
    %div3A_69 = arith.divf %slice3A_66, %div3A_68 : vector<1x64xf32>
    %slice3A_70 = vector.extract_strided_slice %get3A_12 {offsets = [3, 0], sizes = [1, 64], strides = [1, 1]} : vector<4x64xf32> to vector<1x64xf32>
    %div3A_71 = arith.constant 4.000000e+04 : f32
    %div3A_72 = vector.broadcast %div3A_71 : f32 to vector<1x64xf32>
    %div3A_73 = arith.divf %slice3A_70, %div3A_72 : vector<1x64xf32>
    %mul3A_74 = arith.mulf %div3A_69, %div3A_69 : vector<1x64xf32>
    %sub3A_75 = arith.subf %div3A_73, %mul3A_74 : vector<1x64xf32>
    %add3A_76 = arith.constant 1.000000e-03 : f32
    %add3A_77 = vector.broadcast %add3A_76 : f32 to vector<1x64xf32>
    %add3A_78 = arith.addf %sub3A_65, %add3A_77 : vector<1x64xf32>
    %rsqrt3A_79 = math.rsqrt %add3A_78 : vector<1x64xf32>
    %mul3A_80 = arith.mulf %rsqrt3A_79, %rsqrt3A : vector<1x64xf32>
    %add3A_81 = arith.constant 1.000000e-03 : f32
    %add3A_82 = vector.broadcast %add3A_81 : f32 to vector<1x64xf32>
    %add3A_83 = arith.addf %sub3A_75, %add3A_82 : vector<1x64xf32>
    %rsqrt3A_84 = math.rsqrt %add3A_83 : vector<1x64xf32>
    %mul3A_85 = arith.mulf %rsqrt3A_84, %rsqrt3A_55 : vector<1x64xf32>
    %sub3A_86 = vector.broadcast %div3A_59 : vector<1x64xf32> to vector<400x64xf32>
    %sub3A_87 = arith.subf %get3A_3, %sub3A_86 : vector<400x64xf32>
    %mul3A_88 = vector.broadcast %mul3A_80 : vector<1x64xf32> to vector<400x64xf32>
    %mul3A_89 = arith.mulf %sub3A_87, %mul3A_88 : vector<400x64xf32>
    %max3A = arith.constant 0.000000e+00 : f32
    %max3A_90 = vector.broadcast %max3A : f32 to vector<400x64xf32>
    %max3A_91 = arith.maximumf %mul3A_89, %max3A_90 : vector<400x64xf32>
    %get3A_92 = arith.constant 0 : index
    %get3A_93 = arith.constant 0 : index
    %get3A_94 = vector.load %arg6[%get3A_92, %get3A_93] : memref<64x64xf32, #tpu.memory_space<vmem>>, vector<64x64xf32>
    %dot_general3A = arith.constant dense<0.000000e+00> : vector<400x64xf32>
    %dot_general3A_95 = tpu.matmul %max3A_91, %get3A_94, %dot_general3A {dimension_numbers = #tpu.dot_dimension_numbers<[1], [0], [0], [1], [0, 0, 1, 1], [], []>, transpose_lhs_hint = false} : vector<400x64xf32>, vector<64x64xf32>, vector<400x64xf32> -> vector<400x64xf32>
    %get3A_96 = arith.constant 0 : index
    %get3A_97 = arith.constant 0 : index
    %get3A_98 = vector.load %arg8[%get3A_96, %get3A_97] : memref<1x64xf32, #tpu.memory_space<vmem>>, vector<1x64xf32>
    %add3A_99 = vector.broadcast %get3A_98 : vector<1x64xf32> to vector<400x64xf32>
    %add3A_100 = arith.addf %dot_general3A_95, %add3A_99 : vector<400x64xf32>
    %broadcast_in_dim3A_101 = arith.constant -3.000000e+38 : f32
    %broadcast_in_dim3A_102 = vector.broadcast %broadcast_in_dim3A_101 : f32 to vector<400x64xf32>
    %get3A_103 = arith.constant 0 : index
    %get3A_104 = arith.constant 0 : index
    %get3A_105 = arith.constant 0 : index
    %get3A_106 = arith.constant 0 : index
    %get3A_107 = vector.load %arg3[%get3A_103, %get3A_104, %get3A_105, %get3A_106] : memref<1x20x400x128xf32, #tpu.memory_space<vmem>>, vector<1x1x400x128xf32>
    %get3A_108 = vector.shape_cast %get3A_107 : vector<1x1x400x128xf32> to vector<400x128xf32>
    %slice3A_109 = vector.extract_strided_slice %get3A_108 {offsets = [0, 0], sizes = [400, 64], strides = [1, 1]} : vector<400x128xf32> to vector<400x64xf32>
    %sub3A_110 = arith.subf %get3A_3, %slice3A_109 : vector<400x64xf32>
    %sub3A_111 = vector.broadcast %div3A_69 : vector<1x64xf32> to vector<400x64xf32>
    %sub3A_112 = arith.subf %sub3A_110, %sub3A_111 : vector<400x64xf32>
    %mul3A_113 = vector.broadcast %mul3A_85 : vector<1x64xf32> to vector<400x64xf32>
    %mul3A_114 = arith.mulf %sub3A_112, %mul3A_113 : vector<400x64xf32>
    %max3A_115 = arith.constant 0.000000e+00 : f32
    %max3A_116 = vector.broadcast %max3A_115 : f32 to vector<400x64xf32>
    %max3A_117 = arith.maximumf %mul3A_114, %max3A_116 : vector<400x64xf32>
    %get3A_118 = arith.constant 0 : index
    %get3A_119 = arith.constant 0 : index
    %get3A_120 = vector.load %arg7[%get3A_118, %get3A_119] : memref<64x64xf32, #tpu.memory_space<vmem>>, vector<64x64xf32>
    %dot_general3A_121 = arith.constant dense<0.000000e+00> : vector<400x64xf32>
    %dot_general3A_122 = tpu.matmul %max3A_117, %get3A_120, %dot_general3A_121 {dimension_numbers = #tpu.dot_dimension_numbers<[1], [0], [0], [1], [0, 0, 1, 1], [], []>, transpose_lhs_hint = false} : vector<400x64xf32>, vector<64x64xf32>, vector<400x64xf32> -> vector<400x64xf32>
    %add3A_123 = arith.addf %add3A_100, %dot_general3A_122 : vector<400x64xf32>
    %get3A_124 = arith.constant 0 : index
    %get3A_125 = arith.constant 0 : index
    %get3A_126 = vector.load %arg9[%get3A_124, %get3A_125] : memref<64x64xf32, #tpu.memory_space<vmem>>, vector<64x64xf32>
    %dot_general3A_127 = arith.constant dense<0.000000e+00> : vector<400x64xf32>
    %dot_general3A_128 = tpu.matmul %add3A_123, %get3A_126, %dot_general3A_127 {dimension_numbers = #tpu.dot_dimension_numbers<[1], [0], [0], [1], [0, 0, 1, 1], [], []>, transpose_lhs_hint = false} : vector<400x64xf32>, vector<64x64xf32>, vector<400x64xf32> -> vector<400x64xf32>
    %get3A_129 = arith.constant 0 : index
    %get3A_130 = arith.constant 0 : index
    %get3A_131 = vector.load %arg10[%get3A_129, %get3A_130] : memref<1x64xf32, #tpu.memory_space<vmem>>, vector<1x64xf32>
    %add3A_132 = vector.broadcast %get3A_131 : vector<1x64xf32> to vector<400x64xf32>
    %add3A_133 = arith.addf %dot_general3A_128, %add3A_132 : vector<400x64xf32>
    %get3A_134 = arith.constant 0 : index
    %get3A_135 = arith.constant 0 : index
    %get3A_136 = vector.load %arg11[%get3A_134, %get3A_135] : memref<64x64xf32, #tpu.memory_space<vmem>>, vector<64x64xf32>
    %dot_general3A_137 = arith.constant dense<0.000000e+00> : vector<400x64xf32>
    %dot_general3A_138 = tpu.matmul %add3A_123, %get3A_136, %dot_general3A_137 {dimension_numbers = #tpu.dot_dimension_numbers<[1], [0], [0], [1], [0, 0, 1, 1], [], []>, transpose_lhs_hint = false} : vector<400x64xf32>, vector<64x64xf32>, vector<400x64xf32> -> vector<400x64xf32>
    %get3A_139 = arith.constant 0 : index
    %get3A_140 = arith.constant 0 : index
    %get3A_141 = vector.load %arg12[%get3A_139, %get3A_140] : memref<1x64xf32, #tpu.memory_space<vmem>>, vector<1x64xf32>
    %add3A_142 = vector.broadcast %get3A_141 : vector<1x64xf32> to vector<400x64xf32>
    %add3A_143 = arith.addf %dot_general3A_138, %add3A_142 : vector<400x64xf32>
    %get3A_144 = arith.constant 0 : index
    %get3A_145 = arith.constant 0 : index
    %get3A_146 = vector.load %arg13[%get3A_144, %get3A_145] : memref<64x64xf32, #tpu.memory_space<vmem>>, vector<64x64xf32>
    %dot_general3A_147 = arith.constant dense<0.000000e+00> : vector<400x64xf32>
    %dot_general3A_148 = tpu.matmul %add3A_123, %get3A_146, %dot_general3A_147 {dimension_numbers = #tpu.dot_dimension_numbers<[1], [0], [0], [1], [0, 0, 1, 1], [], []>, transpose_lhs_hint = false} : vector<400x64xf32>, vector<64x64xf32>, vector<400x64xf32> -> vector<400x64xf32>
    %get3A_149 = arith.constant 0 : index
    %get3A_150 = arith.constant 0 : index
    %get3A_151 = vector.load %arg14[%get3A_149, %get3A_150] : memref<1x64xf32, #tpu.memory_space<vmem>>, vector<1x64xf32>
    %add3A_152 = vector.broadcast %get3A_151 : vector<1x64xf32> to vector<400x64xf32>
    %add3A_153 = arith.addf %dot_general3A_148, %add3A_152 : vector<400x64xf32>
    %mul3A_154 = arith.mulf %add3A_133, %add3A_143 : vector<400x64xf32>
    %max3A_155 = arith.maximumf %broadcast_in_dim3A_102, %mul3A_154 : vector<400x64xf32>
    %get3A_156 = arith.constant 0 : index
    %get3A_157 = arith.constant 1 : index
    %get3A_158 = arith.constant 0 : index
    %get3A_159 = arith.constant 0 : index
    %get3A_160 = vector.load %arg3[%get3A_156, %get3A_157, %get3A_158, %get3A_159] : memref<1x20x400x128xf32, #tpu.memory_space<vmem>>, vector<1x1x400x128xf32>
    %get3A_161 = vector.shape_cast %get3A_160 : vector<1x1x400x128xf32> to vector<400x128xf32>
    %slice3A_162 = vector.extract_strided_slice %get3A_161 {offsets = [0, 0], sizes = [400, 64], strides = [1, 1]} : vector<400x128xf32> to vector<400x64xf32>
    %sub3A_163 = arith.subf %get3A_3, %slice3A_162 : vector<400x64xf32>
    %sub3A_164 = vector.broadcast %div3A_69 : vector<1x64xf32> to vector<400x64xf32>
    %sub3A_165 = arith.subf %sub3A_163, %sub3A_164 : vector<400x64xf32>
    %mul3A_166 = vector.broadcast %mul3A_85 : vector<1x64xf32> to vector<400x64xf32>
    %mul3A_167 = arith.mulf %sub3A_165, %mul3A_166 : vector<400x64xf32>
    %max3A_168 = arith.constant 0.000000e+00 : f32
    %max3A_169 = vector.broadcast %max3A_168 : f32 to vector<400x64xf32>
    %max3A_170 = arith.maximumf %mul3A_167, %max3A_169 : vector<400x64xf32>
    %get3A_171 = arith.constant 0 : index
    %get3A_172 = arith.constant 0 : index
    %get3A_173 = vector.load %arg7[%get3A_171, %get3A_172] : memref<64x64xf32, #tpu.memory_space<vmem>>, vector<64x64xf32>
    %dot_general3A_174 = arith.constant dense<0.000000e+00> : vector<400x64xf32>
    %dot_general3A_175 = tpu.matmul %max3A_170, %get3A_173, %dot_general3A_174 {dimension_numbers = #tpu.dot_dimension_numbers<[1], [0], [0], [1], [0, 0, 1, 1], [], []>, transpose_lhs_hint = false} : vector<400x64xf32>, vector<64x64xf32>, vector<400x64xf32> -> vector<400x64xf32>
    %add3A_176 = arith.addf %add3A_100, %dot_general3A_175 : vector<400x64xf32>
    %get3A_177 = arith.constant 0 : index
    %get3A_178 = arith.constant 0 : index
    %get3A_179 = vector.load %arg9[%get3A_177, %get3A_178] : memref<64x64xf32, #tpu.memory_space<vmem>>, vector<64x64xf32>
    %dot_general3A_180 = arith.constant dense<0.000000e+00> : vector<400x64xf32>
    %dot_general3A_181 = tpu.matmul %add3A_176, %get3A_179, %dot_general3A_180 {dimension_numbers = #tpu.dot_dimension_numbers<[1], [0], [0], [1], [0, 0, 1, 1], [], []>, transpose_lhs_hint = false} : vector<400x64xf32>, vector<64x64xf32>, vector<400x64xf32> -> vector<400x64xf32>
    %get3A_182 = arith.constant 0 : index
    %get3A_183 = arith.constant 0 : index
    %get3A_184 = vector.load %arg10[%get3A_182, %get3A_183] : memref<1x64xf32, #tpu.memory_space<vmem>>, vector<1x64xf32>
    %add3A_185 = vector.broadcast %get3A_184 : vector<1x64xf32> to vector<400x64xf32>
    %add3A_186 = arith.addf %dot_general3A_181, %add3A_185 : vector<400x64xf32>
    %get3A_187 = arith.constant 0 : index
    %get3A_188 = arith.constant 0 : index
    %get3A_189 = vector.load %arg11[%get3A_187, %get3A_188] : memref<64x64xf32, #tpu.memory_space<vmem>>, vector<64x64xf32>
    %dot_general3A_190 = arith.constant dense<0.000000e+00> : vector<400x64xf32>
    %dot_general3A_191 = tpu.matmul %add3A_176, %get3A_189, %dot_general3A_190 {dimension_numbers = #tpu.dot_dimension_numbers<[1], [0], [0], [1], [0, 0, 1, 1], [], []>, transpose_lhs_hint = false} : vector<400x64xf32>, vector<64x64xf32>, vector<400x64xf32> -> vector<400x64xf32>
    %get3A_192 = arith.constant 0 : index
    %get3A_193 = arith.constant 0 : index
    %get3A_194 = vector.load %arg12[%get3A_192, %get3A_193] : memref<1x64xf32, #tpu.memory_space<vmem>>, vector<1x64xf32>
    %add3A_195 = vector.broadcast %get3A_194 : vector<1x64xf32> to vector<400x64xf32>
    %add3A_196 = arith.addf %dot_general3A_191, %add3A_195 : vector<400x64xf32>
    %get3A_197 = arith.constant 0 : index
    %get3A_198 = arith.constant 0 : index
    %get3A_199 = vector.load %arg13[%get3A_197, %get3A_198] : memref<64x64xf32, #tpu.memory_space<vmem>>, vector<64x64xf32>
    %dot_general3A_200 = arith.constant dense<0.000000e+00> : vector<400x64xf32>
    %dot_general3A_201 = tpu.matmul %add3A_176, %get3A_199, %dot_general3A_200 {dimension_numbers = #tpu.dot_dimension_numbers<[1], [0], [0], [1], [0, 0, 1, 1], [], []>, transpose_lhs_hint = false} : vector<400x64xf32>, vector<64x64xf32>, vector<400x64xf32> -> vector<400x64xf32>
    %get3A_202 = arith.constant 0 : index
    %get3A_203 = arith.constant 0 : index
    %get3A_204 = vector.load %arg14[%get3A_202, %get3A_203] : memref<1x64xf32, #tpu.memory_space<vmem>>, vector<1x64xf32>
    %add3A_205 = vector.broadcast %get3A_204 : vector<1x64xf32> to vector<400x64xf32>
    %add3A_206 = arith.addf %dot_general3A_201, %add3A_205 : vector<400x64xf32>
    %mul3A_207 = arith.mulf %add3A_186, %add3A_196 : vector<400x64xf32>
    %max3A_208 = arith.maximumf %max3A_155, %mul3A_207 : vector<400x64xf32>
    %get3A_209 = arith.constant 0 : index
    %get3A_210 = arith.constant 2 : index
    %get3A_211 = arith.constant 0 : index
    %get3A_212 = arith.constant 0 : index
    %get3A_213 = vector.load %arg3[%get3A_209, %get3A_210, %get3A_211, %get3A_212] : memref<1x20x400x128xf32, #tpu.memory_space<vmem>>, vector<1x1x400x128xf32>
    %get3A_214 = vector.shape_cast %get3A_213 : vector<1x1x400x128xf32> to vector<400x128xf32>
    %slice3A_215 = vector.extract_strided_slice %get3A_214 {offsets = [0, 0], sizes = [400, 64], strides = [1, 1]} : vector<400x128xf32> to vector<400x64xf32>
    %sub3A_216 = arith.subf %get3A_3, %slice3A_215 : vector<400x64xf32>
    %sub3A_217 = vector.broadcast %div3A_69 : vector<1x64xf32> to vector<400x64xf32>
    %sub3A_218 = arith.subf %sub3A_216, %sub3A_217 : vector<400x64xf32>
    %mul3A_219 = vector.broadcast %mul3A_85 : vector<1x64xf32> to vector<400x64xf32>
    %mul3A_220 = arith.mulf %sub3A_218, %mul3A_219 : vector<400x64xf32>
    %max3A_221 = arith.constant 0.000000e+00 : f32
    %max3A_222 = vector.broadcast %max3A_221 : f32 to vector<400x64xf32>
    %max3A_223 = arith.maximumf %mul3A_220, %max3A_222 : vector<400x64xf32>
    %get3A_224 = arith.constant 0 : index
    %get3A_225 = arith.constant 0 : index
    %get3A_226 = vector.load %arg7[%get3A_224, %get3A_225] : memref<64x64xf32, #tpu.memory_space<vmem>>, vector<64x64xf32>
    %dot_general3A_227 = arith.constant dense<0.000000e+00> : vector<400x64xf32>
    %dot_general3A_228 = tpu.matmul %max3A_223, %get3A_226, %dot_general3A_227 {dimension_numbers = #tpu.dot_dimension_numbers<[1], [0], [0], [1], [0, 0, 1, 1], [], []>, transpose_lhs_hint = false} : vector<400x64xf32>, vector<64x64xf32>, vector<400x64xf32> -> vector<400x64xf32>
    %add3A_229 = arith.addf %add3A_100, %dot_general3A_228 : vector<400x64xf32>
    %get3A_230 = arith.constant 0 : index
    %get3A_231 = arith.constant 0 : index
    %get3A_232 = vector.load %arg9[%get3A_230, %get3A_231] : memref<64x64xf32, #tpu.memory_space<vmem>>, vector<64x64xf32>
    %dot_general3A_233 = arith.constant dense<0.000000e+00> : vector<400x64xf32>
    %dot_general3A_234 = tpu.matmul %add3A_229, %get3A_232, %dot_general3A_233 {dimension_numbers = #tpu.dot_dimension_numbers<[1], [0], [0], [1], [0, 0, 1, 1], [], []>, transpose_lhs_hint = false} : vector<400x64xf32>, vector<64x64xf32>, vector<400x64xf32> -> vector<400x64xf32>
    %get3A_235 = arith.constant 0 : index
    %get3A_236 = arith.constant 0 : index
    %get3A_237 = vector.load %arg10[%get3A_235, %get3A_236] : memref<1x64xf32, #tpu.memory_space<vmem>>, vector<1x64xf32>
    %add3A_238 = vector.broadcast %get3A_237 : vector<1x64xf32> to vector<400x64xf32>
    %add3A_239 = arith.addf %dot_general3A_234, %add3A_238 : vector<400x64xf32>
    %get3A_240 = arith.constant 0 : index
    %get3A_241 = arith.constant 0 : index
    %get3A_242 = vector.load %arg11[%get3A_240, %get3A_241] : memref<64x64xf32, #tpu.memory_space<vmem>>, vector<64x64xf32>
    %dot_general3A_243 = arith.constant dense<0.000000e+00> : vector<400x64xf32>
    %dot_general3A_244 = tpu.matmul %add3A_229, %get3A_242, %dot_general3A_243 {dimension_numbers = #tpu.dot_dimension_numbers<[1], [0], [0], [1], [0, 0, 1, 1], [], []>, transpose_lhs_hint = false} : vector<400x64xf32>, vector<64x64xf32>, vector<400x64xf32> -> vector<400x64xf32>
    %get3A_245 = arith.constant 0 : index
    %get3A_246 = arith.constant 0 : index
    %get3A_247 = vector.load %arg12[%get3A_245, %get3A_246] : memref<1x64xf32, #tpu.memory_space<vmem>>, vector<1x64xf32>
    %add3A_248 = vector.broadcast %get3A_247 : vector<1x64xf32> to vector<400x64xf32>
    %add3A_249 = arith.addf %dot_general3A_244, %add3A_248 : vector<400x64xf32>
    %get3A_250 = arith.constant 0 : index
    %get3A_251 = arith.constant 0 : index
    %get3A_252 = vector.load %arg13[%get3A_250, %get3A_251] : memref<64x64xf32, #tpu.memory_space<vmem>>, vector<64x64xf32>
    %dot_general3A_253 = arith.constant dense<0.000000e+00> : vector<400x64xf32>
    %dot_general3A_254 = tpu.matmul %add3A_229, %get3A_252, %dot_general3A_253 {dimension_numbers = #tpu.dot_dimension_numbers<[1], [0], [0], [1], [0, 0, 1, 1], [], []>, transpose_lhs_hint = false} : vector<400x64xf32>, vector<64x64xf32>, vector<400x64xf32> -> vector<400x64xf32>
    %get3A_255 = arith.constant 0 : index
    %get3A_256 = arith.constant 0 : index
    %get3A_257 = vector.load %arg14[%get3A_255, %get3A_256] : memref<1x64xf32, #tpu.memory_space<vmem>>, vector<1x64xf32>
    %add3A_258 = vector.broadcast %get3A_257 : vector<1x64xf32> to vector<400x64xf32>
    %add3A_259 = arith.addf %dot_general3A_254, %add3A_258 : vector<400x64xf32>
    %mul3A_260 = arith.mulf %add3A_239, %add3A_249 : vector<400x64xf32>
    %max3A_261 = arith.maximumf %max3A_208, %mul3A_260 : vector<400x64xf32>
    %get3A_262 = arith.constant 0 : index
    %get3A_263 = arith.constant 3 : index
    %get3A_264 = arith.constant 0 : index
    %get3A_265 = arith.constant 0 : index
    %get3A_266 = vector.load %arg3[%get3A_262, %get3A_263, %get3A_264, %get3A_265] : memref<1x20x400x128xf32, #tpu.memory_space<vmem>>, vector<1x1x400x128xf32>
    %get3A_267 = vector.shape_cast %get3A_266 : vector<1x1x400x128xf32> to vector<400x128xf32>
    %slice3A_268 = vector.extract_strided_slice %get3A_267 {offsets = [0, 0], sizes = [400, 64], strides = [1, 1]} : vector<400x128xf32> to vector<400x64xf32>
    %sub3A_269 = arith.subf %get3A_3, %slice3A_268 : vector<400x64xf32>
    %sub3A_270 = vector.broadcast %div3A_69 : vector<1x64xf32> to vector<400x64xf32>
    %sub3A_271 = arith.subf %sub3A_269, %sub3A_270 : vector<400x64xf32>
    %mul3A_272 = vector.broadcast %mul3A_85 : vector<1x64xf32> to vector<400x64xf32>
    %mul3A_273 = arith.mulf %sub3A_271, %mul3A_272 : vector<400x64xf32>
    %max3A_274 = arith.constant 0.000000e+00 : f32
    %max3A_275 = vector.broadcast %max3A_274 : f32 to vector<400x64xf32>
    %max3A_276 = arith.maximumf %mul3A_273, %max3A_275 : vector<400x64xf32>
    %get3A_277 = arith.constant 0 : index
    %get3A_278 = arith.constant 0 : index
    %get3A_279 = vector.load %arg7[%get3A_277, %get3A_278] : memref<64x64xf32, #tpu.memory_space<vmem>>, vector<64x64xf32>
    %dot_general3A_280 = arith.constant dense<0.000000e+00> : vector<400x64xf32>
    %dot_general3A_281 = tpu.matmul %max3A_276, %get3A_279, %dot_general3A_280 {dimension_numbers = #tpu.dot_dimension_numbers<[1], [0], [0], [1], [0, 0, 1, 1], [], []>, transpose_lhs_hint = false} : vector<400x64xf32>, vector<64x64xf32>, vector<400x64xf32> -> vector<400x64xf32>
    %add3A_282 = arith.addf %add3A_100, %dot_general3A_281 : vector<400x64xf32>
    %get3A_283 = arith.constant 0 : index
    %get3A_284 = arith.constant 0 : index
    %get3A_285 = vector.load %arg9[%get3A_283, %get3A_284] : memref<64x64xf32, #tpu.memory_space<vmem>>, vector<64x64xf32>
    %dot_general3A_286 = arith.constant dense<0.000000e+00> : vector<400x64xf32>
    %dot_general3A_287 = tpu.matmul %add3A_282, %get3A_285, %dot_general3A_286 {dimension_numbers = #tpu.dot_dimension_numbers<[1], [0], [0], [1], [0, 0, 1, 1], [], []>, transpose_lhs_hint = false} : vector<400x64xf32>, vector<64x64xf32>, vector<400x64xf32> -> vector<400x64xf32>
    %get3A_288 = arith.constant 0 : index
    %get3A_289 = arith.constant 0 : index
    %get3A_290 = vector.load %arg10[%get3A_288, %get3A_289] : memref<1x64xf32, #tpu.memory_space<vmem>>, vector<1x64xf32>
    %add3A_291 = vector.broadcast %get3A_290 : vector<1x64xf32> to vector<400x64xf32>
    %add3A_292 = arith.addf %dot_general3A_287, %add3A_291 : vector<400x64xf32>
    %get3A_293 = arith.constant 0 : index
    %get3A_294 = arith.constant 0 : index
    %get3A_295 = vector.load %arg11[%get3A_293, %get3A_294] : memref<64x64xf32, #tpu.memory_space<vmem>>, vector<64x64xf32>
    %dot_general3A_296 = arith.constant dense<0.000000e+00> : vector<400x64xf32>
    %dot_general3A_297 = tpu.matmul %add3A_282, %get3A_295, %dot_general3A_296 {dimension_numbers = #tpu.dot_dimension_numbers<[1], [0], [0], [1], [0, 0, 1, 1], [], []>, transpose_lhs_hint = false} : vector<400x64xf32>, vector<64x64xf32>, vector<400x64xf32> -> vector<400x64xf32>
    %get3A_298 = arith.constant 0 : index
    %get3A_299 = arith.constant 0 : index
    %get3A_300 = vector.load %arg12[%get3A_298, %get3A_299] : memref<1x64xf32, #tpu.memory_space<vmem>>, vector<1x64xf32>
    %add3A_301 = vector.broadcast %get3A_300 : vector<1x64xf32> to vector<400x64xf32>
    %add3A_302 = arith.addf %dot_general3A_297, %add3A_301 : vector<400x64xf32>
    %get3A_303 = arith.constant 0 : index
    %get3A_304 = arith.constant 0 : index
    %get3A_305 = vector.load %arg13[%get3A_303, %get3A_304] : memref<64x64xf32, #tpu.memory_space<vmem>>, vector<64x64xf32>
    %dot_general3A_306 = arith.constant dense<0.000000e+00> : vector<400x64xf32>
    %dot_general3A_307 = tpu.matmul %add3A_282, %get3A_305, %dot_general3A_306 {dimension_numbers = #tpu.dot_dimension_numbers<[1], [0], [0], [1], [0, 0, 1, 1], [], []>, transpose_lhs_hint = false} : vector<400x64xf32>, vector<64x64xf32>, vector<400x64xf32> -> vector<400x64xf32>
    %get3A_308 = arith.constant 0 : index
    %get3A_309 = arith.constant 0 : index
    %get3A_310 = vector.load %arg14[%get3A_308, %get3A_309] : memref<1x64xf32, #tpu.memory_space<vmem>>, vector<1x64xf32>
    %add3A_311 = vector.broadcast %get3A_310 : vector<1x64xf32> to vector<400x64xf32>
    %add3A_312 = arith.addf %dot_general3A_307, %add3A_311 : vector<400x64xf32>
    %mul3A_313 = arith.mulf %add3A_292, %add3A_302 : vector<400x64xf32>
    %max3A_314 = arith.maximumf %max3A_261, %mul3A_313 : vector<400x64xf32>
    %get3A_315 = arith.constant 0 : index
    %get3A_316 = arith.constant 4 : index
    %get3A_317 = arith.constant 0 : index
    %get3A_318 = arith.constant 0 : index
    %get3A_319 = vector.load %arg3[%get3A_315, %get3A_316, %get3A_317, %get3A_318] : memref<1x20x400x128xf32, #tpu.memory_space<vmem>>, vector<1x1x400x128xf32>
    %get3A_320 = vector.shape_cast %get3A_319 : vector<1x1x400x128xf32> to vector<400x128xf32>
    %slice3A_321 = vector.extract_strided_slice %get3A_320 {offsets = [0, 0], sizes = [400, 64], strides = [1, 1]} : vector<400x128xf32> to vector<400x64xf32>
    %sub3A_322 = arith.subf %get3A_3, %slice3A_321 : vector<400x64xf32>
    %sub3A_323 = vector.broadcast %div3A_69 : vector<1x64xf32> to vector<400x64xf32>
    %sub3A_324 = arith.subf %sub3A_322, %sub3A_323 : vector<400x64xf32>
    %mul3A_325 = vector.broadcast %mul3A_85 : vector<1x64xf32> to vector<400x64xf32>
    %mul3A_326 = arith.mulf %sub3A_324, %mul3A_325 : vector<400x64xf32>
    %max3A_327 = arith.constant 0.000000e+00 : f32
    %max3A_328 = vector.broadcast %max3A_327 : f32 to vector<400x64xf32>
    %max3A_329 = arith.maximumf %mul3A_326, %max3A_328 : vector<400x64xf32>
    %get3A_330 = arith.constant 0 : index
    %get3A_331 = arith.constant 0 : index
    %get3A_332 = vector.load %arg7[%get3A_330, %get3A_331] : memref<64x64xf32, #tpu.memory_space<vmem>>, vector<64x64xf32>
    %dot_general3A_333 = arith.constant dense<0.000000e+00> : vector<400x64xf32>
    %dot_general3A_334 = tpu.matmul %max3A_329, %get3A_332, %dot_general3A_333 {dimension_numbers = #tpu.dot_dimension_numbers<[1], [0], [0], [1], [0, 0, 1, 1], [], []>, transpose_lhs_hint = false} : vector<400x64xf32>, vector<64x64xf32>, vector<400x64xf32> -> vector<400x64xf32>
    %add3A_335 = arith.addf %add3A_100, %dot_general3A_334 : vector<400x64xf32>
    %get3A_336 = arith.constant 0 : index
    %get3A_337 = arith.constant 0 : index
    %get3A_338 = vector.load %arg9[%get3A_336, %get3A_337] : memref<64x64xf32, #tpu.memory_space<vmem>>, vector<64x64xf32>
    %dot_general3A_339 = arith.constant dense<0.000000e+00> : vector<400x64xf32>
    %dot_general3A_340 = tpu.matmul %add3A_335, %get3A_338, %dot_general3A_339 {dimension_numbers = #tpu.dot_dimension_numbers<[1], [0], [0], [1], [0, 0, 1, 1], [], []>, transpose_lhs_hint = false} : vector<400x64xf32>, vector<64x64xf32>, vector<400x64xf32> -> vector<400x64xf32>
    %get3A_341 = arith.constant 0 : index
    %get3A_342 = arith.constant 0 : index
    %get3A_343 = vector.load %arg10[%get3A_341, %get3A_342] : memref<1x64xf32, #tpu.memory_space<vmem>>, vector<1x64xf32>
    %add3A_344 = vector.broadcast %get3A_343 : vector<1x64xf32> to vector<400x64xf32>
    %add3A_345 = arith.addf %dot_general3A_340, %add3A_344 : vector<400x64xf32>
    %get3A_346 = arith.constant 0 : index
    %get3A_347 = arith.constant 0 : index
    %get3A_348 = vector.load %arg11[%get3A_346, %get3A_347] : memref<64x64xf32, #tpu.memory_space<vmem>>, vector<64x64xf32>
    %dot_general3A_349 = arith.constant dense<0.000000e+00> : vector<400x64xf32>
    %dot_general3A_350 = tpu.matmul %add3A_335, %get3A_348, %dot_general3A_349 {dimension_numbers = #tpu.dot_dimension_numbers<[1], [0], [0], [1], [0, 0, 1, 1], [], []>, transpose_lhs_hint = false} : vector<400x64xf32>, vector<64x64xf32>, vector<400x64xf32> -> vector<400x64xf32>
    %get3A_351 = arith.constant 0 : index
    %get3A_352 = arith.constant 0 : index
    %get3A_353 = vector.load %arg12[%get3A_351, %get3A_352] : memref<1x64xf32, #tpu.memory_space<vmem>>, vector<1x64xf32>
    %add3A_354 = vector.broadcast %get3A_353 : vector<1x64xf32> to vector<400x64xf32>
    %add3A_355 = arith.addf %dot_general3A_350, %add3A_354 : vector<400x64xf32>
    %get3A_356 = arith.constant 0 : index
    %get3A_357 = arith.constant 0 : index
    %get3A_358 = vector.load %arg13[%get3A_356, %get3A_357] : memref<64x64xf32, #tpu.memory_space<vmem>>, vector<64x64xf32>
    %dot_general3A_359 = arith.constant dense<0.000000e+00> : vector<400x64xf32>
    %dot_general3A_360 = tpu.matmul %add3A_335, %get3A_358, %dot_general3A_359 {dimension_numbers = #tpu.dot_dimension_numbers<[1], [0], [0], [1], [0, 0, 1, 1], [], []>, transpose_lhs_hint = false} : vector<400x64xf32>, vector<64x64xf32>, vector<400x64xf32> -> vector<400x64xf32>
    %get3A_361 = arith.constant 0 : index
    %get3A_362 = arith.constant 0 : index
    %get3A_363 = vector.load %arg14[%get3A_361, %get3A_362] : memref<1x64xf32, #tpu.memory_space<vmem>>, vector<1x64xf32>
    %add3A_364 = vector.broadcast %get3A_363 : vector<1x64xf32> to vector<400x64xf32>
    %add3A_365 = arith.addf %dot_general3A_360, %add3A_364 : vector<400x64xf32>
    %mul3A_366 = arith.mulf %add3A_345, %add3A_355 : vector<400x64xf32>
    %max3A_367 = arith.maximumf %max3A_314, %mul3A_366 : vector<400x64xf32>
    %get3A_368 = arith.constant 0 : index
    %get3A_369 = arith.constant 5 : index
    %get3A_370 = arith.constant 0 : index
    %get3A_371 = arith.constant 0 : index
    %get3A_372 = vector.load %arg3[%get3A_368, %get3A_369, %get3A_370, %get3A_371] : memref<1x20x400x128xf32, #tpu.memory_space<vmem>>, vector<1x1x400x128xf32>
    %get3A_373 = vector.shape_cast %get3A_372 : vector<1x1x400x128xf32> to vector<400x128xf32>
    %slice3A_374 = vector.extract_strided_slice %get3A_373 {offsets = [0, 0], sizes = [400, 64], strides = [1, 1]} : vector<400x128xf32> to vector<400x64xf32>
    %sub3A_375 = arith.subf %get3A_3, %slice3A_374 : vector<400x64xf32>
    %sub3A_376 = vector.broadcast %div3A_69 : vector<1x64xf32> to vector<400x64xf32>
    %sub3A_377 = arith.subf %sub3A_375, %sub3A_376 : vector<400x64xf32>
    %mul3A_378 = vector.broadcast %mul3A_85 : vector<1x64xf32> to vector<400x64xf32>
    %mul3A_379 = arith.mulf %sub3A_377, %mul3A_378 : vector<400x64xf32>
    %max3A_380 = arith.constant 0.000000e+00 : f32
    %max3A_381 = vector.broadcast %max3A_380 : f32 to vector<400x64xf32>
    %max3A_382 = arith.maximumf %mul3A_379, %max3A_381 : vector<400x64xf32>
    %get3A_383 = arith.constant 0 : index
    %get3A_384 = arith.constant 0 : index
    %get3A_385 = vector.load %arg7[%get3A_383, %get3A_384] : memref<64x64xf32, #tpu.memory_space<vmem>>, vector<64x64xf32>
    %dot_general3A_386 = arith.constant dense<0.000000e+00> : vector<400x64xf32>
    %dot_general3A_387 = tpu.matmul %max3A_382, %get3A_385, %dot_general3A_386 {dimension_numbers = #tpu.dot_dimension_numbers<[1], [0], [0], [1], [0, 0, 1, 1], [], []>, transpose_lhs_hint = false} : vector<400x64xf32>, vector<64x64xf32>, vector<400x64xf32> -> vector<400x64xf32>
    %add3A_388 = arith.addf %add3A_100, %dot_general3A_387 : vector<400x64xf32>
    %get3A_389 = arith.constant 0 : index
    %get3A_390 = arith.constant 0 : index
    %get3A_391 = vector.load %arg9[%get3A_389, %get3A_390] : memref<64x64xf32, #tpu.memory_space<vmem>>, vector<64x64xf32>
    %dot_general3A_392 = arith.constant dense<0.000000e+00> : vector<400x64xf32>
    %dot_general3A_393 = tpu.matmul %add3A_388, %get3A_391, %dot_general3A_392 {dimension_numbers = #tpu.dot_dimension_numbers<[1], [0], [0], [1], [0, 0, 1, 1], [], []>, transpose_lhs_hint = false} : vector<400x64xf32>, vector<64x64xf32>, vector<400x64xf32> -> vector<400x64xf32>
    %get3A_394 = arith.constant 0 : index
    %get3A_395 = arith.constant 0 : index
    %get3A_396 = vector.load %arg10[%get3A_394, %get3A_395] : memref<1x64xf32, #tpu.memory_space<vmem>>, vector<1x64xf32>
    %add3A_397 = vector.broadcast %get3A_396 : vector<1x64xf32> to vector<400x64xf32>
    %add3A_398 = arith.addf %dot_general3A_393, %add3A_397 : vector<400x64xf32>
    %get3A_399 = arith.constant 0 : index
    %get3A_400 = arith.constant 0 : index
    %get3A_401 = vector.load %arg11[%get3A_399, %get3A_400] : memref<64x64xf32, #tpu.memory_space<vmem>>, vector<64x64xf32>
    %dot_general3A_402 = arith.constant dense<0.000000e+00> : vector<400x64xf32>
    %dot_general3A_403 = tpu.matmul %add3A_388, %get3A_401, %dot_general3A_402 {dimension_numbers = #tpu.dot_dimension_numbers<[1], [0], [0], [1], [0, 0, 1, 1], [], []>, transpose_lhs_hint = false} : vector<400x64xf32>, vector<64x64xf32>, vector<400x64xf32> -> vector<400x64xf32>
    %get3A_404 = arith.constant 0 : index
    %get3A_405 = arith.constant 0 : index
    %get3A_406 = vector.load %arg12[%get3A_404, %get3A_405] : memref<1x64xf32, #tpu.memory_space<vmem>>, vector<1x64xf32>
    %add3A_407 = vector.broadcast %get3A_406 : vector<1x64xf32> to vector<400x64xf32>
    %add3A_408 = arith.addf %dot_general3A_403, %add3A_407 : vector<400x64xf32>
    %get3A_409 = arith.constant 0 : index
    %get3A_410 = arith.constant 0 : index
    %get3A_411 = vector.load %arg13[%get3A_409, %get3A_410] : memref<64x64xf32, #tpu.memory_space<vmem>>, vector<64x64xf32>
    %dot_general3A_412 = arith.constant dense<0.000000e+00> : vector<400x64xf32>
    %dot_general3A_413 = tpu.matmul %add3A_388, %get3A_411, %dot_general3A_412 {dimension_numbers = #tpu.dot_dimension_numbers<[1], [0], [0], [1], [0, 0, 1, 1], [], []>, transpose_lhs_hint = false} : vector<400x64xf32>, vector<64x64xf32>, vector<400x64xf32> -> vector<400x64xf32>
    %get3A_414 = arith.constant 0 : index
    %get3A_415 = arith.constant 0 : index
    %get3A_416 = vector.load %arg14[%get3A_414, %get3A_415] : memref<1x64xf32, #tpu.memory_space<vmem>>, vector<1x64xf32>
    %add3A_417 = vector.broadcast %get3A_416 : vector<1x64xf32> to vector<400x64xf32>
    %add3A_418 = arith.addf %dot_general3A_413, %add3A_417 : vector<400x64xf32>
    %mul3A_419 = arith.mulf %add3A_398, %add3A_408 : vector<400x64xf32>
    %max3A_420 = arith.maximumf %max3A_367, %mul3A_419 : vector<400x64xf32>
    %get3A_421 = arith.constant 0 : index
    %get3A_422 = arith.constant 6 : index
    %get3A_423 = arith.constant 0 : index
    %get3A_424 = arith.constant 0 : index
    %get3A_425 = vector.load %arg3[%get3A_421, %get3A_422, %get3A_423, %get3A_424] : memref<1x20x400x128xf32, #tpu.memory_space<vmem>>, vector<1x1x400x128xf32>
    %get3A_426 = vector.shape_cast %get3A_425 : vector<1x1x400x128xf32> to vector<400x128xf32>
    %slice3A_427 = vector.extract_strided_slice %get3A_426 {offsets = [0, 0], sizes = [400, 64], strides = [1, 1]} : vector<400x128xf32> to vector<400x64xf32>
    %sub3A_428 = arith.subf %get3A_3, %slice3A_427 : vector<400x64xf32>
    %sub3A_429 = vector.broadcast %div3A_69 : vector<1x64xf32> to vector<400x64xf32>
    %sub3A_430 = arith.subf %sub3A_428, %sub3A_429 : vector<400x64xf32>
    %mul3A_431 = vector.broadcast %mul3A_85 : vector<1x64xf32> to vector<400x64xf32>
    %mul3A_432 = arith.mulf %sub3A_430, %mul3A_431 : vector<400x64xf32>
    %max3A_433 = arith.constant 0.000000e+00 : f32
    %max3A_434 = vector.broadcast %max3A_433 : f32 to vector<400x64xf32>
    %max3A_435 = arith.maximumf %mul3A_432, %max3A_434 : vector<400x64xf32>
    %get3A_436 = arith.constant 0 : index
    %get3A_437 = arith.constant 0 : index
    %get3A_438 = vector.load %arg7[%get3A_436, %get3A_437] : memref<64x64xf32, #tpu.memory_space<vmem>>, vector<64x64xf32>
    %dot_general3A_439 = arith.constant dense<0.000000e+00> : vector<400x64xf32>
    %dot_general3A_440 = tpu.matmul %max3A_435, %get3A_438, %dot_general3A_439 {dimension_numbers = #tpu.dot_dimension_numbers<[1], [0], [0], [1], [0, 0, 1, 1], [], []>, transpose_lhs_hint = false} : vector<400x64xf32>, vector<64x64xf32>, vector<400x64xf32> -> vector<400x64xf32>
    %add3A_441 = arith.addf %add3A_100, %dot_general3A_440 : vector<400x64xf32>
    %get3A_442 = arith.constant 0 : index
    %get3A_443 = arith.constant 0 : index
    %get3A_444 = vector.load %arg9[%get3A_442, %get3A_443] : memref<64x64xf32, #tpu.memory_space<vmem>>, vector<64x64xf32>
    %dot_general3A_445 = arith.constant dense<0.000000e+00> : vector<400x64xf32>
    %dot_general3A_446 = tpu.matmul %add3A_441, %get3A_444, %dot_general3A_445 {dimension_numbers = #tpu.dot_dimension_numbers<[1], [0], [0], [1], [0, 0, 1, 1], [], []>, transpose_lhs_hint = false} : vector<400x64xf32>, vector<64x64xf32>, vector<400x64xf32> -> vector<400x64xf32>
    %get3A_447 = arith.constant 0 : index
    %get3A_448 = arith.constant 0 : index
    %get3A_449 = vector.load %arg10[%get3A_447, %get3A_448] : memref<1x64xf32, #tpu.memory_space<vmem>>, vector<1x64xf32>
    %add3A_450 = vector.broadcast %get3A_449 : vector<1x64xf32> to vector<400x64xf32>
    %add3A_451 = arith.addf %dot_general3A_446, %add3A_450 : vector<400x64xf32>
    %get3A_452 = arith.constant 0 : index
    %get3A_453 = arith.constant 0 : index
    %get3A_454 = vector.load %arg11[%get3A_452, %get3A_453] : memref<64x64xf32, #tpu.memory_space<vmem>>, vector<64x64xf32>
    %dot_general3A_455 = arith.constant dense<0.000000e+00> : vector<400x64xf32>
    %dot_general3A_456 = tpu.matmul %add3A_441, %get3A_454, %dot_general3A_455 {dimension_numbers = #tpu.dot_dimension_numbers<[1], [0], [0], [1], [0, 0, 1, 1], [], []>, transpose_lhs_hint = false} : vector<400x64xf32>, vector<64x64xf32>, vector<400x64xf32> -> vector<400x64xf32>
    %get3A_457 = arith.constant 0 : index
    %get3A_458 = arith.constant 0 : index
    %get3A_459 = vector.load %arg12[%get3A_457, %get3A_458] : memref<1x64xf32, #tpu.memory_space<vmem>>, vector<1x64xf32>
    %add3A_460 = vector.broadcast %get3A_459 : vector<1x64xf32> to vector<400x64xf32>
    %add3A_461 = arith.addf %dot_general3A_456, %add3A_460 : vector<400x64xf32>
    %get3A_462 = arith.constant 0 : index
    %get3A_463 = arith.constant 0 : index
    %get3A_464 = vector.load %arg13[%get3A_462, %get3A_463] : memref<64x64xf32, #tpu.memory_space<vmem>>, vector<64x64xf32>
    %dot_general3A_465 = arith.constant dense<0.000000e+00> : vector<400x64xf32>
    %dot_general3A_466 = tpu.matmul %add3A_441, %get3A_464, %dot_general3A_465 {dimension_numbers = #tpu.dot_dimension_numbers<[1], [0], [0], [1], [0, 0, 1, 1], [], []>, transpose_lhs_hint = false} : vector<400x64xf32>, vector<64x64xf32>, vector<400x64xf32> -> vector<400x64xf32>
    %get3A_467 = arith.constant 0 : index
    %get3A_468 = arith.constant 0 : index
    %get3A_469 = vector.load %arg14[%get3A_467, %get3A_468] : memref<1x64xf32, #tpu.memory_space<vmem>>, vector<1x64xf32>
    %add3A_470 = vector.broadcast %get3A_469 : vector<1x64xf32> to vector<400x64xf32>
    %add3A_471 = arith.addf %dot_general3A_466, %add3A_470 : vector<400x64xf32>
    %mul3A_472 = arith.mulf %add3A_451, %add3A_461 : vector<400x64xf32>
    %max3A_473 = arith.maximumf %max3A_420, %mul3A_472 : vector<400x64xf32>
    %get3A_474 = arith.constant 0 : index
    %get3A_475 = arith.constant 7 : index
    %get3A_476 = arith.constant 0 : index
    %get3A_477 = arith.constant 0 : index
    %get3A_478 = vector.load %arg3[%get3A_474, %get3A_475, %get3A_476, %get3A_477] : memref<1x20x400x128xf32, #tpu.memory_space<vmem>>, vector<1x1x400x128xf32>
    %get3A_479 = vector.shape_cast %get3A_478 : vector<1x1x400x128xf32> to vector<400x128xf32>
    %slice3A_480 = vector.extract_strided_slice %get3A_479 {offsets = [0, 0], sizes = [400, 64], strides = [1, 1]} : vector<400x128xf32> to vector<400x64xf32>
    %sub3A_481 = arith.subf %get3A_3, %slice3A_480 : vector<400x64xf32>
    %sub3A_482 = vector.broadcast %div3A_69 : vector<1x64xf32> to vector<400x64xf32>
    %sub3A_483 = arith.subf %sub3A_481, %sub3A_482 : vector<400x64xf32>
    %mul3A_484 = vector.broadcast %mul3A_85 : vector<1x64xf32> to vector<400x64xf32>
    %mul3A_485 = arith.mulf %sub3A_483, %mul3A_484 : vector<400x64xf32>
    %max3A_486 = arith.constant 0.000000e+00 : f32
    %max3A_487 = vector.broadcast %max3A_486 : f32 to vector<400x64xf32>
    %max3A_488 = arith.maximumf %mul3A_485, %max3A_487 : vector<400x64xf32>
    %get3A_489 = arith.constant 0 : index
    %get3A_490 = arith.constant 0 : index
    %get3A_491 = vector.load %arg7[%get3A_489, %get3A_490] : memref<64x64xf32, #tpu.memory_space<vmem>>, vector<64x64xf32>
    %dot_general3A_492 = arith.constant dense<0.000000e+00> : vector<400x64xf32>
    %dot_general3A_493 = tpu.matmul %max3A_488, %get3A_491, %dot_general3A_492 {dimension_numbers = #tpu.dot_dimension_numbers<[1], [0], [0], [1], [0, 0, 1, 1], [], []>, transpose_lhs_hint = false} : vector<400x64xf32>, vector<64x64xf32>, vector<400x64xf32> -> vector<400x64xf32>
    %add3A_494 = arith.addf %add3A_100, %dot_general3A_493 : vector<400x64xf32>
    %get3A_495 = arith.constant 0 : index
    %get3A_496 = arith.constant 0 : index
    %get3A_497 = vector.load %arg9[%get3A_495, %get3A_496] : memref<64x64xf32, #tpu.memory_space<vmem>>, vector<64x64xf32>
    %dot_general3A_498 = arith.constant dense<0.000000e+00> : vector<400x64xf32>
    %dot_general3A_499 = tpu.matmul %add3A_494, %get3A_497, %dot_general3A_498 {dimension_numbers = #tpu.dot_dimension_numbers<[1], [0], [0], [1], [0, 0, 1, 1], [], []>, transpose_lhs_hint = false} : vector<400x64xf32>, vector<64x64xf32>, vector<400x64xf32> -> vector<400x64xf32>
    %get3A_500 = arith.constant 0 : index
    %get3A_501 = arith.constant 0 : index
    %get3A_502 = vector.load %arg10[%get3A_500, %get3A_501] : memref<1x64xf32, #tpu.memory_space<vmem>>, vector<1x64xf32>
    %add3A_503 = vector.broadcast %get3A_502 : vector<1x64xf32> to vector<400x64xf32>
    %add3A_504 = arith.addf %dot_general3A_499, %add3A_503 : vector<400x64xf32>
    %get3A_505 = arith.constant 0 : index
    %get3A_506 = arith.constant 0 : index
    %get3A_507 = vector.load %arg11[%get3A_505, %get3A_506] : memref<64x64xf32, #tpu.memory_space<vmem>>, vector<64x64xf32>
    %dot_general3A_508 = arith.constant dense<0.000000e+00> : vector<400x64xf32>
    %dot_general3A_509 = tpu.matmul %add3A_494, %get3A_507, %dot_general3A_508 {dimension_numbers = #tpu.dot_dimension_numbers<[1], [0], [0], [1], [0, 0, 1, 1], [], []>, transpose_lhs_hint = false} : vector<400x64xf32>, vector<64x64xf32>, vector<400x64xf32> -> vector<400x64xf32>
    %get3A_510 = arith.constant 0 : index
    %get3A_511 = arith.constant 0 : index
    %get3A_512 = vector.load %arg12[%get3A_510, %get3A_511] : memref<1x64xf32, #tpu.memory_space<vmem>>, vector<1x64xf32>
    %add3A_513 = vector.broadcast %get3A_512 : vector<1x64xf32> to vector<400x64xf32>
    %add3A_514 = arith.addf %dot_general3A_509, %add3A_513 : vector<400x64xf32>
    %get3A_515 = arith.constant 0 : index
    %get3A_516 = arith.constant 0 : index
    %get3A_517 = vector.load %arg13[%get3A_515, %get3A_516] : memref<64x64xf32, #tpu.memory_space<vmem>>, vector<64x64xf32>
    %dot_general3A_518 = arith.constant dense<0.000000e+00> : vector<400x64xf32>
    %dot_general3A_519 = tpu.matmul %add3A_494, %get3A_517, %dot_general3A_518 {dimension_numbers = #tpu.dot_dimension_numbers<[1], [0], [0], [1], [0, 0, 1, 1], [], []>, transpose_lhs_hint = false} : vector<400x64xf32>, vector<64x64xf32>, vector<400x64xf32> -> vector<400x64xf32>
    %get3A_520 = arith.constant 0 : index
    %get3A_521 = arith.constant 0 : index
    %get3A_522 = vector.load %arg14[%get3A_520, %get3A_521] : memref<1x64xf32, #tpu.memory_space<vmem>>, vector<1x64xf32>
    %add3A_523 = vector.broadcast %get3A_522 : vector<1x64xf32> to vector<400x64xf32>
    %add3A_524 = arith.addf %dot_general3A_519, %add3A_523 : vector<400x64xf32>
    %mul3A_525 = arith.mulf %add3A_504, %add3A_514 : vector<400x64xf32>
    %max3A_526 = arith.maximumf %max3A_473, %mul3A_525 : vector<400x64xf32>
    %get3A_527 = arith.constant 0 : index
    %get3A_528 = arith.constant 8 : index
    %get3A_529 = arith.constant 0 : index
    %get3A_530 = arith.constant 0 : index
    %get3A_531 = vector.load %arg3[%get3A_527, %get3A_528, %get3A_529, %get3A_530] : memref<1x20x400x128xf32, #tpu.memory_space<vmem>>, vector<1x1x400x128xf32>
    %get3A_532 = vector.shape_cast %get3A_531 : vector<1x1x400x128xf32> to vector<400x128xf32>
    %slice3A_533 = vector.extract_strided_slice %get3A_532 {offsets = [0, 0], sizes = [400, 64], strides = [1, 1]} : vector<400x128xf32> to vector<400x64xf32>
    %sub3A_534 = arith.subf %get3A_3, %slice3A_533 : vector<400x64xf32>
    %sub3A_535 = vector.broadcast %div3A_69 : vector<1x64xf32> to vector<400x64xf32>
    %sub3A_536 = arith.subf %sub3A_534, %sub3A_535 : vector<400x64xf32>
    %mul3A_537 = vector.broadcast %mul3A_85 : vector<1x64xf32> to vector<400x64xf32>
    %mul3A_538 = arith.mulf %sub3A_536, %mul3A_537 : vector<400x64xf32>
    %max3A_539 = arith.constant 0.000000e+00 : f32
    %max3A_540 = vector.broadcast %max3A_539 : f32 to vector<400x64xf32>
    %max3A_541 = arith.maximumf %mul3A_538, %max3A_540 : vector<400x64xf32>
    %get3A_542 = arith.constant 0 : index
    %get3A_543 = arith.constant 0 : index
    %get3A_544 = vector.load %arg7[%get3A_542, %get3A_543] : memref<64x64xf32, #tpu.memory_space<vmem>>, vector<64x64xf32>
    %dot_general3A_545 = arith.constant dense<0.000000e+00> : vector<400x64xf32>
    %dot_general3A_546 = tpu.matmul %max3A_541, %get3A_544, %dot_general3A_545 {dimension_numbers = #tpu.dot_dimension_numbers<[1], [0], [0], [1], [0, 0, 1, 1], [], []>, transpose_lhs_hint = false} : vector<400x64xf32>, vector<64x64xf32>, vector<400x64xf32> -> vector<400x64xf32>
    %add3A_547 = arith.addf %add3A_100, %dot_general3A_546 : vector<400x64xf32>
    %get3A_548 = arith.constant 0 : index
    %get3A_549 = arith.constant 0 : index
    %get3A_550 = vector.load %arg9[%get3A_548, %get3A_549] : memref<64x64xf32, #tpu.memory_space<vmem>>, vector<64x64xf32>
    %dot_general3A_551 = arith.constant dense<0.000000e+00> : vector<400x64xf32>
    %dot_general3A_552 = tpu.matmul %add3A_547, %get3A_550, %dot_general3A_551 {dimension_numbers = #tpu.dot_dimension_numbers<[1], [0], [0], [1], [0, 0, 1, 1], [], []>, transpose_lhs_hint = false} : vector<400x64xf32>, vector<64x64xf32>, vector<400x64xf32> -> vector<400x64xf32>
    %get3A_553 = arith.constant 0 : index
    %get3A_554 = arith.constant 0 : index
    %get3A_555 = vector.load %arg10[%get3A_553, %get3A_554] : memref<1x64xf32, #tpu.memory_space<vmem>>, vector<1x64xf32>
    %add3A_556 = vector.broadcast %get3A_555 : vector<1x64xf32> to vector<400x64xf32>
    %add3A_557 = arith.addf %dot_general3A_552, %add3A_556 : vector<400x64xf32>
    %get3A_558 = arith.constant 0 : index
    %get3A_559 = arith.constant 0 : index
    %get3A_560 = vector.load %arg11[%get3A_558, %get3A_559] : memref<64x64xf32, #tpu.memory_space<vmem>>, vector<64x64xf32>
    %dot_general3A_561 = arith.constant dense<0.000000e+00> : vector<400x64xf32>
    %dot_general3A_562 = tpu.matmul %add3A_547, %get3A_560, %dot_general3A_561 {dimension_numbers = #tpu.dot_dimension_numbers<[1], [0], [0], [1], [0, 0, 1, 1], [], []>, transpose_lhs_hint = false} : vector<400x64xf32>, vector<64x64xf32>, vector<400x64xf32> -> vector<400x64xf32>
    %get3A_563 = arith.constant 0 : index
    %get3A_564 = arith.constant 0 : index
    %get3A_565 = vector.load %arg12[%get3A_563, %get3A_564] : memref<1x64xf32, #tpu.memory_space<vmem>>, vector<1x64xf32>
    %add3A_566 = vector.broadcast %get3A_565 : vector<1x64xf32> to vector<400x64xf32>
    %add3A_567 = arith.addf %dot_general3A_562, %add3A_566 : vector<400x64xf32>
    %get3A_568 = arith.constant 0 : index
    %get3A_569 = arith.constant 0 : index
    %get3A_570 = vector.load %arg13[%get3A_568, %get3A_569] : memref<64x64xf32, #tpu.memory_space<vmem>>, vector<64x64xf32>
    %dot_general3A_571 = arith.constant dense<0.000000e+00> : vector<400x64xf32>
    %dot_general3A_572 = tpu.matmul %add3A_547, %get3A_570, %dot_general3A_571 {dimension_numbers = #tpu.dot_dimension_numbers<[1], [0], [0], [1], [0, 0, 1, 1], [], []>, transpose_lhs_hint = false} : vector<400x64xf32>, vector<64x64xf32>, vector<400x64xf32> -> vector<400x64xf32>
    %get3A_573 = arith.constant 0 : index
    %get3A_574 = arith.constant 0 : index
    %get3A_575 = vector.load %arg14[%get3A_573, %get3A_574] : memref<1x64xf32, #tpu.memory_space<vmem>>, vector<1x64xf32>
    %add3A_576 = vector.broadcast %get3A_575 : vector<1x64xf32> to vector<400x64xf32>
    %add3A_577 = arith.addf %dot_general3A_572, %add3A_576 : vector<400x64xf32>
    %mul3A_578 = arith.mulf %add3A_557, %add3A_567 : vector<400x64xf32>
    %max3A_579 = arith.maximumf %max3A_526, %mul3A_578 : vector<400x64xf32>
    %get3A_580 = arith.constant 0 : index
    %get3A_581 = arith.constant 9 : index
    %get3A_582 = arith.constant 0 : index
    %get3A_583 = arith.constant 0 : index
    %get3A_584 = vector.load %arg3[%get3A_580, %get3A_581, %get3A_582, %get3A_583] : memref<1x20x400x128xf32, #tpu.memory_space<vmem>>, vector<1x1x400x128xf32>
    %get3A_585 = vector.shape_cast %get3A_584 : vector<1x1x400x128xf32> to vector<400x128xf32>
    %slice3A_586 = vector.extract_strided_slice %get3A_585 {offsets = [0, 0], sizes = [400, 64], strides = [1, 1]} : vector<400x128xf32> to vector<400x64xf32>
    %sub3A_587 = arith.subf %get3A_3, %slice3A_586 : vector<400x64xf32>
    %sub3A_588 = vector.broadcast %div3A_69 : vector<1x64xf32> to vector<400x64xf32>
    %sub3A_589 = arith.subf %sub3A_587, %sub3A_588 : vector<400x64xf32>
    %mul3A_590 = vector.broadcast %mul3A_85 : vector<1x64xf32> to vector<400x64xf32>
    %mul3A_591 = arith.mulf %sub3A_589, %mul3A_590 : vector<400x64xf32>
    %max3A_592 = arith.constant 0.000000e+00 : f32
    %max3A_593 = vector.broadcast %max3A_592 : f32 to vector<400x64xf32>
    %max3A_594 = arith.maximumf %mul3A_591, %max3A_593 : vector<400x64xf32>
    %get3A_595 = arith.constant 0 : index
    %get3A_596 = arith.constant 0 : index
    %get3A_597 = vector.load %arg7[%get3A_595, %get3A_596] : memref<64x64xf32, #tpu.memory_space<vmem>>, vector<64x64xf32>
    %dot_general3A_598 = arith.constant dense<0.000000e+00> : vector<400x64xf32>
    %dot_general3A_599 = tpu.matmul %max3A_594, %get3A_597, %dot_general3A_598 {dimension_numbers = #tpu.dot_dimension_numbers<[1], [0], [0], [1], [0, 0, 1, 1], [], []>, transpose_lhs_hint = false} : vector<400x64xf32>, vector<64x64xf32>, vector<400x64xf32> -> vector<400x64xf32>
    %add3A_600 = arith.addf %add3A_100, %dot_general3A_599 : vector<400x64xf32>
    %get3A_601 = arith.constant 0 : index
    %get3A_602 = arith.constant 0 : index
    %get3A_603 = vector.load %arg9[%get3A_601, %get3A_602] : memref<64x64xf32, #tpu.memory_space<vmem>>, vector<64x64xf32>
    %dot_general3A_604 = arith.constant dense<0.000000e+00> : vector<400x64xf32>
    %dot_general3A_605 = tpu.matmul %add3A_600, %get3A_603, %dot_general3A_604 {dimension_numbers = #tpu.dot_dimension_numbers<[1], [0], [0], [1], [0, 0, 1, 1], [], []>, transpose_lhs_hint = false} : vector<400x64xf32>, vector<64x64xf32>, vector<400x64xf32> -> vector<400x64xf32>
    %get3A_606 = arith.constant 0 : index
    %get3A_607 = arith.constant 0 : index
    %get3A_608 = vector.load %arg10[%get3A_606, %get3A_607] : memref<1x64xf32, #tpu.memory_space<vmem>>, vector<1x64xf32>
    %add3A_609 = vector.broadcast %get3A_608 : vector<1x64xf32> to vector<400x64xf32>
    %add3A_610 = arith.addf %dot_general3A_605, %add3A_609 : vector<400x64xf32>
    %get3A_611 = arith.constant 0 : index
    %get3A_612 = arith.constant 0 : index
    %get3A_613 = vector.load %arg11[%get3A_611, %get3A_612] : memref<64x64xf32, #tpu.memory_space<vmem>>, vector<64x64xf32>
    %dot_general3A_614 = arith.constant dense<0.000000e+00> : vector<400x64xf32>
    %dot_general3A_615 = tpu.matmul %add3A_600, %get3A_613, %dot_general3A_614 {dimension_numbers = #tpu.dot_dimension_numbers<[1], [0], [0], [1], [0, 0, 1, 1], [], []>, transpose_lhs_hint = false} : vector<400x64xf32>, vector<64x64xf32>, vector<400x64xf32> -> vector<400x64xf32>
    %get3A_616 = arith.constant 0 : index
    %get3A_617 = arith.constant 0 : index
    %get3A_618 = vector.load %arg12[%get3A_616, %get3A_617] : memref<1x64xf32, #tpu.memory_space<vmem>>, vector<1x64xf32>
    %add3A_619 = vector.broadcast %get3A_618 : vector<1x64xf32> to vector<400x64xf32>
    %add3A_620 = arith.addf %dot_general3A_615, %add3A_619 : vector<400x64xf32>
    %get3A_621 = arith.constant 0 : index
    %get3A_622 = arith.constant 0 : index
    %get3A_623 = vector.load %arg13[%get3A_621, %get3A_622] : memref<64x64xf32, #tpu.memory_space<vmem>>, vector<64x64xf32>
    %dot_general3A_624 = arith.constant dense<0.000000e+00> : vector<400x64xf32>
    %dot_general3A_625 = tpu.matmul %add3A_600, %get3A_623, %dot_general3A_624 {dimension_numbers = #tpu.dot_dimension_numbers<[1], [0], [0], [1], [0, 0, 1, 1], [], []>, transpose_lhs_hint = false} : vector<400x64xf32>, vector<64x64xf32>, vector<400x64xf32> -> vector<400x64xf32>
    %get3A_626 = arith.constant 0 : index
    %get3A_627 = arith.constant 0 : index
    %get3A_628 = vector.load %arg14[%get3A_626, %get3A_627] : memref<1x64xf32, #tpu.memory_space<vmem>>, vector<1x64xf32>
    %add3A_629 = vector.broadcast %get3A_628 : vector<1x64xf32> to vector<400x64xf32>
    %add3A_630 = arith.addf %dot_general3A_625, %add3A_629 : vector<400x64xf32>
    %mul3A_631 = arith.mulf %add3A_610, %add3A_620 : vector<400x64xf32>
    %max3A_632 = arith.maximumf %max3A_579, %mul3A_631 : vector<400x64xf32>
    %get3A_633 = arith.constant 0 : index
    %get3A_634 = arith.constant 10 : index
    %get3A_635 = arith.constant 0 : index
    %get3A_636 = arith.constant 0 : index
    %get3A_637 = vector.load %arg3[%get3A_633, %get3A_634, %get3A_635, %get3A_636] : memref<1x20x400x128xf32, #tpu.memory_space<vmem>>, vector<1x1x400x128xf32>
    %get3A_638 = vector.shape_cast %get3A_637 : vector<1x1x400x128xf32> to vector<400x128xf32>
    %slice3A_639 = vector.extract_strided_slice %get3A_638 {offsets = [0, 0], sizes = [400, 64], strides = [1, 1]} : vector<400x128xf32> to vector<400x64xf32>
    %sub3A_640 = arith.subf %get3A_3, %slice3A_639 : vector<400x64xf32>
    %sub3A_641 = vector.broadcast %div3A_69 : vector<1x64xf32> to vector<400x64xf32>
    %sub3A_642 = arith.subf %sub3A_640, %sub3A_641 : vector<400x64xf32>
    %mul3A_643 = vector.broadcast %mul3A_85 : vector<1x64xf32> to vector<400x64xf32>
    %mul3A_644 = arith.mulf %sub3A_642, %mul3A_643 : vector<400x64xf32>
    %max3A_645 = arith.constant 0.000000e+00 : f32
    %max3A_646 = vector.broadcast %max3A_645 : f32 to vector<400x64xf32>
    %max3A_647 = arith.maximumf %mul3A_644, %max3A_646 : vector<400x64xf32>
    %get3A_648 = arith.constant 0 : index
    %get3A_649 = arith.constant 0 : index
    %get3A_650 = vector.load %arg7[%get3A_648, %get3A_649] : memref<64x64xf32, #tpu.memory_space<vmem>>, vector<64x64xf32>
    %dot_general3A_651 = arith.constant dense<0.000000e+00> : vector<400x64xf32>
    %dot_general3A_652 = tpu.matmul %max3A_647, %get3A_650, %dot_general3A_651 {dimension_numbers = #tpu.dot_dimension_numbers<[1], [0], [0], [1], [0, 0, 1, 1], [], []>, transpose_lhs_hint = false} : vector<400x64xf32>, vector<64x64xf32>, vector<400x64xf32> -> vector<400x64xf32>
    %add3A_653 = arith.addf %add3A_100, %dot_general3A_652 : vector<400x64xf32>
    %get3A_654 = arith.constant 0 : index
    %get3A_655 = arith.constant 0 : index
    %get3A_656 = vector.load %arg9[%get3A_654, %get3A_655] : memref<64x64xf32, #tpu.memory_space<vmem>>, vector<64x64xf32>
    %dot_general3A_657 = arith.constant dense<0.000000e+00> : vector<400x64xf32>
    %dot_general3A_658 = tpu.matmul %add3A_653, %get3A_656, %dot_general3A_657 {dimension_numbers = #tpu.dot_dimension_numbers<[1], [0], [0], [1], [0, 0, 1, 1], [], []>, transpose_lhs_hint = false} : vector<400x64xf32>, vector<64x64xf32>, vector<400x64xf32> -> vector<400x64xf32>
    %get3A_659 = arith.constant 0 : index
    %get3A_660 = arith.constant 0 : index
    %get3A_661 = vector.load %arg10[%get3A_659, %get3A_660] : memref<1x64xf32, #tpu.memory_space<vmem>>, vector<1x64xf32>
    %add3A_662 = vector.broadcast %get3A_661 : vector<1x64xf32> to vector<400x64xf32>
    %add3A_663 = arith.addf %dot_general3A_658, %add3A_662 : vector<400x64xf32>
    %get3A_664 = arith.constant 0 : index
    %get3A_665 = arith.constant 0 : index
    %get3A_666 = vector.load %arg11[%get3A_664, %get3A_665] : memref<64x64xf32, #tpu.memory_space<vmem>>, vector<64x64xf32>
    %dot_general3A_667 = arith.constant dense<0.000000e+00> : vector<400x64xf32>
    %dot_general3A_668 = tpu.matmul %add3A_653, %get3A_666, %dot_general3A_667 {dimension_numbers = #tpu.dot_dimension_numbers<[1], [0], [0], [1], [0, 0, 1, 1], [], []>, transpose_lhs_hint = false} : vector<400x64xf32>, vector<64x64xf32>, vector<400x64xf32> -> vector<400x64xf32>
    %get3A_669 = arith.constant 0 : index
    %get3A_670 = arith.constant 0 : index
    %get3A_671 = vector.load %arg12[%get3A_669, %get3A_670] : memref<1x64xf32, #tpu.memory_space<vmem>>, vector<1x64xf32>
    %add3A_672 = vector.broadcast %get3A_671 : vector<1x64xf32> to vector<400x64xf32>
    %add3A_673 = arith.addf %dot_general3A_668, %add3A_672 : vector<400x64xf32>
    %get3A_674 = arith.constant 0 : index
    %get3A_675 = arith.constant 0 : index
    %get3A_676 = vector.load %arg13[%get3A_674, %get3A_675] : memref<64x64xf32, #tpu.memory_space<vmem>>, vector<64x64xf32>
    %dot_general3A_677 = arith.constant dense<0.000000e+00> : vector<400x64xf32>
    %dot_general3A_678 = tpu.matmul %add3A_653, %get3A_676, %dot_general3A_677 {dimension_numbers = #tpu.dot_dimension_numbers<[1], [0], [0], [1], [0, 0, 1, 1], [], []>, transpose_lhs_hint = false} : vector<400x64xf32>, vector<64x64xf32>, vector<400x64xf32> -> vector<400x64xf32>
    %get3A_679 = arith.constant 0 : index
    %get3A_680 = arith.constant 0 : index
    %get3A_681 = vector.load %arg14[%get3A_679, %get3A_680] : memref<1x64xf32, #tpu.memory_space<vmem>>, vector<1x64xf32>
    %add3A_682 = vector.broadcast %get3A_681 : vector<1x64xf32> to vector<400x64xf32>
    %add3A_683 = arith.addf %dot_general3A_678, %add3A_682 : vector<400x64xf32>
    %mul3A_684 = arith.mulf %add3A_663, %add3A_673 : vector<400x64xf32>
    %max3A_685 = arith.maximumf %max3A_632, %mul3A_684 : vector<400x64xf32>
    %get3A_686 = arith.constant 0 : index
    %get3A_687 = arith.constant 11 : index
    %get3A_688 = arith.constant 0 : index
    %get3A_689 = arith.constant 0 : index
    %get3A_690 = vector.load %arg3[%get3A_686, %get3A_687, %get3A_688, %get3A_689] : memref<1x20x400x128xf32, #tpu.memory_space<vmem>>, vector<1x1x400x128xf32>
    %get3A_691 = vector.shape_cast %get3A_690 : vector<1x1x400x128xf32> to vector<400x128xf32>
    %slice3A_692 = vector.extract_strided_slice %get3A_691 {offsets = [0, 0], sizes = [400, 64], strides = [1, 1]} : vector<400x128xf32> to vector<400x64xf32>
    %sub3A_693 = arith.subf %get3A_3, %slice3A_692 : vector<400x64xf32>
    %sub3A_694 = vector.broadcast %div3A_69 : vector<1x64xf32> to vector<400x64xf32>
    %sub3A_695 = arith.subf %sub3A_693, %sub3A_694 : vector<400x64xf32>
    %mul3A_696 = vector.broadcast %mul3A_85 : vector<1x64xf32> to vector<400x64xf32>
    %mul3A_697 = arith.mulf %sub3A_695, %mul3A_696 : vector<400x64xf32>
    %max3A_698 = arith.constant 0.000000e+00 : f32
    %max3A_699 = vector.broadcast %max3A_698 : f32 to vector<400x64xf32>
    %max3A_700 = arith.maximumf %mul3A_697, %max3A_699 : vector<400x64xf32>
    %get3A_701 = arith.constant 0 : index
    %get3A_702 = arith.constant 0 : index
    %get3A_703 = vector.load %arg7[%get3A_701, %get3A_702] : memref<64x64xf32, #tpu.memory_space<vmem>>, vector<64x64xf32>
    %dot_general3A_704 = arith.constant dense<0.000000e+00> : vector<400x64xf32>
    %dot_general3A_705 = tpu.matmul %max3A_700, %get3A_703, %dot_general3A_704 {dimension_numbers = #tpu.dot_dimension_numbers<[1], [0], [0], [1], [0, 0, 1, 1], [], []>, transpose_lhs_hint = false} : vector<400x64xf32>, vector<64x64xf32>, vector<400x64xf32> -> vector<400x64xf32>
    %add3A_706 = arith.addf %add3A_100, %dot_general3A_705 : vector<400x64xf32>
    %get3A_707 = arith.constant 0 : index
    %get3A_708 = arith.constant 0 : index
    %get3A_709 = vector.load %arg9[%get3A_707, %get3A_708] : memref<64x64xf32, #tpu.memory_space<vmem>>, vector<64x64xf32>
    %dot_general3A_710 = arith.constant dense<0.000000e+00> : vector<400x64xf32>
    %dot_general3A_711 = tpu.matmul %add3A_706, %get3A_709, %dot_general3A_710 {dimension_numbers = #tpu.dot_dimension_numbers<[1], [0], [0], [1], [0, 0, 1, 1], [], []>, transpose_lhs_hint = false} : vector<400x64xf32>, vector<64x64xf32>, vector<400x64xf32> -> vector<400x64xf32>
    %get3A_712 = arith.constant 0 : index
    %get3A_713 = arith.constant 0 : index
    %get3A_714 = vector.load %arg10[%get3A_712, %get3A_713] : memref<1x64xf32, #tpu.memory_space<vmem>>, vector<1x64xf32>
    %add3A_715 = vector.broadcast %get3A_714 : vector<1x64xf32> to vector<400x64xf32>
    %add3A_716 = arith.addf %dot_general3A_711, %add3A_715 : vector<400x64xf32>
    %get3A_717 = arith.constant 0 : index
    %get3A_718 = arith.constant 0 : index
    %get3A_719 = vector.load %arg11[%get3A_717, %get3A_718] : memref<64x64xf32, #tpu.memory_space<vmem>>, vector<64x64xf32>
    %dot_general3A_720 = arith.constant dense<0.000000e+00> : vector<400x64xf32>
    %dot_general3A_721 = tpu.matmul %add3A_706, %get3A_719, %dot_general3A_720 {dimension_numbers = #tpu.dot_dimension_numbers<[1], [0], [0], [1], [0, 0, 1, 1], [], []>, transpose_lhs_hint = false} : vector<400x64xf32>, vector<64x64xf32>, vector<400x64xf32> -> vector<400x64xf32>
    %get3A_722 = arith.constant 0 : index
    %get3A_723 = arith.constant 0 : index
    %get3A_724 = vector.load %arg12[%get3A_722, %get3A_723] : memref<1x64xf32, #tpu.memory_space<vmem>>, vector<1x64xf32>
    %add3A_725 = vector.broadcast %get3A_724 : vector<1x64xf32> to vector<400x64xf32>
    %add3A_726 = arith.addf %dot_general3A_721, %add3A_725 : vector<400x64xf32>
    %get3A_727 = arith.constant 0 : index
    %get3A_728 = arith.constant 0 : index
    %get3A_729 = vector.load %arg13[%get3A_727, %get3A_728] : memref<64x64xf32, #tpu.memory_space<vmem>>, vector<64x64xf32>
    %dot_general3A_730 = arith.constant dense<0.000000e+00> : vector<400x64xf32>
    %dot_general3A_731 = tpu.matmul %add3A_706, %get3A_729, %dot_general3A_730 {dimension_numbers = #tpu.dot_dimension_numbers<[1], [0], [0], [1], [0, 0, 1, 1], [], []>, transpose_lhs_hint = false} : vector<400x64xf32>, vector<64x64xf32>, vector<400x64xf32> -> vector<400x64xf32>
    %get3A_732 = arith.constant 0 : index
    %get3A_733 = arith.constant 0 : index
    %get3A_734 = vector.load %arg14[%get3A_732, %get3A_733] : memref<1x64xf32, #tpu.memory_space<vmem>>, vector<1x64xf32>
    %add3A_735 = vector.broadcast %get3A_734 : vector<1x64xf32> to vector<400x64xf32>
    %add3A_736 = arith.addf %dot_general3A_731, %add3A_735 : vector<400x64xf32>
    %mul3A_737 = arith.mulf %add3A_716, %add3A_726 : vector<400x64xf32>
    %max3A_738 = arith.maximumf %max3A_685, %mul3A_737 : vector<400x64xf32>
    %get3A_739 = arith.constant 0 : index
    %get3A_740 = arith.constant 12 : index
    %get3A_741 = arith.constant 0 : index
    %get3A_742 = arith.constant 0 : index
    %get3A_743 = vector.load %arg3[%get3A_739, %get3A_740, %get3A_741, %get3A_742] : memref<1x20x400x128xf32, #tpu.memory_space<vmem>>, vector<1x1x400x128xf32>
    %get3A_744 = vector.shape_cast %get3A_743 : vector<1x1x400x128xf32> to vector<400x128xf32>
    %slice3A_745 = vector.extract_strided_slice %get3A_744 {offsets = [0, 0], sizes = [400, 64], strides = [1, 1]} : vector<400x128xf32> to vector<400x64xf32>
    %sub3A_746 = arith.subf %get3A_3, %slice3A_745 : vector<400x64xf32>
    %sub3A_747 = vector.broadcast %div3A_69 : vector<1x64xf32> to vector<400x64xf32>
    %sub3A_748 = arith.subf %sub3A_746, %sub3A_747 : vector<400x64xf32>
    %mul3A_749 = vector.broadcast %mul3A_85 : vector<1x64xf32> to vector<400x64xf32>
    %mul3A_750 = arith.mulf %sub3A_748, %mul3A_749 : vector<400x64xf32>
    %max3A_751 = arith.constant 0.000000e+00 : f32
    %max3A_752 = vector.broadcast %max3A_751 : f32 to vector<400x64xf32>
    %max3A_753 = arith.maximumf %mul3A_750, %max3A_752 : vector<400x64xf32>
    %get3A_754 = arith.constant 0 : index
    %get3A_755 = arith.constant 0 : index
    %get3A_756 = vector.load %arg7[%get3A_754, %get3A_755] : memref<64x64xf32, #tpu.memory_space<vmem>>, vector<64x64xf32>
    %dot_general3A_757 = arith.constant dense<0.000000e+00> : vector<400x64xf32>
    %dot_general3A_758 = tpu.matmul %max3A_753, %get3A_756, %dot_general3A_757 {dimension_numbers = #tpu.dot_dimension_numbers<[1], [0], [0], [1], [0, 0, 1, 1], [], []>, transpose_lhs_hint = false} : vector<400x64xf32>, vector<64x64xf32>, vector<400x64xf32> -> vector<400x64xf32>
    %add3A_759 = arith.addf %add3A_100, %dot_general3A_758 : vector<400x64xf32>
    %get3A_760 = arith.constant 0 : index
    %get3A_761 = arith.constant 0 : index
    %get3A_762 = vector.load %arg9[%get3A_760, %get3A_761] : memref<64x64xf32, #tpu.memory_space<vmem>>, vector<64x64xf32>
    %dot_general3A_763 = arith.constant dense<0.000000e+00> : vector<400x64xf32>
    %dot_general3A_764 = tpu.matmul %add3A_759, %get3A_762, %dot_general3A_763 {dimension_numbers = #tpu.dot_dimension_numbers<[1], [0], [0], [1], [0, 0, 1, 1], [], []>, transpose_lhs_hint = false} : vector<400x64xf32>, vector<64x64xf32>, vector<400x64xf32> -> vector<400x64xf32>
    %get3A_765 = arith.constant 0 : index
    %get3A_766 = arith.constant 0 : index
    %get3A_767 = vector.load %arg10[%get3A_765, %get3A_766] : memref<1x64xf32, #tpu.memory_space<vmem>>, vector<1x64xf32>
    %add3A_768 = vector.broadcast %get3A_767 : vector<1x64xf32> to vector<400x64xf32>
    %add3A_769 = arith.addf %dot_general3A_764, %add3A_768 : vector<400x64xf32>
    %get3A_770 = arith.constant 0 : index
    %get3A_771 = arith.constant 0 : index
    %get3A_772 = vector.load %arg11[%get3A_770, %get3A_771] : memref<64x64xf32, #tpu.memory_space<vmem>>, vector<64x64xf32>
    %dot_general3A_773 = arith.constant dense<0.000000e+00> : vector<400x64xf32>
    %dot_general3A_774 = tpu.matmul %add3A_759, %get3A_772, %dot_general3A_773 {dimension_numbers = #tpu.dot_dimension_numbers<[1], [0], [0], [1], [0, 0, 1, 1], [], []>, transpose_lhs_hint = false} : vector<400x64xf32>, vector<64x64xf32>, vector<400x64xf32> -> vector<400x64xf32>
    %get3A_775 = arith.constant 0 : index
    %get3A_776 = arith.constant 0 : index
    %get3A_777 = vector.load %arg12[%get3A_775, %get3A_776] : memref<1x64xf32, #tpu.memory_space<vmem>>, vector<1x64xf32>
    %add3A_778 = vector.broadcast %get3A_777 : vector<1x64xf32> to vector<400x64xf32>
    %add3A_779 = arith.addf %dot_general3A_774, %add3A_778 : vector<400x64xf32>
    %get3A_780 = arith.constant 0 : index
    %get3A_781 = arith.constant 0 : index
    %get3A_782 = vector.load %arg13[%get3A_780, %get3A_781] : memref<64x64xf32, #tpu.memory_space<vmem>>, vector<64x64xf32>
    %dot_general3A_783 = arith.constant dense<0.000000e+00> : vector<400x64xf32>
    %dot_general3A_784 = tpu.matmul %add3A_759, %get3A_782, %dot_general3A_783 {dimension_numbers = #tpu.dot_dimension_numbers<[1], [0], [0], [1], [0, 0, 1, 1], [], []>, transpose_lhs_hint = false} : vector<400x64xf32>, vector<64x64xf32>, vector<400x64xf32> -> vector<400x64xf32>
    %get3A_785 = arith.constant 0 : index
    %get3A_786 = arith.constant 0 : index
    %get3A_787 = vector.load %arg14[%get3A_785, %get3A_786] : memref<1x64xf32, #tpu.memory_space<vmem>>, vector<1x64xf32>
    %add3A_788 = vector.broadcast %get3A_787 : vector<1x64xf32> to vector<400x64xf32>
    %add3A_789 = arith.addf %dot_general3A_784, %add3A_788 : vector<400x64xf32>
    %mul3A_790 = arith.mulf %add3A_769, %add3A_779 : vector<400x64xf32>
    %max3A_791 = arith.maximumf %max3A_738, %mul3A_790 : vector<400x64xf32>
    %get3A_792 = arith.constant 0 : index
    %get3A_793 = arith.constant 13 : index
    %get3A_794 = arith.constant 0 : index
    %get3A_795 = arith.constant 0 : index
    %get3A_796 = vector.load %arg3[%get3A_792, %get3A_793, %get3A_794, %get3A_795] : memref<1x20x400x128xf32, #tpu.memory_space<vmem>>, vector<1x1x400x128xf32>
    %get3A_797 = vector.shape_cast %get3A_796 : vector<1x1x400x128xf32> to vector<400x128xf32>
    %slice3A_798 = vector.extract_strided_slice %get3A_797 {offsets = [0, 0], sizes = [400, 64], strides = [1, 1]} : vector<400x128xf32> to vector<400x64xf32>
    %sub3A_799 = arith.subf %get3A_3, %slice3A_798 : vector<400x64xf32>
    %sub3A_800 = vector.broadcast %div3A_69 : vector<1x64xf32> to vector<400x64xf32>
    %sub3A_801 = arith.subf %sub3A_799, %sub3A_800 : vector<400x64xf32>
    %mul3A_802 = vector.broadcast %mul3A_85 : vector<1x64xf32> to vector<400x64xf32>
    %mul3A_803 = arith.mulf %sub3A_801, %mul3A_802 : vector<400x64xf32>
    %max3A_804 = arith.constant 0.000000e+00 : f32
    %max3A_805 = vector.broadcast %max3A_804 : f32 to vector<400x64xf32>
    %max3A_806 = arith.maximumf %mul3A_803, %max3A_805 : vector<400x64xf32>
    %get3A_807 = arith.constant 0 : index
    %get3A_808 = arith.constant 0 : index
    %get3A_809 = vector.load %arg7[%get3A_807, %get3A_808] : memref<64x64xf32, #tpu.memory_space<vmem>>, vector<64x64xf32>
    %dot_general3A_810 = arith.constant dense<0.000000e+00> : vector<400x64xf32>
    %dot_general3A_811 = tpu.matmul %max3A_806, %get3A_809, %dot_general3A_810 {dimension_numbers = #tpu.dot_dimension_numbers<[1], [0], [0], [1], [0, 0, 1, 1], [], []>, transpose_lhs_hint = false} : vector<400x64xf32>, vector<64x64xf32>, vector<400x64xf32> -> vector<400x64xf32>
    %add3A_812 = arith.addf %add3A_100, %dot_general3A_811 : vector<400x64xf32>
    %get3A_813 = arith.constant 0 : index
    %get3A_814 = arith.constant 0 : index
    %get3A_815 = vector.load %arg9[%get3A_813, %get3A_814] : memref<64x64xf32, #tpu.memory_space<vmem>>, vector<64x64xf32>
    %dot_general3A_816 = arith.constant dense<0.000000e+00> : vector<400x64xf32>
    %dot_general3A_817 = tpu.matmul %add3A_812, %get3A_815, %dot_general3A_816 {dimension_numbers = #tpu.dot_dimension_numbers<[1], [0], [0], [1], [0, 0, 1, 1], [], []>, transpose_lhs_hint = false} : vector<400x64xf32>, vector<64x64xf32>, vector<400x64xf32> -> vector<400x64xf32>
    %get3A_818 = arith.constant 0 : index
    %get3A_819 = arith.constant 0 : index
    %get3A_820 = vector.load %arg10[%get3A_818, %get3A_819] : memref<1x64xf32, #tpu.memory_space<vmem>>, vector<1x64xf32>
    %add3A_821 = vector.broadcast %get3A_820 : vector<1x64xf32> to vector<400x64xf32>
    %add3A_822 = arith.addf %dot_general3A_817, %add3A_821 : vector<400x64xf32>
    %get3A_823 = arith.constant 0 : index
    %get3A_824 = arith.constant 0 : index
    %get3A_825 = vector.load %arg11[%get3A_823, %get3A_824] : memref<64x64xf32, #tpu.memory_space<vmem>>, vector<64x64xf32>
    %dot_general3A_826 = arith.constant dense<0.000000e+00> : vector<400x64xf32>
    %dot_general3A_827 = tpu.matmul %add3A_812, %get3A_825, %dot_general3A_826 {dimension_numbers = #tpu.dot_dimension_numbers<[1], [0], [0], [1], [0, 0, 1, 1], [], []>, transpose_lhs_hint = false} : vector<400x64xf32>, vector<64x64xf32>, vector<400x64xf32> -> vector<400x64xf32>
    %get3A_828 = arith.constant 0 : index
    %get3A_829 = arith.constant 0 : index
    %get3A_830 = vector.load %arg12[%get3A_828, %get3A_829] : memref<1x64xf32, #tpu.memory_space<vmem>>, vector<1x64xf32>
    %add3A_831 = vector.broadcast %get3A_830 : vector<1x64xf32> to vector<400x64xf32>
    %add3A_832 = arith.addf %dot_general3A_827, %add3A_831 : vector<400x64xf32>
    %get3A_833 = arith.constant 0 : index
    %get3A_834 = arith.constant 0 : index
    %get3A_835 = vector.load %arg13[%get3A_833, %get3A_834] : memref<64x64xf32, #tpu.memory_space<vmem>>, vector<64x64xf32>
    %dot_general3A_836 = arith.constant dense<0.000000e+00> : vector<400x64xf32>
    %dot_general3A_837 = tpu.matmul %add3A_812, %get3A_835, %dot_general3A_836 {dimension_numbers = #tpu.dot_dimension_numbers<[1], [0], [0], [1], [0, 0, 1, 1], [], []>, transpose_lhs_hint = false} : vector<400x64xf32>, vector<64x64xf32>, vector<400x64xf32> -> vector<400x64xf32>
    %get3A_838 = arith.constant 0 : index
    %get3A_839 = arith.constant 0 : index
    %get3A_840 = vector.load %arg14[%get3A_838, %get3A_839] : memref<1x64xf32, #tpu.memory_space<vmem>>, vector<1x64xf32>
    %add3A_841 = vector.broadcast %get3A_840 : vector<1x64xf32> to vector<400x64xf32>
    %add3A_842 = arith.addf %dot_general3A_837, %add3A_841 : vector<400x64xf32>
    %mul3A_843 = arith.mulf %add3A_822, %add3A_832 : vector<400x64xf32>
    %max3A_844 = arith.maximumf %max3A_791, %mul3A_843 : vector<400x64xf32>
    %get3A_845 = arith.constant 0 : index
    %get3A_846 = arith.constant 14 : index
    %get3A_847 = arith.constant 0 : index
    %get3A_848 = arith.constant 0 : index
    %get3A_849 = vector.load %arg3[%get3A_845, %get3A_846, %get3A_847, %get3A_848] : memref<1x20x400x128xf32, #tpu.memory_space<vmem>>, vector<1x1x400x128xf32>
    %get3A_850 = vector.shape_cast %get3A_849 : vector<1x1x400x128xf32> to vector<400x128xf32>
    %slice3A_851 = vector.extract_strided_slice %get3A_850 {offsets = [0, 0], sizes = [400, 64], strides = [1, 1]} : vector<400x128xf32> to vector<400x64xf32>
    %sub3A_852 = arith.subf %get3A_3, %slice3A_851 : vector<400x64xf32>
    %sub3A_853 = vector.broadcast %div3A_69 : vector<1x64xf32> to vector<400x64xf32>
    %sub3A_854 = arith.subf %sub3A_852, %sub3A_853 : vector<400x64xf32>
    %mul3A_855 = vector.broadcast %mul3A_85 : vector<1x64xf32> to vector<400x64xf32>
    %mul3A_856 = arith.mulf %sub3A_854, %mul3A_855 : vector<400x64xf32>
    %max3A_857 = arith.constant 0.000000e+00 : f32
    %max3A_858 = vector.broadcast %max3A_857 : f32 to vector<400x64xf32>
    %max3A_859 = arith.maximumf %mul3A_856, %max3A_858 : vector<400x64xf32>
    %get3A_860 = arith.constant 0 : index
    %get3A_861 = arith.constant 0 : index
    %get3A_862 = vector.load %arg7[%get3A_860, %get3A_861] : memref<64x64xf32, #tpu.memory_space<vmem>>, vector<64x64xf32>
    %dot_general3A_863 = arith.constant dense<0.000000e+00> : vector<400x64xf32>
    %dot_general3A_864 = tpu.matmul %max3A_859, %get3A_862, %dot_general3A_863 {dimension_numbers = #tpu.dot_dimension_numbers<[1], [0], [0], [1], [0, 0, 1, 1], [], []>, transpose_lhs_hint = false} : vector<400x64xf32>, vector<64x64xf32>, vector<400x64xf32> -> vector<400x64xf32>
    %add3A_865 = arith.addf %add3A_100, %dot_general3A_864 : vector<400x64xf32>
    %get3A_866 = arith.constant 0 : index
    %get3A_867 = arith.constant 0 : index
    %get3A_868 = vector.load %arg9[%get3A_866, %get3A_867] : memref<64x64xf32, #tpu.memory_space<vmem>>, vector<64x64xf32>
    %dot_general3A_869 = arith.constant dense<0.000000e+00> : vector<400x64xf32>
    %dot_general3A_870 = tpu.matmul %add3A_865, %get3A_868, %dot_general3A_869 {dimension_numbers = #tpu.dot_dimension_numbers<[1], [0], [0], [1], [0, 0, 1, 1], [], []>, transpose_lhs_hint = false} : vector<400x64xf32>, vector<64x64xf32>, vector<400x64xf32> -> vector<400x64xf32>
    %get3A_871 = arith.constant 0 : index
    %get3A_872 = arith.constant 0 : index
    %get3A_873 = vector.load %arg10[%get3A_871, %get3A_872] : memref<1x64xf32, #tpu.memory_space<vmem>>, vector<1x64xf32>
    %add3A_874 = vector.broadcast %get3A_873 : vector<1x64xf32> to vector<400x64xf32>
    %add3A_875 = arith.addf %dot_general3A_870, %add3A_874 : vector<400x64xf32>
    %get3A_876 = arith.constant 0 : index
    %get3A_877 = arith.constant 0 : index
    %get3A_878 = vector.load %arg11[%get3A_876, %get3A_877] : memref<64x64xf32, #tpu.memory_space<vmem>>, vector<64x64xf32>
    %dot_general3A_879 = arith.constant dense<0.000000e+00> : vector<400x64xf32>
    %dot_general3A_880 = tpu.matmul %add3A_865, %get3A_878, %dot_general3A_879 {dimension_numbers = #tpu.dot_dimension_numbers<[1], [0], [0], [1], [0, 0, 1, 1], [], []>, transpose_lhs_hint = false} : vector<400x64xf32>, vector<64x64xf32>, vector<400x64xf32> -> vector<400x64xf32>
    %get3A_881 = arith.constant 0 : index
    %get3A_882 = arith.constant 0 : index
    %get3A_883 = vector.load %arg12[%get3A_881, %get3A_882] : memref<1x64xf32, #tpu.memory_space<vmem>>, vector<1x64xf32>
    %add3A_884 = vector.broadcast %get3A_883 : vector<1x64xf32> to vector<400x64xf32>
    %add3A_885 = arith.addf %dot_general3A_880, %add3A_884 : vector<400x64xf32>
    %get3A_886 = arith.constant 0 : index
    %get3A_887 = arith.constant 0 : index
    %get3A_888 = vector.load %arg13[%get3A_886, %get3A_887] : memref<64x64xf32, #tpu.memory_space<vmem>>, vector<64x64xf32>
    %dot_general3A_889 = arith.constant dense<0.000000e+00> : vector<400x64xf32>
    %dot_general3A_890 = tpu.matmul %add3A_865, %get3A_888, %dot_general3A_889 {dimension_numbers = #tpu.dot_dimension_numbers<[1], [0], [0], [1], [0, 0, 1, 1], [], []>, transpose_lhs_hint = false} : vector<400x64xf32>, vector<64x64xf32>, vector<400x64xf32> -> vector<400x64xf32>
    %get3A_891 = arith.constant 0 : index
    %get3A_892 = arith.constant 0 : index
    %get3A_893 = vector.load %arg14[%get3A_891, %get3A_892] : memref<1x64xf32, #tpu.memory_space<vmem>>, vector<1x64xf32>
    %add3A_894 = vector.broadcast %get3A_893 : vector<1x64xf32> to vector<400x64xf32>
    %add3A_895 = arith.addf %dot_general3A_890, %add3A_894 : vector<400x64xf32>
    %mul3A_896 = arith.mulf %add3A_875, %add3A_885 : vector<400x64xf32>
    %max3A_897 = arith.maximumf %max3A_844, %mul3A_896 : vector<400x64xf32>
    %get3A_898 = arith.constant 0 : index
    %get3A_899 = arith.constant 15 : index
    %get3A_900 = arith.constant 0 : index
    %get3A_901 = arith.constant 0 : index
    %get3A_902 = vector.load %arg3[%get3A_898, %get3A_899, %get3A_900, %get3A_901] : memref<1x20x400x128xf32, #tpu.memory_space<vmem>>, vector<1x1x400x128xf32>
    %get3A_903 = vector.shape_cast %get3A_902 : vector<1x1x400x128xf32> to vector<400x128xf32>
    %slice3A_904 = vector.extract_strided_slice %get3A_903 {offsets = [0, 0], sizes = [400, 64], strides = [1, 1]} : vector<400x128xf32> to vector<400x64xf32>
    %sub3A_905 = arith.subf %get3A_3, %slice3A_904 : vector<400x64xf32>
    %sub3A_906 = vector.broadcast %div3A_69 : vector<1x64xf32> to vector<400x64xf32>
    %sub3A_907 = arith.subf %sub3A_905, %sub3A_906 : vector<400x64xf32>
    %mul3A_908 = vector.broadcast %mul3A_85 : vector<1x64xf32> to vector<400x64xf32>
    %mul3A_909 = arith.mulf %sub3A_907, %mul3A_908 : vector<400x64xf32>
    %max3A_910 = arith.constant 0.000000e+00 : f32
    %max3A_911 = vector.broadcast %max3A_910 : f32 to vector<400x64xf32>
    %max3A_912 = arith.maximumf %mul3A_909, %max3A_911 : vector<400x64xf32>
    %get3A_913 = arith.constant 0 : index
    %get3A_914 = arith.constant 0 : index
    %get3A_915 = vector.load %arg7[%get3A_913, %get3A_914] : memref<64x64xf32, #tpu.memory_space<vmem>>, vector<64x64xf32>
    %dot_general3A_916 = arith.constant dense<0.000000e+00> : vector<400x64xf32>
    %dot_general3A_917 = tpu.matmul %max3A_912, %get3A_915, %dot_general3A_916 {dimension_numbers = #tpu.dot_dimension_numbers<[1], [0], [0], [1], [0, 0, 1, 1], [], []>, transpose_lhs_hint = false} : vector<400x64xf32>, vector<64x64xf32>, vector<400x64xf32> -> vector<400x64xf32>
    %add3A_918 = arith.addf %add3A_100, %dot_general3A_917 : vector<400x64xf32>
    %get3A_919 = arith.constant 0 : index
    %get3A_920 = arith.constant 0 : index
    %get3A_921 = vector.load %arg9[%get3A_919, %get3A_920] : memref<64x64xf32, #tpu.memory_space<vmem>>, vector<64x64xf32>
    %dot_general3A_922 = arith.constant dense<0.000000e+00> : vector<400x64xf32>
    %dot_general3A_923 = tpu.matmul %add3A_918, %get3A_921, %dot_general3A_922 {dimension_numbers = #tpu.dot_dimension_numbers<[1], [0], [0], [1], [0, 0, 1, 1], [], []>, transpose_lhs_hint = false} : vector<400x64xf32>, vector<64x64xf32>, vector<400x64xf32> -> vector<400x64xf32>
    %get3A_924 = arith.constant 0 : index
    %get3A_925 = arith.constant 0 : index
    %get3A_926 = vector.load %arg10[%get3A_924, %get3A_925] : memref<1x64xf32, #tpu.memory_space<vmem>>, vector<1x64xf32>
    %add3A_927 = vector.broadcast %get3A_926 : vector<1x64xf32> to vector<400x64xf32>
    %add3A_928 = arith.addf %dot_general3A_923, %add3A_927 : vector<400x64xf32>
    %get3A_929 = arith.constant 0 : index
    %get3A_930 = arith.constant 0 : index
    %get3A_931 = vector.load %arg11[%get3A_929, %get3A_930] : memref<64x64xf32, #tpu.memory_space<vmem>>, vector<64x64xf32>
    %dot_general3A_932 = arith.constant dense<0.000000e+00> : vector<400x64xf32>
    %dot_general3A_933 = tpu.matmul %add3A_918, %get3A_931, %dot_general3A_932 {dimension_numbers = #tpu.dot_dimension_numbers<[1], [0], [0], [1], [0, 0, 1, 1], [], []>, transpose_lhs_hint = false} : vector<400x64xf32>, vector<64x64xf32>, vector<400x64xf32> -> vector<400x64xf32>
    %get3A_934 = arith.constant 0 : index
    %get3A_935 = arith.constant 0 : index
    %get3A_936 = vector.load %arg12[%get3A_934, %get3A_935] : memref<1x64xf32, #tpu.memory_space<vmem>>, vector<1x64xf32>
    %add3A_937 = vector.broadcast %get3A_936 : vector<1x64xf32> to vector<400x64xf32>
    %add3A_938 = arith.addf %dot_general3A_933, %add3A_937 : vector<400x64xf32>
    %get3A_939 = arith.constant 0 : index
    %get3A_940 = arith.constant 0 : index
    %get3A_941 = vector.load %arg13[%get3A_939, %get3A_940] : memref<64x64xf32, #tpu.memory_space<vmem>>, vector<64x64xf32>
    %dot_general3A_942 = arith.constant dense<0.000000e+00> : vector<400x64xf32>
    %dot_general3A_943 = tpu.matmul %add3A_918, %get3A_941, %dot_general3A_942 {dimension_numbers = #tpu.dot_dimension_numbers<[1], [0], [0], [1], [0, 0, 1, 1], [], []>, transpose_lhs_hint = false} : vector<400x64xf32>, vector<64x64xf32>, vector<400x64xf32> -> vector<400x64xf32>
    %get3A_944 = arith.constant 0 : index
    %get3A_945 = arith.constant 0 : index
    %get3A_946 = vector.load %arg14[%get3A_944, %get3A_945] : memref<1x64xf32, #tpu.memory_space<vmem>>, vector<1x64xf32>
    %add3A_947 = vector.broadcast %get3A_946 : vector<1x64xf32> to vector<400x64xf32>
    %add3A_948 = arith.addf %dot_general3A_943, %add3A_947 : vector<400x64xf32>
    %mul3A_949 = arith.mulf %add3A_928, %add3A_938 : vector<400x64xf32>
    %max3A_950 = arith.maximumf %max3A_897, %mul3A_949 : vector<400x64xf32>
    %get3A_951 = arith.constant 0 : index
    %get3A_952 = arith.constant 16 : index
    %get3A_953 = arith.constant 0 : index
    %get3A_954 = arith.constant 0 : index
    %get3A_955 = vector.load %arg3[%get3A_951, %get3A_952, %get3A_953, %get3A_954] : memref<1x20x400x128xf32, #tpu.memory_space<vmem>>, vector<1x1x400x128xf32>
    %get3A_956 = vector.shape_cast %get3A_955 : vector<1x1x400x128xf32> to vector<400x128xf32>
    %slice3A_957 = vector.extract_strided_slice %get3A_956 {offsets = [0, 0], sizes = [400, 64], strides = [1, 1]} : vector<400x128xf32> to vector<400x64xf32>
    %sub3A_958 = arith.subf %get3A_3, %slice3A_957 : vector<400x64xf32>
    %sub3A_959 = vector.broadcast %div3A_69 : vector<1x64xf32> to vector<400x64xf32>
    %sub3A_960 = arith.subf %sub3A_958, %sub3A_959 : vector<400x64xf32>
    %mul3A_961 = vector.broadcast %mul3A_85 : vector<1x64xf32> to vector<400x64xf32>
    %mul3A_962 = arith.mulf %sub3A_960, %mul3A_961 : vector<400x64xf32>
    %max3A_963 = arith.constant 0.000000e+00 : f32
    %max3A_964 = vector.broadcast %max3A_963 : f32 to vector<400x64xf32>
    %max3A_965 = arith.maximumf %mul3A_962, %max3A_964 : vector<400x64xf32>
    %get3A_966 = arith.constant 0 : index
    %get3A_967 = arith.constant 0 : index
    %get3A_968 = vector.load %arg7[%get3A_966, %get3A_967] : memref<64x64xf32, #tpu.memory_space<vmem>>, vector<64x64xf32>
    %dot_general3A_969 = arith.constant dense<0.000000e+00> : vector<400x64xf32>
    %dot_general3A_970 = tpu.matmul %max3A_965, %get3A_968, %dot_general3A_969 {dimension_numbers = #tpu.dot_dimension_numbers<[1], [0], [0], [1], [0, 0, 1, 1], [], []>, transpose_lhs_hint = false} : vector<400x64xf32>, vector<64x64xf32>, vector<400x64xf32> -> vector<400x64xf32>
    %add3A_971 = arith.addf %add3A_100, %dot_general3A_970 : vector<400x64xf32>
    %get3A_972 = arith.constant 0 : index
    %get3A_973 = arith.constant 0 : index
    %get3A_974 = vector.load %arg9[%get3A_972, %get3A_973] : memref<64x64xf32, #tpu.memory_space<vmem>>, vector<64x64xf32>
    %dot_general3A_975 = arith.constant dense<0.000000e+00> : vector<400x64xf32>
    %dot_general3A_976 = tpu.matmul %add3A_971, %get3A_974, %dot_general3A_975 {dimension_numbers = #tpu.dot_dimension_numbers<[1], [0], [0], [1], [0, 0, 1, 1], [], []>, transpose_lhs_hint = false} : vector<400x64xf32>, vector<64x64xf32>, vector<400x64xf32> -> vector<400x64xf32>
    %get3A_977 = arith.constant 0 : index
    %get3A_978 = arith.constant 0 : index
    %get3A_979 = vector.load %arg10[%get3A_977, %get3A_978] : memref<1x64xf32, #tpu.memory_space<vmem>>, vector<1x64xf32>
    %add3A_980 = vector.broadcast %get3A_979 : vector<1x64xf32> to vector<400x64xf32>
    %add3A_981 = arith.addf %dot_general3A_976, %add3A_980 : vector<400x64xf32>
    %get3A_982 = arith.constant 0 : index
    %get3A_983 = arith.constant 0 : index
    %get3A_984 = vector.load %arg11[%get3A_982, %get3A_983] : memref<64x64xf32, #tpu.memory_space<vmem>>, vector<64x64xf32>
    %dot_general3A_985 = arith.constant dense<0.000000e+00> : vector<400x64xf32>
    %dot_general3A_986 = tpu.matmul %add3A_971, %get3A_984, %dot_general3A_985 {dimension_numbers = #tpu.dot_dimension_numbers<[1], [0], [0], [1], [0, 0, 1, 1], [], []>, transpose_lhs_hint = false} : vector<400x64xf32>, vector<64x64xf32>, vector<400x64xf32> -> vector<400x64xf32>
    %get3A_987 = arith.constant 0 : index
    %get3A_988 = arith.constant 0 : index
    %get3A_989 = vector.load %arg12[%get3A_987, %get3A_988] : memref<1x64xf32, #tpu.memory_space<vmem>>, vector<1x64xf32>
    %add3A_990 = vector.broadcast %get3A_989 : vector<1x64xf32> to vector<400x64xf32>
    %add3A_991 = arith.addf %dot_general3A_986, %add3A_990 : vector<400x64xf32>
    %get3A_992 = arith.constant 0 : index
    %get3A_993 = arith.constant 0 : index
    %get3A_994 = vector.load %arg13[%get3A_992, %get3A_993] : memref<64x64xf32, #tpu.memory_space<vmem>>, vector<64x64xf32>
    %dot_general3A_995 = arith.constant dense<0.000000e+00> : vector<400x64xf32>
    %dot_general3A_996 = tpu.matmul %add3A_971, %get3A_994, %dot_general3A_995 {dimension_numbers = #tpu.dot_dimension_numbers<[1], [0], [0], [1], [0, 0, 1, 1], [], []>, transpose_lhs_hint = false} : vector<400x64xf32>, vector<64x64xf32>, vector<400x64xf32> -> vector<400x64xf32>
    %get3A_997 = arith.constant 0 : index
    %get3A_998 = arith.constant 0 : index
    %get3A_999 = vector.load %arg14[%get3A_997, %get3A_998] : memref<1x64xf32, #tpu.memory_space<vmem>>, vector<1x64xf32>
    %add3A_1000 = vector.broadcast %get3A_999 : vector<1x64xf32> to vector<400x64xf32>
    %add3A_1001 = arith.addf %dot_general3A_996, %add3A_1000 : vector<400x64xf32>
    %mul3A_1002 = arith.mulf %add3A_981, %add3A_991 : vector<400x64xf32>
    %max3A_1003 = arith.maximumf %max3A_950, %mul3A_1002 : vector<400x64xf32>
    %get3A_1004 = arith.constant 0 : index
    %get3A_1005 = arith.constant 17 : index
    %get3A_1006 = arith.constant 0 : index
    %get3A_1007 = arith.constant 0 : index
    %get3A_1008 = vector.load %arg3[%get3A_1004, %get3A_1005, %get3A_1006, %get3A_1007] : memref<1x20x400x128xf32, #tpu.memory_space<vmem>>, vector<1x1x400x128xf32>
    %get3A_1009 = vector.shape_cast %get3A_1008 : vector<1x1x400x128xf32> to vector<400x128xf32>
    %slice3A_1010 = vector.extract_strided_slice %get3A_1009 {offsets = [0, 0], sizes = [400, 64], strides = [1, 1]} : vector<400x128xf32> to vector<400x64xf32>
    %sub3A_1011 = arith.subf %get3A_3, %slice3A_1010 : vector<400x64xf32>
    %sub3A_1012 = vector.broadcast %div3A_69 : vector<1x64xf32> to vector<400x64xf32>
    %sub3A_1013 = arith.subf %sub3A_1011, %sub3A_1012 : vector<400x64xf32>
    %mul3A_1014 = vector.broadcast %mul3A_85 : vector<1x64xf32> to vector<400x64xf32>
    %mul3A_1015 = arith.mulf %sub3A_1013, %mul3A_1014 : vector<400x64xf32>
    %max3A_1016 = arith.constant 0.000000e+00 : f32
    %max3A_1017 = vector.broadcast %max3A_1016 : f32 to vector<400x64xf32>
    %max3A_1018 = arith.maximumf %mul3A_1015, %max3A_1017 : vector<400x64xf32>
    %get3A_1019 = arith.constant 0 : index
    %get3A_1020 = arith.constant 0 : index
    %get3A_1021 = vector.load %arg7[%get3A_1019, %get3A_1020] : memref<64x64xf32, #tpu.memory_space<vmem>>, vector<64x64xf32>
    %dot_general3A_1022 = arith.constant dense<0.000000e+00> : vector<400x64xf32>
    %dot_general3A_1023 = tpu.matmul %max3A_1018, %get3A_1021, %dot_general3A_1022 {dimension_numbers = #tpu.dot_dimension_numbers<[1], [0], [0], [1], [0, 0, 1, 1], [], []>, transpose_lhs_hint = false} : vector<400x64xf32>, vector<64x64xf32>, vector<400x64xf32> -> vector<400x64xf32>
    %add3A_1024 = arith.addf %add3A_100, %dot_general3A_1023 : vector<400x64xf32>
    %get3A_1025 = arith.constant 0 : index
    %get3A_1026 = arith.constant 0 : index
    %get3A_1027 = vector.load %arg9[%get3A_1025, %get3A_1026] : memref<64x64xf32, #tpu.memory_space<vmem>>, vector<64x64xf32>
    %dot_general3A_1028 = arith.constant dense<0.000000e+00> : vector<400x64xf32>
    %dot_general3A_1029 = tpu.matmul %add3A_1024, %get3A_1027, %dot_general3A_1028 {dimension_numbers = #tpu.dot_dimension_numbers<[1], [0], [0], [1], [0, 0, 1, 1], [], []>, transpose_lhs_hint = false} : vector<400x64xf32>, vector<64x64xf32>, vector<400x64xf32> -> vector<400x64xf32>
    %get3A_1030 = arith.constant 0 : index
    %get3A_1031 = arith.constant 0 : index
    %get3A_1032 = vector.load %arg10[%get3A_1030, %get3A_1031] : memref<1x64xf32, #tpu.memory_space<vmem>>, vector<1x64xf32>
    %add3A_1033 = vector.broadcast %get3A_1032 : vector<1x64xf32> to vector<400x64xf32>
    %add3A_1034 = arith.addf %dot_general3A_1029, %add3A_1033 : vector<400x64xf32>
    %get3A_1035 = arith.constant 0 : index
    %get3A_1036 = arith.constant 0 : index
    %get3A_1037 = vector.load %arg11[%get3A_1035, %get3A_1036] : memref<64x64xf32, #tpu.memory_space<vmem>>, vector<64x64xf32>
    %dot_general3A_1038 = arith.constant dense<0.000000e+00> : vector<400x64xf32>
    %dot_general3A_1039 = tpu.matmul %add3A_1024, %get3A_1037, %dot_general3A_1038 {dimension_numbers = #tpu.dot_dimension_numbers<[1], [0], [0], [1], [0, 0, 1, 1], [], []>, transpose_lhs_hint = false} : vector<400x64xf32>, vector<64x64xf32>, vector<400x64xf32> -> vector<400x64xf32>
    %get3A_1040 = arith.constant 0 : index
    %get3A_1041 = arith.constant 0 : index
    %get3A_1042 = vector.load %arg12[%get3A_1040, %get3A_1041] : memref<1x64xf32, #tpu.memory_space<vmem>>, vector<1x64xf32>
    %add3A_1043 = vector.broadcast %get3A_1042 : vector<1x64xf32> to vector<400x64xf32>
    %add3A_1044 = arith.addf %dot_general3A_1039, %add3A_1043 : vector<400x64xf32>
    %get3A_1045 = arith.constant 0 : index
    %get3A_1046 = arith.constant 0 : index
    %get3A_1047 = vector.load %arg13[%get3A_1045, %get3A_1046] : memref<64x64xf32, #tpu.memory_space<vmem>>, vector<64x64xf32>
    %dot_general3A_1048 = arith.constant dense<0.000000e+00> : vector<400x64xf32>
    %dot_general3A_1049 = tpu.matmul %add3A_1024, %get3A_1047, %dot_general3A_1048 {dimension_numbers = #tpu.dot_dimension_numbers<[1], [0], [0], [1], [0, 0, 1, 1], [], []>, transpose_lhs_hint = false} : vector<400x64xf32>, vector<64x64xf32>, vector<400x64xf32> -> vector<400x64xf32>
    %get3A_1050 = arith.constant 0 : index
    %get3A_1051 = arith.constant 0 : index
    %get3A_1052 = vector.load %arg14[%get3A_1050, %get3A_1051] : memref<1x64xf32, #tpu.memory_space<vmem>>, vector<1x64xf32>
    %add3A_1053 = vector.broadcast %get3A_1052 : vector<1x64xf32> to vector<400x64xf32>
    %add3A_1054 = arith.addf %dot_general3A_1049, %add3A_1053 : vector<400x64xf32>
    %mul3A_1055 = arith.mulf %add3A_1034, %add3A_1044 : vector<400x64xf32>
    %max3A_1056 = arith.maximumf %max3A_1003, %mul3A_1055 : vector<400x64xf32>
    %get3A_1057 = arith.constant 0 : index
    %get3A_1058 = arith.constant 18 : index
    %get3A_1059 = arith.constant 0 : index
    %get3A_1060 = arith.constant 0 : index
    %get3A_1061 = vector.load %arg3[%get3A_1057, %get3A_1058, %get3A_1059, %get3A_1060] : memref<1x20x400x128xf32, #tpu.memory_space<vmem>>, vector<1x1x400x128xf32>
    %get3A_1062 = vector.shape_cast %get3A_1061 : vector<1x1x400x128xf32> to vector<400x128xf32>
    %slice3A_1063 = vector.extract_strided_slice %get3A_1062 {offsets = [0, 0], sizes = [400, 64], strides = [1, 1]} : vector<400x128xf32> to vector<400x64xf32>
    %sub3A_1064 = arith.subf %get3A_3, %slice3A_1063 : vector<400x64xf32>
    %sub3A_1065 = vector.broadcast %div3A_69 : vector<1x64xf32> to vector<400x64xf32>
    %sub3A_1066 = arith.subf %sub3A_1064, %sub3A_1065 : vector<400x64xf32>
    %mul3A_1067 = vector.broadcast %mul3A_85 : vector<1x64xf32> to vector<400x64xf32>
    %mul3A_1068 = arith.mulf %sub3A_1066, %mul3A_1067 : vector<400x64xf32>
    %max3A_1069 = arith.constant 0.000000e+00 : f32
    %max3A_1070 = vector.broadcast %max3A_1069 : f32 to vector<400x64xf32>
    %max3A_1071 = arith.maximumf %mul3A_1068, %max3A_1070 : vector<400x64xf32>
    %get3A_1072 = arith.constant 0 : index
    %get3A_1073 = arith.constant 0 : index
    %get3A_1074 = vector.load %arg7[%get3A_1072, %get3A_1073] : memref<64x64xf32, #tpu.memory_space<vmem>>, vector<64x64xf32>
    %dot_general3A_1075 = arith.constant dense<0.000000e+00> : vector<400x64xf32>
    %dot_general3A_1076 = tpu.matmul %max3A_1071, %get3A_1074, %dot_general3A_1075 {dimension_numbers = #tpu.dot_dimension_numbers<[1], [0], [0], [1], [0, 0, 1, 1], [], []>, transpose_lhs_hint = false} : vector<400x64xf32>, vector<64x64xf32>, vector<400x64xf32> -> vector<400x64xf32>
    %add3A_1077 = arith.addf %add3A_100, %dot_general3A_1076 : vector<400x64xf32>
    %get3A_1078 = arith.constant 0 : index
    %get3A_1079 = arith.constant 0 : index
    %get3A_1080 = vector.load %arg9[%get3A_1078, %get3A_1079] : memref<64x64xf32, #tpu.memory_space<vmem>>, vector<64x64xf32>
    %dot_general3A_1081 = arith.constant dense<0.000000e+00> : vector<400x64xf32>
    %dot_general3A_1082 = tpu.matmul %add3A_1077, %get3A_1080, %dot_general3A_1081 {dimension_numbers = #tpu.dot_dimension_numbers<[1], [0], [0], [1], [0, 0, 1, 1], [], []>, transpose_lhs_hint = false} : vector<400x64xf32>, vector<64x64xf32>, vector<400x64xf32> -> vector<400x64xf32>
    %get3A_1083 = arith.constant 0 : index
    %get3A_1084 = arith.constant 0 : index
    %get3A_1085 = vector.load %arg10[%get3A_1083, %get3A_1084] : memref<1x64xf32, #tpu.memory_space<vmem>>, vector<1x64xf32>
    %add3A_1086 = vector.broadcast %get3A_1085 : vector<1x64xf32> to vector<400x64xf32>
    %add3A_1087 = arith.addf %dot_general3A_1082, %add3A_1086 : vector<400x64xf32>
    %get3A_1088 = arith.constant 0 : index
    %get3A_1089 = arith.constant 0 : index
    %get3A_1090 = vector.load %arg11[%get3A_1088, %get3A_1089] : memref<64x64xf32, #tpu.memory_space<vmem>>, vector<64x64xf32>
    %dot_general3A_1091 = arith.constant dense<0.000000e+00> : vector<400x64xf32>
    %dot_general3A_1092 = tpu.matmul %add3A_1077, %get3A_1090, %dot_general3A_1091 {dimension_numbers = #tpu.dot_dimension_numbers<[1], [0], [0], [1], [0, 0, 1, 1], [], []>, transpose_lhs_hint = false} : vector<400x64xf32>, vector<64x64xf32>, vector<400x64xf32> -> vector<400x64xf32>
    %get3A_1093 = arith.constant 0 : index
    %get3A_1094 = arith.constant 0 : index
    %get3A_1095 = vector.load %arg12[%get3A_1093, %get3A_1094] : memref<1x64xf32, #tpu.memory_space<vmem>>, vector<1x64xf32>
    %add3A_1096 = vector.broadcast %get3A_1095 : vector<1x64xf32> to vector<400x64xf32>
    %add3A_1097 = arith.addf %dot_general3A_1092, %add3A_1096 : vector<400x64xf32>
    %get3A_1098 = arith.constant 0 : index
    %get3A_1099 = arith.constant 0 : index
    %get3A_1100 = vector.load %arg13[%get3A_1098, %get3A_1099] : memref<64x64xf32, #tpu.memory_space<vmem>>, vector<64x64xf32>
    %dot_general3A_1101 = arith.constant dense<0.000000e+00> : vector<400x64xf32>
    %dot_general3A_1102 = tpu.matmul %add3A_1077, %get3A_1100, %dot_general3A_1101 {dimension_numbers = #tpu.dot_dimension_numbers<[1], [0], [0], [1], [0, 0, 1, 1], [], []>, transpose_lhs_hint = false} : vector<400x64xf32>, vector<64x64xf32>, vector<400x64xf32> -> vector<400x64xf32>
    %get3A_1103 = arith.constant 0 : index
    %get3A_1104 = arith.constant 0 : index
    %get3A_1105 = vector.load %arg14[%get3A_1103, %get3A_1104] : memref<1x64xf32, #tpu.memory_space<vmem>>, vector<1x64xf32>
    %add3A_1106 = vector.broadcast %get3A_1105 : vector<1x64xf32> to vector<400x64xf32>
    %add3A_1107 = arith.addf %dot_general3A_1102, %add3A_1106 : vector<400x64xf32>
    %mul3A_1108 = arith.mulf %add3A_1087, %add3A_1097 : vector<400x64xf32>
    %max3A_1109 = arith.maximumf %max3A_1056, %mul3A_1108 : vector<400x64xf32>
    %get3A_1110 = arith.constant 0 : index
    %get3A_1111 = arith.constant 19 : index
    %get3A_1112 = arith.constant 0 : index
    %get3A_1113 = arith.constant 0 : index
    %get3A_1114 = vector.load %arg3[%get3A_1110, %get3A_1111, %get3A_1112, %get3A_1113] : memref<1x20x400x128xf32, #tpu.memory_space<vmem>>, vector<1x1x400x128xf32>
    %get3A_1115 = vector.shape_cast %get3A_1114 : vector<1x1x400x128xf32> to vector<400x128xf32>
    %slice3A_1116 = vector.extract_strided_slice %get3A_1115 {offsets = [0, 0], sizes = [400, 64], strides = [1, 1]} : vector<400x128xf32> to vector<400x64xf32>
    %sub3A_1117 = arith.subf %get3A_3, %slice3A_1116 : vector<400x64xf32>
    %sub3A_1118 = vector.broadcast %div3A_69 : vector<1x64xf32> to vector<400x64xf32>
    %sub3A_1119 = arith.subf %sub3A_1117, %sub3A_1118 : vector<400x64xf32>
    %mul3A_1120 = vector.broadcast %mul3A_85 : vector<1x64xf32> to vector<400x64xf32>
    %mul3A_1121 = arith.mulf %sub3A_1119, %mul3A_1120 : vector<400x64xf32>
    %max3A_1122 = arith.constant 0.000000e+00 : f32
    %max3A_1123 = vector.broadcast %max3A_1122 : f32 to vector<400x64xf32>
    %max3A_1124 = arith.maximumf %mul3A_1121, %max3A_1123 : vector<400x64xf32>
    %get3A_1125 = arith.constant 0 : index
    %get3A_1126 = arith.constant 0 : index
    %get3A_1127 = vector.load %arg7[%get3A_1125, %get3A_1126] : memref<64x64xf32, #tpu.memory_space<vmem>>, vector<64x64xf32>
    %dot_general3A_1128 = arith.constant dense<0.000000e+00> : vector<400x64xf32>
    %dot_general3A_1129 = tpu.matmul %max3A_1124, %get3A_1127, %dot_general3A_1128 {dimension_numbers = #tpu.dot_dimension_numbers<[1], [0], [0], [1], [0, 0, 1, 1], [], []>, transpose_lhs_hint = false} : vector<400x64xf32>, vector<64x64xf32>, vector<400x64xf32> -> vector<400x64xf32>
    %add3A_1130 = arith.addf %add3A_100, %dot_general3A_1129 : vector<400x64xf32>
    %get3A_1131 = arith.constant 0 : index
    %get3A_1132 = arith.constant 0 : index
    %get3A_1133 = vector.load %arg9[%get3A_1131, %get3A_1132] : memref<64x64xf32, #tpu.memory_space<vmem>>, vector<64x64xf32>
    %dot_general3A_1134 = arith.constant dense<0.000000e+00> : vector<400x64xf32>
    %dot_general3A_1135 = tpu.matmul %add3A_1130, %get3A_1133, %dot_general3A_1134 {dimension_numbers = #tpu.dot_dimension_numbers<[1], [0], [0], [1], [0, 0, 1, 1], [], []>, transpose_lhs_hint = false} : vector<400x64xf32>, vector<64x64xf32>, vector<400x64xf32> -> vector<400x64xf32>
    %get3A_1136 = arith.constant 0 : index
    %get3A_1137 = arith.constant 0 : index
    %get3A_1138 = vector.load %arg10[%get3A_1136, %get3A_1137] : memref<1x64xf32, #tpu.memory_space<vmem>>, vector<1x64xf32>
    %add3A_1139 = vector.broadcast %get3A_1138 : vector<1x64xf32> to vector<400x64xf32>
    %add3A_1140 = arith.addf %dot_general3A_1135, %add3A_1139 : vector<400x64xf32>
    %get3A_1141 = arith.constant 0 : index
    %get3A_1142 = arith.constant 0 : index
    %get3A_1143 = vector.load %arg11[%get3A_1141, %get3A_1142] : memref<64x64xf32, #tpu.memory_space<vmem>>, vector<64x64xf32>
    %dot_general3A_1144 = arith.constant dense<0.000000e+00> : vector<400x64xf32>
    %dot_general3A_1145 = tpu.matmul %add3A_1130, %get3A_1143, %dot_general3A_1144 {dimension_numbers = #tpu.dot_dimension_numbers<[1], [0], [0], [1], [0, 0, 1, 1], [], []>, transpose_lhs_hint = false} : vector<400x64xf32>, vector<64x64xf32>, vector<400x64xf32> -> vector<400x64xf32>
    %get3A_1146 = arith.constant 0 : index
    %get3A_1147 = arith.constant 0 : index
    %get3A_1148 = vector.load %arg12[%get3A_1146, %get3A_1147] : memref<1x64xf32, #tpu.memory_space<vmem>>, vector<1x64xf32>
    %add3A_1149 = vector.broadcast %get3A_1148 : vector<1x64xf32> to vector<400x64xf32>
    %add3A_1150 = arith.addf %dot_general3A_1145, %add3A_1149 : vector<400x64xf32>
    %get3A_1151 = arith.constant 0 : index
    %get3A_1152 = arith.constant 0 : index
    %get3A_1153 = vector.load %arg13[%get3A_1151, %get3A_1152] : memref<64x64xf32, #tpu.memory_space<vmem>>, vector<64x64xf32>
    %dot_general3A_1154 = arith.constant dense<0.000000e+00> : vector<400x64xf32>
    %dot_general3A_1155 = tpu.matmul %add3A_1130, %get3A_1153, %dot_general3A_1154 {dimension_numbers = #tpu.dot_dimension_numbers<[1], [0], [0], [1], [0, 0, 1, 1], [], []>, transpose_lhs_hint = false} : vector<400x64xf32>, vector<64x64xf32>, vector<400x64xf32> -> vector<400x64xf32>
    %get3A_1156 = arith.constant 0 : index
    %get3A_1157 = arith.constant 0 : index
    %get3A_1158 = vector.load %arg14[%get3A_1156, %get3A_1157] : memref<1x64xf32, #tpu.memory_space<vmem>>, vector<1x64xf32>
    %add3A_1159 = vector.broadcast %get3A_1158 : vector<1x64xf32> to vector<400x64xf32>
    %add3A_1160 = arith.addf %dot_general3A_1155, %add3A_1159 : vector<400x64xf32>
    %mul3A_1161 = arith.mulf %add3A_1140, %add3A_1150 : vector<400x64xf32>
    %max3A_1162 = arith.maximumf %max3A_1109, %mul3A_1161 : vector<400x64xf32>
    %broadcast_in_dim3A_1163 = arith.constant 0.000000e+00 : f32
    %broadcast_in_dim3A_1164 = vector.broadcast %broadcast_in_dim3A_1163 : f32 to vector<400x64xf32>
    %broadcast_in_dim3A_1165 = arith.constant 0.000000e+00 : f32
    %broadcast_in_dim3A_1166 = vector.broadcast %broadcast_in_dim3A_1165 : f32 to vector<400x64xf32>
    %sub3A_1167 = arith.subf %mul3A_154, %max3A_1162 : vector<400x64xf32>
    %exp3A = math.exp %sub3A_1167 : vector<400x64xf32>
    %add3A_1168 = arith.addf %broadcast_in_dim3A_1164, %exp3A : vector<400x64xf32>
    %mul3A_1169 = arith.mulf %exp3A, %add3A_153 : vector<400x64xf32>
    %add3A_1170 = arith.addf %broadcast_in_dim3A_1166, %mul3A_1169 : vector<400x64xf32>
    %sub3A_1171 = arith.subf %mul3A_207, %max3A_1162 : vector<400x64xf32>
    %exp3A_1172 = math.exp %sub3A_1171 : vector<400x64xf32>
    %add3A_1173 = arith.addf %add3A_1168, %exp3A_1172 : vector<400x64xf32>
    %mul3A_1174 = arith.mulf %exp3A_1172, %add3A_206 : vector<400x64xf32>
    %add3A_1175 = arith.addf %add3A_1170, %mul3A_1174 : vector<400x64xf32>
    %sub3A_1176 = arith.subf %mul3A_260, %max3A_1162 : vector<400x64xf32>
    %exp3A_1177 = math.exp %sub3A_1176 : vector<400x64xf32>
    %add3A_1178 = arith.addf %add3A_1173, %exp3A_1177 : vector<400x64xf32>
    %mul3A_1179 = arith.mulf %exp3A_1177, %add3A_259 : vector<400x64xf32>
    %add3A_1180 = arith.addf %add3A_1175, %mul3A_1179 : vector<400x64xf32>
    %sub3A_1181 = arith.subf %mul3A_313, %max3A_1162 : vector<400x64xf32>
    %exp3A_1182 = math.exp %sub3A_1181 : vector<400x64xf32>
    %add3A_1183 = arith.addf %add3A_1178, %exp3A_1182 : vector<400x64xf32>
    %mul3A_1184 = arith.mulf %exp3A_1182, %add3A_312 : vector<400x64xf32>
    %add3A_1185 = arith.addf %add3A_1180, %mul3A_1184 : vector<400x64xf32>
    %sub3A_1186 = arith.subf %mul3A_366, %max3A_1162 : vector<400x64xf32>
    %exp3A_1187 = math.exp %sub3A_1186 : vector<400x64xf32>
    %add3A_1188 = arith.addf %add3A_1183, %exp3A_1187 : vector<400x64xf32>
    %mul3A_1189 = arith.mulf %exp3A_1187, %add3A_365 : vector<400x64xf32>
    %add3A_1190 = arith.addf %add3A_1185, %mul3A_1189 : vector<400x64xf32>
    %sub3A_1191 = arith.subf %mul3A_419, %max3A_1162 : vector<400x64xf32>
    %exp3A_1192 = math.exp %sub3A_1191 : vector<400x64xf32>
    %add3A_1193 = arith.addf %add3A_1188, %exp3A_1192 : vector<400x64xf32>
    %mul3A_1194 = arith.mulf %exp3A_1192, %add3A_418 : vector<400x64xf32>
    %add3A_1195 = arith.addf %add3A_1190, %mul3A_1194 : vector<400x64xf32>
    %sub3A_1196 = arith.subf %mul3A_472, %max3A_1162 : vector<400x64xf32>
    %exp3A_1197 = math.exp %sub3A_1196 : vector<400x64xf32>
    %add3A_1198 = arith.addf %add3A_1193, %exp3A_1197 : vector<400x64xf32>
    %mul3A_1199 = arith.mulf %exp3A_1197, %add3A_471 : vector<400x64xf32>
    %add3A_1200 = arith.addf %add3A_1195, %mul3A_1199 : vector<400x64xf32>
    %sub3A_1201 = arith.subf %mul3A_525, %max3A_1162 : vector<400x64xf32>
    %exp3A_1202 = math.exp %sub3A_1201 : vector<400x64xf32>
    %add3A_1203 = arith.addf %add3A_1198, %exp3A_1202 : vector<400x64xf32>
    %mul3A_1204 = arith.mulf %exp3A_1202, %add3A_524 : vector<400x64xf32>
    %add3A_1205 = arith.addf %add3A_1200, %mul3A_1204 : vector<400x64xf32>
    %sub3A_1206 = arith.subf %mul3A_578, %max3A_1162 : vector<400x64xf32>
    %exp3A_1207 = math.exp %sub3A_1206 : vector<400x64xf32>
    %add3A_1208 = arith.addf %add3A_1203, %exp3A_1207 : vector<400x64xf32>
    %mul3A_1209 = arith.mulf %exp3A_1207, %add3A_577 : vector<400x64xf32>
    %add3A_1210 = arith.addf %add3A_1205, %mul3A_1209 : vector<400x64xf32>
    %sub3A_1211 = arith.subf %mul3A_631, %max3A_1162 : vector<400x64xf32>
    %exp3A_1212 = math.exp %sub3A_1211 : vector<400x64xf32>
    %add3A_1213 = arith.addf %add3A_1208, %exp3A_1212 : vector<400x64xf32>
    %mul3A_1214 = arith.mulf %exp3A_1212, %add3A_630 : vector<400x64xf32>
    %add3A_1215 = arith.addf %add3A_1210, %mul3A_1214 : vector<400x64xf32>
    %sub3A_1216 = arith.subf %mul3A_684, %max3A_1162 : vector<400x64xf32>
    %exp3A_1217 = math.exp %sub3A_1216 : vector<400x64xf32>
    %add3A_1218 = arith.addf %add3A_1213, %exp3A_1217 : vector<400x64xf32>
    %mul3A_1219 = arith.mulf %exp3A_1217, %add3A_683 : vector<400x64xf32>
    %add3A_1220 = arith.addf %add3A_1215, %mul3A_1219 : vector<400x64xf32>
    %sub3A_1221 = arith.subf %mul3A_737, %max3A_1162 : vector<400x64xf32>
    %exp3A_1222 = math.exp %sub3A_1221 : vector<400x64xf32>
    %add3A_1223 = arith.addf %add3A_1218, %exp3A_1222 : vector<400x64xf32>
    %mul3A_1224 = arith.mulf %exp3A_1222, %add3A_736 : vector<400x64xf32>
    %add3A_1225 = arith.addf %add3A_1220, %mul3A_1224 : vector<400x64xf32>
    %sub3A_1226 = arith.subf %mul3A_790, %max3A_1162 : vector<400x64xf32>
    %exp3A_1227 = math.exp %sub3A_1226 : vector<400x64xf32>
    %add3A_1228 = arith.addf %add3A_1223, %exp3A_1227 : vector<400x64xf32>
    %mul3A_1229 = arith.mulf %exp3A_1227, %add3A_789 : vector<400x64xf32>
    %add3A_1230 = arith.addf %add3A_1225, %mul3A_1229 : vector<400x64xf32>
    %sub3A_1231 = arith.subf %mul3A_843, %max3A_1162 : vector<400x64xf32>
    %exp3A_1232 = math.exp %sub3A_1231 : vector<400x64xf32>
    %add3A_1233 = arith.addf %add3A_1228, %exp3A_1232 : vector<400x64xf32>
    %mul3A_1234 = arith.mulf %exp3A_1232, %add3A_842 : vector<400x64xf32>
    %add3A_1235 = arith.addf %add3A_1230, %mul3A_1234 : vector<400x64xf32>
    %sub3A_1236 = arith.subf %mul3A_896, %max3A_1162 : vector<400x64xf32>
    %exp3A_1237 = math.exp %sub3A_1236 : vector<400x64xf32>
    %add3A_1238 = arith.addf %add3A_1233, %exp3A_1237 : vector<400x64xf32>
    %mul3A_1239 = arith.mulf %exp3A_1237, %add3A_895 : vector<400x64xf32>
    %add3A_1240 = arith.addf %add3A_1235, %mul3A_1239 : vector<400x64xf32>
    %sub3A_1241 = arith.subf %mul3A_949, %max3A_1162 : vector<400x64xf32>
    %exp3A_1242 = math.exp %sub3A_1241 : vector<400x64xf32>
    %add3A_1243 = arith.addf %add3A_1238, %exp3A_1242 : vector<400x64xf32>
    %mul3A_1244 = arith.mulf %exp3A_1242, %add3A_948 : vector<400x64xf32>
    %add3A_1245 = arith.addf %add3A_1240, %mul3A_1244 : vector<400x64xf32>
    %sub3A_1246 = arith.subf %mul3A_1002, %max3A_1162 : vector<400x64xf32>
    %exp3A_1247 = math.exp %sub3A_1246 : vector<400x64xf32>
    %add3A_1248 = arith.addf %add3A_1243, %exp3A_1247 : vector<400x64xf32>
    %mul3A_1249 = arith.mulf %exp3A_1247, %add3A_1001 : vector<400x64xf32>
    %add3A_1250 = arith.addf %add3A_1245, %mul3A_1249 : vector<400x64xf32>
    %sub3A_1251 = arith.subf %mul3A_1055, %max3A_1162 : vector<400x64xf32>
    %exp3A_1252 = math.exp %sub3A_1251 : vector<400x64xf32>
    %add3A_1253 = arith.addf %add3A_1248, %exp3A_1252 : vector<400x64xf32>
    %mul3A_1254 = arith.mulf %exp3A_1252, %add3A_1054 : vector<400x64xf32>
    %add3A_1255 = arith.addf %add3A_1250, %mul3A_1254 : vector<400x64xf32>
    %sub3A_1256 = arith.subf %mul3A_1108, %max3A_1162 : vector<400x64xf32>
    %exp3A_1257 = math.exp %sub3A_1256 : vector<400x64xf32>
    %add3A_1258 = arith.addf %add3A_1253, %exp3A_1257 : vector<400x64xf32>
    %mul3A_1259 = arith.mulf %exp3A_1257, %add3A_1107 : vector<400x64xf32>
    %add3A_1260 = arith.addf %add3A_1255, %mul3A_1259 : vector<400x64xf32>
    %sub3A_1261 = arith.subf %mul3A_1161, %max3A_1162 : vector<400x64xf32>
    %exp3A_1262 = math.exp %sub3A_1261 : vector<400x64xf32>
    %add3A_1263 = arith.addf %add3A_1258, %exp3A_1262 : vector<400x64xf32>
    %mul3A_1264 = arith.mulf %exp3A_1262, %add3A_1160 : vector<400x64xf32>
    %add3A_1265 = arith.addf %add3A_1260, %mul3A_1264 : vector<400x64xf32>
    %get3A_1266 = arith.constant 0 : index
    %get3A_1267 = arith.constant 0 : index
    %get3A_1268 = vector.load %arg15[%get3A_1266, %get3A_1267] : memref<1x1xf32, #tpu.memory_space<vmem>>, vector<1x1xf32>
    %div3A_1269 = arith.divf %add3A_1265, %add3A_1263 : vector<400x64xf32>
    %mul3A_1270 = vector.broadcast %get3A_1268 : vector<1x1xf32> to vector<400x64xf32>
    %mul3A_1271 = arith.mulf %mul3A_1270, %div3A_1269 : vector<400x64xf32>
    %add3A_1272 = arith.addf %get3A_3, %mul3A_1271 : vector<400x64xf32>
    %swap3A = arith.constant 0 : index
    %swap3A_1273 = arith.constant 0 : index
    %swap3A_1274 = arith.constant 0 : index
    %swap3A_1275 = vector.load %arg16[%swap3A, %swap3A_1273, %swap3A_1274] : memref<1x400x64xf32, #tpu.memory_space<vmem>>, vector<1x400x64xf32>
    %swap3A_1276 = vector.shape_cast %swap3A_1275 : vector<1x400x64xf32> to vector<400x64xf32>
    %swap3A_1277 = vector.shape_cast %add3A_1272 : vector<400x64xf32> to vector<1x400x64xf32>
    tpu.vector_store %arg16[%swap3A, %swap3A_1273, %swap3A_1274], %swap3A_1277 {strides = array<i32>} : memref<1x400x64xf32, #tpu.memory_space<vmem>>, vector<1x400x64xf32>,
    return
  }
  func.func @transform_0(%arg0: i32, %arg1: i32) -> (i32, i32, i32) {
    %c0_i32 = arith.constant 0 : i32
    %c0_i32_0 = arith.constant 0 : i32
    return %arg0, %arg1, %c0_i32 : i32, i32, i32
  }
  func.func @transform_1(%arg0: i32, %arg1: i32) -> (i32, i32, i32, i32) {
    %c0_i32 = arith.constant 0 : i32
    %c0_i32_0 = arith.constant 0 : i32
    %c0_i32_1 = arith.constant 0 : i32
    return %arg0, %c0_i32, %arg1, %c0_i32_0 : i32, i32, i32, i32
  }
  func.func @transform_2(%arg0: i32, %arg1: i32) -> (i32, i32, i32) {
    %c0_i32 = arith.constant 0 : i32
    %c0_i32_0 = arith.constant 0 : i32
    %c0_i32_1 = arith.constant 0 : i32
    %c0_i32_2 = arith.constant 0 : i32
    return %c0_i32, %c0_i32_0, %c0_i32_1 : i32, i32, i32
  }
  func.func @transform_3(%arg0: i32, %arg1: i32) -> (i32, i32, i32) {
    %c0_i32 = arith.constant 0 : i32
    %c0_i32_0 = arith.constant 0 : i32
    %c0_i32_1 = arith.constant 0 : i32
    return %arg0, %c0_i32, %c0_i32_0 : i32, i32, i32
  }
  func.func @transform_4(%arg0: i32, %arg1: i32) -> (i32, i32) {
    %c0_i32 = arith.constant 0 : i32
    %c0_i32_0 = arith.constant 0 : i32
    %c0_i32_1 = arith.constant 0 : i32
    return %c0_i32, %c0_i32_0 : i32, i32
  }
  func.func @transform_5(%arg0: i32, %arg1: i32) -> (i32, i32) {
    %c0_i32 = arith.constant 0 : i32
    %c0_i32_0 = arith.constant 0 : i32
    %c0_i32_1 = arith.constant 0 : i32
    return %c0_i32, %c0_i32_0 : i32, i32
  }
  func.func @transform_6(%arg0: i32, %arg1: i32) -> (i32, i32) {
    %c0_i32 = arith.constant 0 : i32
    %c0_i32_0 = arith.constant 0 : i32
    %c0_i32_1 = arith.constant 0 : i32
    return %c0_i32, %c0_i32_0 : i32, i32
  }
  func.func @transform_7(%arg0: i32, %arg1: i32) -> (i32, i32) {
    %c0_i32 = arith.constant 0 : i32
    %c0_i32_0 = arith.constant 0 : i32
    %c0_i32_1 = arith.constant 0 : i32
    return %c0_i32, %c0_i32_0 : i32, i32
  }
  func.func @transform_8(%arg0: i32, %arg1: i32) -> (i32, i32) {
    %c0_i32 = arith.constant 0 : i32
    %c0_i32_0 = arith.constant 0 : i32
    %c0_i32_1 = arith.constant 0 : i32
    return %c0_i32, %c0_i32_0 : i32, i32
  }
  func.func @transform_9(%arg0: i32, %arg1: i32) -> (i32, i32) {
    %c0_i32 = arith.constant 0 : i32
    %c0_i32_0 = arith.constant 0 : i32
    %c0_i32_1 = arith.constant 0 : i32
    return %c0_i32, %c0_i32_0 : i32, i32
  }
  func.func @transform_10(%arg0: i32, %arg1: i32) -> (i32, i32) {
    %c0_i32 = arith.constant 0 : i32
    %c0_i32_0 = arith.constant 0 : i32
    %c0_i32_1 = arith.constant 0 : i32
    return %c0_i32, %c0_i32_0 : i32, i32
  }
  func.func @transform_11(%arg0: i32, %arg1: i32) -> (i32, i32) {
    %c0_i32 = arith.constant 0 : i32
    %c0_i32_0 = arith.constant 0 : i32
    %c0_i32_1 = arith.constant 0 : i32
    return %c0_i32, %c0_i32_0 : i32, i32
  }
  func.func @transform_12(%arg0: i32, %arg1: i32) -> (i32, i32) {
    %c0_i32 = arith.constant 0 : i32
    %c0_i32_0 = arith.constant 0 : i32
    %c0_i32_1 = arith.constant 0 : i32
    return %c0_i32, %c0_i32_0 : i32, i32
  }
  func.func @transform_13(%arg0: i32, %arg1: i32) -> (i32, i32) {
    %c0_i32 = arith.constant 0 : i32
    %c0_i32_0 = arith.constant 0 : i32
    %c0_i32_1 = arith.constant 0 : i32
    return %c0_i32, %c0_i32_0 : i32, i32
  }
  func.func @transform_14(%arg0: i32, %arg1: i32) -> (i32, i32, i32) {
    %c0_i32 = arith.constant 0 : i32
    %c0_i32_0 = arith.constant 0 : i32
    return %arg0, %arg1, %c0_i32 : i32, i32, i32
  }
}

module attributes {stable_mosaic.version = 14 : i64} {
  func.func @_fin_body(%arg0: i32, %arg1: i32, %arg2: memref<1x400x64xf32, #tpu.memory_space<vmem>>, %arg3: memref<1x20x400x128xf32, #tpu.memory_space<vmem>>, %arg4: memref<8x4x64xf32, #tpu.memory_space<vmem>>, %arg5: memref<1x4x64xf32, #tpu.memory_space<vmem>>, %arg6: memref<64x128xf32, #tpu.memory_space<vmem>>, %arg7: memref<64x128xf32, #tpu.memory_space<vmem>>, %arg8: memref<1x128xf32, #tpu.memory_space<vmem>>, %arg9: memref<1x400x128xf32, #tpu.memory_space<vmem>>) attributes {dimension_semantics = [#tpu.dimension_semantics<arbitrary>, #tpu.dimension_semantics<arbitrary>], iteration_bounds = array<i64: 8, 5>, scalar_prefetch = 0 : i64, scratch_operands = 0 : i64, tpu.core_type = #tpu.core_type<tc>, window_params = [{transform_indices = @transform_0, window_bounds = array<i64: 1, 400, 64>}, {transform_indices = @transform_1, window_bounds = array<i64: 1, 20, 400, 128>}, {pipeline_mode = #tpu.pipeline_mode<synchronous>, transform_indices = @transform_2, window_bounds = array<i64: 8, 4, 64>}, {transform_indices = @transform_3, window_bounds = array<i64: 1, 4, 64>}, {pipeline_mode = #tpu.pipeline_mode<synchronous>, transform_indices = @transform_4, window_bounds = array<i64: 64, 128>}, {pipeline_mode = #tpu.pipeline_mode<synchronous>, transform_indices = @transform_5, window_bounds = array<i64: 64, 128>}, {pipeline_mode = #tpu.pipeline_mode<synchronous>, transform_indices = @transform_6, window_bounds = array<i64: 1, 128>}, {transform_indices = @transform_7, window_bounds = array<i64: 1, 400, 128>}]} {
    %get3A = arith.constant 0 : index
    %get3A_0 = arith.constant 0 : index
    %get3A_1 = arith.constant 0 : index
    %get3A_2 = vector.load %arg2[%get3A, %get3A_0, %get3A_1] : memref<1x400x64xf32, #tpu.memory_space<vmem>>, vector<1x400x64xf32>
    %get3A_3 = vector.shape_cast %get3A_2 : vector<1x400x64xf32> to vector<400x64xf32>
    %get3A_4 = arith.constant 0 : index
    %get3A_5 = arith.constant 0 : index
    %get3A_6 = arith.constant 0 : index
    %get3A_7 = vector.load %arg4[%get3A_4, %get3A_5, %get3A_6] : memref<8x4x64xf32, #tpu.memory_space<vmem>>, vector<8x4x64xf32>
    %get3A_8 = arith.constant 0 : index
    %get3A_9 = arith.constant 0 : index
    %get3A_10 = arith.constant 0 : index
    %get3A_11 = vector.load %arg5[%get3A_8, %get3A_9, %get3A_10] : memref<1x4x64xf32, #tpu.memory_space<vmem>>, vector<1x4x64xf32>
    %get3A_12 = vector.shape_cast %get3A_11 : vector<1x4x64xf32> to vector<4x64xf32>
    %slice3A = vector.extract_strided_slice %get3A_7 {offsets = [0, 0, 0], sizes = [8, 1, 64], strides = [1, 1, 1]} : vector<8x4x64xf32> to vector<8x1x64xf32>
    %squeeze3A = vector.shape_cast %slice3A : vector<8x1x64xf32> to vector<8x64xf32>
    %div3A = arith.constant 2.000000e+03 : f32
    %div3A_13 = vector.broadcast %div3A : f32 to vector<8x64xf32>
    %div3A_14 = arith.divf %squeeze3A, %div3A_13 : vector<8x64xf32>
    %slice3A_15 = vector.extract_strided_slice %get3A_7 {offsets = [0, 1, 0], sizes = [8, 1, 64], strides = [1, 1, 1]} : vector<8x4x64xf32> to vector<8x1x64xf32>
    %squeeze3A_16 = vector.shape_cast %slice3A_15 : vector<8x1x64xf32> to vector<8x64xf32>
    %div3A_17 = arith.constant 2.000000e+03 : f32
    %div3A_18 = vector.broadcast %div3A_17 : f32 to vector<8x64xf32>
    %div3A_19 = arith.divf %squeeze3A_16, %div3A_18 : vector<8x64xf32>
    %mul3A = arith.mulf %div3A_14, %div3A_14 : vector<8x64xf32>
    %sub3A = arith.subf %div3A_19, %mul3A : vector<8x64xf32>
    %slice3A_20 = vector.extract_strided_slice %get3A_7 {offsets = [0, 2, 0], sizes = [8, 1, 64], strides = [1, 1, 1]} : vector<8x4x64xf32> to vector<8x1x64xf32>
    %squeeze3A_21 = vector.shape_cast %slice3A_20 : vector<8x1x64xf32> to vector<8x64xf32>
    %div3A_22 = arith.constant 4.000000e+04 : f32
    %div3A_23 = vector.broadcast %div3A_22 : f32 to vector<8x64xf32>
    %div3A_24 = arith.divf %squeeze3A_21, %div3A_23 : vector<8x64xf32>
    %slice3A_25 = vector.extract_strided_slice %get3A_7 {offsets = [0, 3, 0], sizes = [8, 1, 64], strides = [1, 1, 1]} : vector<8x4x64xf32> to vector<8x1x64xf32>
    %squeeze3A_26 = vector.shape_cast %slice3A_25 : vector<8x1x64xf32> to vector<8x64xf32>
    %div3A_27 = arith.constant 4.000000e+04 : f32
    %div3A_28 = vector.broadcast %div3A_27 : f32 to vector<8x64xf32>
    %div3A_29 = arith.divf %squeeze3A_26, %div3A_28 : vector<8x64xf32>
    %mul3A_30 = arith.mulf %div3A_24, %div3A_24 : vector<8x64xf32>
    %sub3A_31 = arith.subf %div3A_29, %mul3A_30 : vector<8x64xf32>
    %add3A = arith.constant 1.000000e-03 : f32
    %add3A_32 = vector.broadcast %add3A : f32 to vector<8x64xf32>
    %add3A_33 = arith.addf %sub3A, %add3A_32 : vector<8x64xf32>
    %div3A_34 = arith.divf %sub3A, %add3A_33 : vector<8x64xf32>
    %reduce_sum3A = arith.constant dense<0.000000e+00> : vector<64xf32>
    %reduce_sum3A_35 = vector.multi_reduction <add>, %div3A_34, %reduce_sum3A [0] : vector<8x64xf32> to vector<64xf32>
    %broadcast_in_dim3A = vector.shape_cast %reduce_sum3A_35 : vector<64xf32> to vector<1x64xf32>
    %div3A_36 = arith.constant 8.000000e+00 : f32
    %div3A_37 = vector.broadcast %div3A_36 : f32 to vector<1x64xf32>
    %div3A_38 = arith.divf %broadcast_in_dim3A, %div3A_37 : vector<1x64xf32>
    %add3A_39 = arith.constant 1.000000e-03 : f32
    %add3A_40 = vector.broadcast %add3A_39 : f32 to vector<8x64xf32>
    %add3A_41 = arith.addf %sub3A_31, %add3A_40 : vector<8x64xf32>
    %div3A_42 = arith.divf %sub3A_31, %add3A_41 : vector<8x64xf32>
    %reduce_sum3A_43 = arith.constant dense<0.000000e+00> : vector<64xf32>
    %reduce_sum3A_44 = vector.multi_reduction <add>, %div3A_42, %reduce_sum3A_43 [0] : vector<8x64xf32> to vector<64xf32>
    %broadcast_in_dim3A_45 = vector.shape_cast %reduce_sum3A_44 : vector<64xf32> to vector<1x64xf32>
    %div3A_46 = arith.constant 8.000000e+00 : f32
    %div3A_47 = vector.broadcast %div3A_46 : f32 to vector<1x64xf32>
    %div3A_48 = arith.divf %broadcast_in_dim3A_45, %div3A_47 : vector<1x64xf32>
    %add3A_49 = arith.constant 9.99999974E-6 : f32
    %add3A_50 = vector.broadcast %add3A_49 : f32 to vector<1x64xf32>
    %add3A_51 = arith.addf %div3A_38, %add3A_50 : vector<1x64xf32>
    %rsqrt3A = math.rsqrt %add3A_51 : vector<1x64xf32>
    %add3A_52 = arith.constant 9.99999974E-6 : f32
    %add3A_53 = vector.broadcast %add3A_52 : f32 to vector<1x64xf32>
    %add3A_54 = arith.addf %div3A_48, %add3A_53 : vector<1x64xf32>
    %rsqrt3A_55 = math.rsqrt %add3A_54 : vector<1x64xf32>
    %slice3A_56 = vector.extract_strided_slice %get3A_12 {offsets = [0, 0], sizes = [1, 64], strides = [1, 1]} : vector<4x64xf32> to vector<1x64xf32>
    %div3A_57 = arith.constant 2.000000e+03 : f32
    %div3A_58 = vector.broadcast %div3A_57 : f32 to vector<1x64xf32>
    %div3A_59 = arith.divf %slice3A_56, %div3A_58 : vector<1x64xf32>
    %slice3A_60 = vector.extract_strided_slice %get3A_12 {offsets = [1, 0], sizes = [1, 64], strides = [1, 1]} : vector<4x64xf32> to vector<1x64xf32>
    %div3A_61 = arith.constant 2.000000e+03 : f32
    %div3A_62 = vector.broadcast %div3A_61 : f32 to vector<1x64xf32>
    %div3A_63 = arith.divf %slice3A_60, %div3A_62 : vector<1x64xf32>
    %mul3A_64 = arith.mulf %div3A_59, %div3A_59 : vector<1x64xf32>
    %sub3A_65 = arith.subf %div3A_63, %mul3A_64 : vector<1x64xf32>
    %slice3A_66 = vector.extract_strided_slice %get3A_12 {offsets = [2, 0], sizes = [1, 64], strides = [1, 1]} : vector<4x64xf32> to vector<1x64xf32>
    %div3A_67 = arith.constant 4.000000e+04 : f32
    %div3A_68 = vector.broadcast %div3A_67 : f32 to vector<1x64xf32>
    %div3A_69 = arith.divf %slice3A_66, %div3A_68 : vector<1x64xf32>
    %slice3A_70 = vector.extract_strided_slice %get3A_12 {offsets = [3, 0], sizes = [1, 64], strides = [1, 1]} : vector<4x64xf32> to vector<1x64xf32>
    %div3A_71 = arith.constant 4.000000e+04 : f32
    %div3A_72 = vector.broadcast %div3A_71 : f32 to vector<1x64xf32>
    %div3A_73 = arith.divf %slice3A_70, %div3A_72 : vector<1x64xf32>
    %mul3A_74 = arith.mulf %div3A_69, %div3A_69 : vector<1x64xf32>
    %sub3A_75 = arith.subf %div3A_73, %mul3A_74 : vector<1x64xf32>
    %add3A_76 = arith.constant 1.000000e-03 : f32
    %add3A_77 = vector.broadcast %add3A_76 : f32 to vector<1x64xf32>
    %add3A_78 = arith.addf %sub3A_65, %add3A_77 : vector<1x64xf32>
    %rsqrt3A_79 = math.rsqrt %add3A_78 : vector<1x64xf32>
    %mul3A_80 = arith.mulf %rsqrt3A_79, %rsqrt3A : vector<1x64xf32>
    %add3A_81 = arith.constant 1.000000e-03 : f32
    %add3A_82 = vector.broadcast %add3A_81 : f32 to vector<1x64xf32>
    %add3A_83 = arith.addf %sub3A_75, %add3A_82 : vector<1x64xf32>
    %rsqrt3A_84 = math.rsqrt %add3A_83 : vector<1x64xf32>
    %mul3A_85 = arith.mulf %rsqrt3A_84, %rsqrt3A_55 : vector<1x64xf32>
    %sub3A_86 = vector.broadcast %div3A_59 : vector<1x64xf32> to vector<400x64xf32>
    %sub3A_87 = arith.subf %get3A_3, %sub3A_86 : vector<400x64xf32>
    %mul3A_88 = vector.broadcast %mul3A_80 : vector<1x64xf32> to vector<400x64xf32>
    %mul3A_89 = arith.mulf %sub3A_87, %mul3A_88 : vector<400x64xf32>
    %max3A = arith.constant 0.000000e+00 : f32
    %max3A_90 = vector.broadcast %max3A : f32 to vector<400x64xf32>
    %max3A_91 = arith.maximumf %mul3A_89, %max3A_90 : vector<400x64xf32>
    %get3A_92 = arith.constant 0 : index
    %get3A_93 = arith.constant 0 : index
    %get3A_94 = vector.load %arg6[%get3A_92, %get3A_93] : memref<64x128xf32, #tpu.memory_space<vmem>>, vector<64x128xf32>
    %dot_general3A = arith.constant dense<0.000000e+00> : vector<400x128xf32>
    %dot_general3A_95 = tpu.matmul %max3A_91, %get3A_94, %dot_general3A {dimension_numbers = #tpu.dot_dimension_numbers<[1], [0], [0], [1], [0, 0, 1, 1], [], []>, transpose_lhs_hint = false} : vector<400x64xf32>, vector<64x128xf32>, vector<400x128xf32> -> vector<400x128xf32>
    %get3A_96 = arith.constant 0 : index
    %get3A_97 = arith.constant 0 : index
    %get3A_98 = vector.load %arg8[%get3A_96, %get3A_97] : memref<1x128xf32, #tpu.memory_space<vmem>>, vector<1x128xf32>
    %add3A_99 = vector.broadcast %get3A_98 : vector<1x128xf32> to vector<400x128xf32>
    %add3A_100 = arith.addf %dot_general3A_95, %add3A_99 : vector<400x128xf32>
    %broadcast_in_dim3A_101 = arith.constant -3.000000e+38 : f32
    %broadcast_in_dim3A_102 = vector.broadcast %broadcast_in_dim3A_101 : f32 to vector<400x128xf32>
    %get3A_103 = arith.constant 0 : index
    %get3A_104 = arith.constant 0 : index
    %get3A_105 = arith.constant 0 : index
    %get3A_106 = arith.constant 0 : index
    %get3A_107 = vector.load %arg3[%get3A_103, %get3A_104, %get3A_105, %get3A_106] : memref<1x20x400x128xf32, #tpu.memory_space<vmem>>, vector<1x1x400x128xf32>
    %get3A_108 = vector.shape_cast %get3A_107 : vector<1x1x400x128xf32> to vector<400x128xf32>
    %slice3A_109 = vector.extract_strided_slice %get3A_108 {offsets = [0, 0], sizes = [400, 64], strides = [1, 1]} : vector<400x128xf32> to vector<400x64xf32>
    %sub3A_110 = arith.subf %get3A_3, %slice3A_109 : vector<400x64xf32>
    %sub3A_111 = vector.broadcast %div3A_69 : vector<1x64xf32> to vector<400x64xf32>
    %sub3A_112 = arith.subf %sub3A_110, %sub3A_111 : vector<400x64xf32>
    %mul3A_113 = vector.broadcast %mul3A_85 : vector<1x64xf32> to vector<400x64xf32>
    %mul3A_114 = arith.mulf %sub3A_112, %mul3A_113 : vector<400x64xf32>
    %max3A_115 = arith.constant 0.000000e+00 : f32
    %max3A_116 = vector.broadcast %max3A_115 : f32 to vector<400x64xf32>
    %max3A_117 = arith.maximumf %mul3A_114, %max3A_116 : vector<400x64xf32>
    %get3A_118 = arith.constant 0 : index
    %get3A_119 = arith.constant 0 : index
    %get3A_120 = vector.load %arg7[%get3A_118, %get3A_119] : memref<64x128xf32, #tpu.memory_space<vmem>>, vector<64x128xf32>
    %dot_general3A_121 = arith.constant dense<0.000000e+00> : vector<400x128xf32>
    %dot_general3A_122 = tpu.matmul %max3A_117, %get3A_120, %dot_general3A_121 {dimension_numbers = #tpu.dot_dimension_numbers<[1], [0], [0], [1], [0, 0, 1, 1], [], []>, transpose_lhs_hint = false} : vector<400x64xf32>, vector<64x128xf32>, vector<400x128xf32> -> vector<400x128xf32>
    %add3A_123 = arith.addf %add3A_100, %dot_general3A_122 : vector<400x128xf32>
    %max3A_124 = arith.maximumf %broadcast_in_dim3A_102, %add3A_123 : vector<400x128xf32>
    %get3A_125 = arith.constant 0 : index
    %get3A_126 = arith.constant 1 : index
    %get3A_127 = arith.constant 0 : index
    %get3A_128 = arith.constant 0 : index
    %get3A_129 = vector.load %arg3[%get3A_125, %get3A_126, %get3A_127, %get3A_128] : memref<1x20x400x128xf32, #tpu.memory_space<vmem>>, vector<1x1x400x128xf32>
    %get3A_130 = vector.shape_cast %get3A_129 : vector<1x1x400x128xf32> to vector<400x128xf32>
    %slice3A_131 = vector.extract_strided_slice %get3A_130 {offsets = [0, 0], sizes = [400, 64], strides = [1, 1]} : vector<400x128xf32> to vector<400x64xf32>
    %sub3A_132 = arith.subf %get3A_3, %slice3A_131 : vector<400x64xf32>
    %sub3A_133 = vector.broadcast %div3A_69 : vector<1x64xf32> to vector<400x64xf32>
    %sub3A_134 = arith.subf %sub3A_132, %sub3A_133 : vector<400x64xf32>
    %mul3A_135 = vector.broadcast %mul3A_85 : vector<1x64xf32> to vector<400x64xf32>
    %mul3A_136 = arith.mulf %sub3A_134, %mul3A_135 : vector<400x64xf32>
    %max3A_137 = arith.constant 0.000000e+00 : f32
    %max3A_138 = vector.broadcast %max3A_137 : f32 to vector<400x64xf32>
    %max3A_139 = arith.maximumf %mul3A_136, %max3A_138 : vector<400x64xf32>
    %get3A_140 = arith.constant 0 : index
    %get3A_141 = arith.constant 0 : index
    %get3A_142 = vector.load %arg7[%get3A_140, %get3A_141] : memref<64x128xf32, #tpu.memory_space<vmem>>, vector<64x128xf32>
    %dot_general3A_143 = arith.constant dense<0.000000e+00> : vector<400x128xf32>
    %dot_general3A_144 = tpu.matmul %max3A_139, %get3A_142, %dot_general3A_143 {dimension_numbers = #tpu.dot_dimension_numbers<[1], [0], [0], [1], [0, 0, 1, 1], [], []>, transpose_lhs_hint = false} : vector<400x64xf32>, vector<64x128xf32>, vector<400x128xf32> -> vector<400x128xf32>
    %add3A_145 = arith.addf %add3A_100, %dot_general3A_144 : vector<400x128xf32>
    %max3A_146 = arith.maximumf %max3A_124, %add3A_145 : vector<400x128xf32>
    %get3A_147 = arith.constant 0 : index
    %get3A_148 = arith.constant 2 : index
    %get3A_149 = arith.constant 0 : index
    %get3A_150 = arith.constant 0 : index
    %get3A_151 = vector.load %arg3[%get3A_147, %get3A_148, %get3A_149, %get3A_150] : memref<1x20x400x128xf32, #tpu.memory_space<vmem>>, vector<1x1x400x128xf32>
    %get3A_152 = vector.shape_cast %get3A_151 : vector<1x1x400x128xf32> to vector<400x128xf32>
    %slice3A_153 = vector.extract_strided_slice %get3A_152 {offsets = [0, 0], sizes = [400, 64], strides = [1, 1]} : vector<400x128xf32> to vector<400x64xf32>
    %sub3A_154 = arith.subf %get3A_3, %slice3A_153 : vector<400x64xf32>
    %sub3A_155 = vector.broadcast %div3A_69 : vector<1x64xf32> to vector<400x64xf32>
    %sub3A_156 = arith.subf %sub3A_154, %sub3A_155 : vector<400x64xf32>
    %mul3A_157 = vector.broadcast %mul3A_85 : vector<1x64xf32> to vector<400x64xf32>
    %mul3A_158 = arith.mulf %sub3A_156, %mul3A_157 : vector<400x64xf32>
    %max3A_159 = arith.constant 0.000000e+00 : f32
    %max3A_160 = vector.broadcast %max3A_159 : f32 to vector<400x64xf32>
    %max3A_161 = arith.maximumf %mul3A_158, %max3A_160 : vector<400x64xf32>
    %get3A_162 = arith.constant 0 : index
    %get3A_163 = arith.constant 0 : index
    %get3A_164 = vector.load %arg7[%get3A_162, %get3A_163] : memref<64x128xf32, #tpu.memory_space<vmem>>, vector<64x128xf32>
    %dot_general3A_165 = arith.constant dense<0.000000e+00> : vector<400x128xf32>
    %dot_general3A_166 = tpu.matmul %max3A_161, %get3A_164, %dot_general3A_165 {dimension_numbers = #tpu.dot_dimension_numbers<[1], [0], [0], [1], [0, 0, 1, 1], [], []>, transpose_lhs_hint = false} : vector<400x64xf32>, vector<64x128xf32>, vector<400x128xf32> -> vector<400x128xf32>
    %add3A_167 = arith.addf %add3A_100, %dot_general3A_166 : vector<400x128xf32>
    %max3A_168 = arith.maximumf %max3A_146, %add3A_167 : vector<400x128xf32>
    %get3A_169 = arith.constant 0 : index
    %get3A_170 = arith.constant 3 : index
    %get3A_171 = arith.constant 0 : index
    %get3A_172 = arith.constant 0 : index
    %get3A_173 = vector.load %arg3[%get3A_169, %get3A_170, %get3A_171, %get3A_172] : memref<1x20x400x128xf32, #tpu.memory_space<vmem>>, vector<1x1x400x128xf32>
    %get3A_174 = vector.shape_cast %get3A_173 : vector<1x1x400x128xf32> to vector<400x128xf32>
    %slice3A_175 = vector.extract_strided_slice %get3A_174 {offsets = [0, 0], sizes = [400, 64], strides = [1, 1]} : vector<400x128xf32> to vector<400x64xf32>
    %sub3A_176 = arith.subf %get3A_3, %slice3A_175 : vector<400x64xf32>
    %sub3A_177 = vector.broadcast %div3A_69 : vector<1x64xf32> to vector<400x64xf32>
    %sub3A_178 = arith.subf %sub3A_176, %sub3A_177 : vector<400x64xf32>
    %mul3A_179 = vector.broadcast %mul3A_85 : vector<1x64xf32> to vector<400x64xf32>
    %mul3A_180 = arith.mulf %sub3A_178, %mul3A_179 : vector<400x64xf32>
    %max3A_181 = arith.constant 0.000000e+00 : f32
    %max3A_182 = vector.broadcast %max3A_181 : f32 to vector<400x64xf32>
    %max3A_183 = arith.maximumf %mul3A_180, %max3A_182 : vector<400x64xf32>
    %get3A_184 = arith.constant 0 : index
    %get3A_185 = arith.constant 0 : index
    %get3A_186 = vector.load %arg7[%get3A_184, %get3A_185] : memref<64x128xf32, #tpu.memory_space<vmem>>, vector<64x128xf32>
    %dot_general3A_187 = arith.constant dense<0.000000e+00> : vector<400x128xf32>
    %dot_general3A_188 = tpu.matmul %max3A_183, %get3A_186, %dot_general3A_187 {dimension_numbers = #tpu.dot_dimension_numbers<[1], [0], [0], [1], [0, 0, 1, 1], [], []>, transpose_lhs_hint = false} : vector<400x64xf32>, vector<64x128xf32>, vector<400x128xf32> -> vector<400x128xf32>
    %add3A_189 = arith.addf %add3A_100, %dot_general3A_188 : vector<400x128xf32>
    %max3A_190 = arith.maximumf %max3A_168, %add3A_189 : vector<400x128xf32>
    %get3A_191 = arith.constant 0 : index
    %get3A_192 = arith.constant 4 : index
    %get3A_193 = arith.constant 0 : index
    %get3A_194 = arith.constant 0 : index
    %get3A_195 = vector.load %arg3[%get3A_191, %get3A_192, %get3A_193, %get3A_194] : memref<1x20x400x128xf32, #tpu.memory_space<vmem>>, vector<1x1x400x128xf32>
    %get3A_196 = vector.shape_cast %get3A_195 : vector<1x1x400x128xf32> to vector<400x128xf32>
    %slice3A_197 = vector.extract_strided_slice %get3A_196 {offsets = [0, 0], sizes = [400, 64], strides = [1, 1]} : vector<400x128xf32> to vector<400x64xf32>
    %sub3A_198 = arith.subf %get3A_3, %slice3A_197 : vector<400x64xf32>
    %sub3A_199 = vector.broadcast %div3A_69 : vector<1x64xf32> to vector<400x64xf32>
    %sub3A_200 = arith.subf %sub3A_198, %sub3A_199 : vector<400x64xf32>
    %mul3A_201 = vector.broadcast %mul3A_85 : vector<1x64xf32> to vector<400x64xf32>
    %mul3A_202 = arith.mulf %sub3A_200, %mul3A_201 : vector<400x64xf32>
    %max3A_203 = arith.constant 0.000000e+00 : f32
    %max3A_204 = vector.broadcast %max3A_203 : f32 to vector<400x64xf32>
    %max3A_205 = arith.maximumf %mul3A_202, %max3A_204 : vector<400x64xf32>
    %get3A_206 = arith.constant 0 : index
    %get3A_207 = arith.constant 0 : index
    %get3A_208 = vector.load %arg7[%get3A_206, %get3A_207] : memref<64x128xf32, #tpu.memory_space<vmem>>, vector<64x128xf32>
    %dot_general3A_209 = arith.constant dense<0.000000e+00> : vector<400x128xf32>
    %dot_general3A_210 = tpu.matmul %max3A_205, %get3A_208, %dot_general3A_209 {dimension_numbers = #tpu.dot_dimension_numbers<[1], [0], [0], [1], [0, 0, 1, 1], [], []>, transpose_lhs_hint = false} : vector<400x64xf32>, vector<64x128xf32>, vector<400x128xf32> -> vector<400x128xf32>
    %add3A_211 = arith.addf %add3A_100, %dot_general3A_210 : vector<400x128xf32>
    %max3A_212 = arith.maximumf %max3A_190, %add3A_211 : vector<400x128xf32>
    %get3A_213 = arith.constant 0 : index
    %get3A_214 = arith.constant 5 : index
    %get3A_215 = arith.constant 0 : index
    %get3A_216 = arith.constant 0 : index
    %get3A_217 = vector.load %arg3[%get3A_213, %get3A_214, %get3A_215, %get3A_216] : memref<1x20x400x128xf32, #tpu.memory_space<vmem>>, vector<1x1x400x128xf32>
    %get3A_218 = vector.shape_cast %get3A_217 : vector<1x1x400x128xf32> to vector<400x128xf32>
    %slice3A_219 = vector.extract_strided_slice %get3A_218 {offsets = [0, 0], sizes = [400, 64], strides = [1, 1]} : vector<400x128xf32> to vector<400x64xf32>
    %sub3A_220 = arith.subf %get3A_3, %slice3A_219 : vector<400x64xf32>
    %sub3A_221 = vector.broadcast %div3A_69 : vector<1x64xf32> to vector<400x64xf32>
    %sub3A_222 = arith.subf %sub3A_220, %sub3A_221 : vector<400x64xf32>
    %mul3A_223 = vector.broadcast %mul3A_85 : vector<1x64xf32> to vector<400x64xf32>
    %mul3A_224 = arith.mulf %sub3A_222, %mul3A_223 : vector<400x64xf32>
    %max3A_225 = arith.constant 0.000000e+00 : f32
    %max3A_226 = vector.broadcast %max3A_225 : f32 to vector<400x64xf32>
    %max3A_227 = arith.maximumf %mul3A_224, %max3A_226 : vector<400x64xf32>
    %get3A_228 = arith.constant 0 : index
    %get3A_229 = arith.constant 0 : index
    %get3A_230 = vector.load %arg7[%get3A_228, %get3A_229] : memref<64x128xf32, #tpu.memory_space<vmem>>, vector<64x128xf32>
    %dot_general3A_231 = arith.constant dense<0.000000e+00> : vector<400x128xf32>
    %dot_general3A_232 = tpu.matmul %max3A_227, %get3A_230, %dot_general3A_231 {dimension_numbers = #tpu.dot_dimension_numbers<[1], [0], [0], [1], [0, 0, 1, 1], [], []>, transpose_lhs_hint = false} : vector<400x64xf32>, vector<64x128xf32>, vector<400x128xf32> -> vector<400x128xf32>
    %add3A_233 = arith.addf %add3A_100, %dot_general3A_232 : vector<400x128xf32>
    %max3A_234 = arith.maximumf %max3A_212, %add3A_233 : vector<400x128xf32>
    %get3A_235 = arith.constant 0 : index
    %get3A_236 = arith.constant 6 : index
    %get3A_237 = arith.constant 0 : index
    %get3A_238 = arith.constant 0 : index
    %get3A_239 = vector.load %arg3[%get3A_235, %get3A_236, %get3A_237, %get3A_238] : memref<1x20x400x128xf32, #tpu.memory_space<vmem>>, vector<1x1x400x128xf32>
    %get3A_240 = vector.shape_cast %get3A_239 : vector<1x1x400x128xf32> to vector<400x128xf32>
    %slice3A_241 = vector.extract_strided_slice %get3A_240 {offsets = [0, 0], sizes = [400, 64], strides = [1, 1]} : vector<400x128xf32> to vector<400x64xf32>
    %sub3A_242 = arith.subf %get3A_3, %slice3A_241 : vector<400x64xf32>
    %sub3A_243 = vector.broadcast %div3A_69 : vector<1x64xf32> to vector<400x64xf32>
    %sub3A_244 = arith.subf %sub3A_242, %sub3A_243 : vector<400x64xf32>
    %mul3A_245 = vector.broadcast %mul3A_85 : vector<1x64xf32> to vector<400x64xf32>
    %mul3A_246 = arith.mulf %sub3A_244, %mul3A_245 : vector<400x64xf32>
    %max3A_247 = arith.constant 0.000000e+00 : f32
    %max3A_248 = vector.broadcast %max3A_247 : f32 to vector<400x64xf32>
    %max3A_249 = arith.maximumf %mul3A_246, %max3A_248 : vector<400x64xf32>
    %get3A_250 = arith.constant 0 : index
    %get3A_251 = arith.constant 0 : index
    %get3A_252 = vector.load %arg7[%get3A_250, %get3A_251] : memref<64x128xf32, #tpu.memory_space<vmem>>, vector<64x128xf32>
    %dot_general3A_253 = arith.constant dense<0.000000e+00> : vector<400x128xf32>
    %dot_general3A_254 = tpu.matmul %max3A_249, %get3A_252, %dot_general3A_253 {dimension_numbers = #tpu.dot_dimension_numbers<[1], [0], [0], [1], [0, 0, 1, 1], [], []>, transpose_lhs_hint = false} : vector<400x64xf32>, vector<64x128xf32>, vector<400x128xf32> -> vector<400x128xf32>
    %add3A_255 = arith.addf %add3A_100, %dot_general3A_254 : vector<400x128xf32>
    %max3A_256 = arith.maximumf %max3A_234, %add3A_255 : vector<400x128xf32>
    %get3A_257 = arith.constant 0 : index
    %get3A_258 = arith.constant 7 : index
    %get3A_259 = arith.constant 0 : index
    %get3A_260 = arith.constant 0 : index
    %get3A_261 = vector.load %arg3[%get3A_257, %get3A_258, %get3A_259, %get3A_260] : memref<1x20x400x128xf32, #tpu.memory_space<vmem>>, vector<1x1x400x128xf32>
    %get3A_262 = vector.shape_cast %get3A_261 : vector<1x1x400x128xf32> to vector<400x128xf32>
    %slice3A_263 = vector.extract_strided_slice %get3A_262 {offsets = [0, 0], sizes = [400, 64], strides = [1, 1]} : vector<400x128xf32> to vector<400x64xf32>
    %sub3A_264 = arith.subf %get3A_3, %slice3A_263 : vector<400x64xf32>
    %sub3A_265 = vector.broadcast %div3A_69 : vector<1x64xf32> to vector<400x64xf32>
    %sub3A_266 = arith.subf %sub3A_264, %sub3A_265 : vector<400x64xf32>
    %mul3A_267 = vector.broadcast %mul3A_85 : vector<1x64xf32> to vector<400x64xf32>
    %mul3A_268 = arith.mulf %sub3A_266, %mul3A_267 : vector<400x64xf32>
    %max3A_269 = arith.constant 0.000000e+00 : f32
    %max3A_270 = vector.broadcast %max3A_269 : f32 to vector<400x64xf32>
    %max3A_271 = arith.maximumf %mul3A_268, %max3A_270 : vector<400x64xf32>
    %get3A_272 = arith.constant 0 : index
    %get3A_273 = arith.constant 0 : index
    %get3A_274 = vector.load %arg7[%get3A_272, %get3A_273] : memref<64x128xf32, #tpu.memory_space<vmem>>, vector<64x128xf32>
    %dot_general3A_275 = arith.constant dense<0.000000e+00> : vector<400x128xf32>
    %dot_general3A_276 = tpu.matmul %max3A_271, %get3A_274, %dot_general3A_275 {dimension_numbers = #tpu.dot_dimension_numbers<[1], [0], [0], [1], [0, 0, 1, 1], [], []>, transpose_lhs_hint = false} : vector<400x64xf32>, vector<64x128xf32>, vector<400x128xf32> -> vector<400x128xf32>
    %add3A_277 = arith.addf %add3A_100, %dot_general3A_276 : vector<400x128xf32>
    %max3A_278 = arith.maximumf %max3A_256, %add3A_277 : vector<400x128xf32>
    %get3A_279 = arith.constant 0 : index
    %get3A_280 = arith.constant 8 : index
    %get3A_281 = arith.constant 0 : index
    %get3A_282 = arith.constant 0 : index
    %get3A_283 = vector.load %arg3[%get3A_279, %get3A_280, %get3A_281, %get3A_282] : memref<1x20x400x128xf32, #tpu.memory_space<vmem>>, vector<1x1x400x128xf32>
    %get3A_284 = vector.shape_cast %get3A_283 : vector<1x1x400x128xf32> to vector<400x128xf32>
    %slice3A_285 = vector.extract_strided_slice %get3A_284 {offsets = [0, 0], sizes = [400, 64], strides = [1, 1]} : vector<400x128xf32> to vector<400x64xf32>
    %sub3A_286 = arith.subf %get3A_3, %slice3A_285 : vector<400x64xf32>
    %sub3A_287 = vector.broadcast %div3A_69 : vector<1x64xf32> to vector<400x64xf32>
    %sub3A_288 = arith.subf %sub3A_286, %sub3A_287 : vector<400x64xf32>
    %mul3A_289 = vector.broadcast %mul3A_85 : vector<1x64xf32> to vector<400x64xf32>
    %mul3A_290 = arith.mulf %sub3A_288, %mul3A_289 : vector<400x64xf32>
    %max3A_291 = arith.constant 0.000000e+00 : f32
    %max3A_292 = vector.broadcast %max3A_291 : f32 to vector<400x64xf32>
    %max3A_293 = arith.maximumf %mul3A_290, %max3A_292 : vector<400x64xf32>
    %get3A_294 = arith.constant 0 : index
    %get3A_295 = arith.constant 0 : index
    %get3A_296 = vector.load %arg7[%get3A_294, %get3A_295] : memref<64x128xf32, #tpu.memory_space<vmem>>, vector<64x128xf32>
    %dot_general3A_297 = arith.constant dense<0.000000e+00> : vector<400x128xf32>
    %dot_general3A_298 = tpu.matmul %max3A_293, %get3A_296, %dot_general3A_297 {dimension_numbers = #tpu.dot_dimension_numbers<[1], [0], [0], [1], [0, 0, 1, 1], [], []>, transpose_lhs_hint = false} : vector<400x64xf32>, vector<64x128xf32>, vector<400x128xf32> -> vector<400x128xf32>
    %add3A_299 = arith.addf %add3A_100, %dot_general3A_298 : vector<400x128xf32>
    %max3A_300 = arith.maximumf %max3A_278, %add3A_299 : vector<400x128xf32>
    %get3A_301 = arith.constant 0 : index
    %get3A_302 = arith.constant 9 : index
    %get3A_303 = arith.constant 0 : index
    %get3A_304 = arith.constant 0 : index
    %get3A_305 = vector.load %arg3[%get3A_301, %get3A_302, %get3A_303, %get3A_304] : memref<1x20x400x128xf32, #tpu.memory_space<vmem>>, vector<1x1x400x128xf32>
    %get3A_306 = vector.shape_cast %get3A_305 : vector<1x1x400x128xf32> to vector<400x128xf32>
    %slice3A_307 = vector.extract_strided_slice %get3A_306 {offsets = [0, 0], sizes = [400, 64], strides = [1, 1]} : vector<400x128xf32> to vector<400x64xf32>
    %sub3A_308 = arith.subf %get3A_3, %slice3A_307 : vector<400x64xf32>
    %sub3A_309 = vector.broadcast %div3A_69 : vector<1x64xf32> to vector<400x64xf32>
    %sub3A_310 = arith.subf %sub3A_308, %sub3A_309 : vector<400x64xf32>
    %mul3A_311 = vector.broadcast %mul3A_85 : vector<1x64xf32> to vector<400x64xf32>
    %mul3A_312 = arith.mulf %sub3A_310, %mul3A_311 : vector<400x64xf32>
    %max3A_313 = arith.constant 0.000000e+00 : f32
    %max3A_314 = vector.broadcast %max3A_313 : f32 to vector<400x64xf32>
    %max3A_315 = arith.maximumf %mul3A_312, %max3A_314 : vector<400x64xf32>
    %get3A_316 = arith.constant 0 : index
    %get3A_317 = arith.constant 0 : index
    %get3A_318 = vector.load %arg7[%get3A_316, %get3A_317] : memref<64x128xf32, #tpu.memory_space<vmem>>, vector<64x128xf32>
    %dot_general3A_319 = arith.constant dense<0.000000e+00> : vector<400x128xf32>
    %dot_general3A_320 = tpu.matmul %max3A_315, %get3A_318, %dot_general3A_319 {dimension_numbers = #tpu.dot_dimension_numbers<[1], [0], [0], [1], [0, 0, 1, 1], [], []>, transpose_lhs_hint = false} : vector<400x64xf32>, vector<64x128xf32>, vector<400x128xf32> -> vector<400x128xf32>
    %add3A_321 = arith.addf %add3A_100, %dot_general3A_320 : vector<400x128xf32>
    %max3A_322 = arith.maximumf %max3A_300, %add3A_321 : vector<400x128xf32>
    %get3A_323 = arith.constant 0 : index
    %get3A_324 = arith.constant 10 : index
    %get3A_325 = arith.constant 0 : index
    %get3A_326 = arith.constant 0 : index
    %get3A_327 = vector.load %arg3[%get3A_323, %get3A_324, %get3A_325, %get3A_326] : memref<1x20x400x128xf32, #tpu.memory_space<vmem>>, vector<1x1x400x128xf32>
    %get3A_328 = vector.shape_cast %get3A_327 : vector<1x1x400x128xf32> to vector<400x128xf32>
    %slice3A_329 = vector.extract_strided_slice %get3A_328 {offsets = [0, 0], sizes = [400, 64], strides = [1, 1]} : vector<400x128xf32> to vector<400x64xf32>
    %sub3A_330 = arith.subf %get3A_3, %slice3A_329 : vector<400x64xf32>
    %sub3A_331 = vector.broadcast %div3A_69 : vector<1x64xf32> to vector<400x64xf32>
    %sub3A_332 = arith.subf %sub3A_330, %sub3A_331 : vector<400x64xf32>
    %mul3A_333 = vector.broadcast %mul3A_85 : vector<1x64xf32> to vector<400x64xf32>
    %mul3A_334 = arith.mulf %sub3A_332, %mul3A_333 : vector<400x64xf32>
    %max3A_335 = arith.constant 0.000000e+00 : f32
    %max3A_336 = vector.broadcast %max3A_335 : f32 to vector<400x64xf32>
    %max3A_337 = arith.maximumf %mul3A_334, %max3A_336 : vector<400x64xf32>
    %get3A_338 = arith.constant 0 : index
    %get3A_339 = arith.constant 0 : index
    %get3A_340 = vector.load %arg7[%get3A_338, %get3A_339] : memref<64x128xf32, #tpu.memory_space<vmem>>, vector<64x128xf32>
    %dot_general3A_341 = arith.constant dense<0.000000e+00> : vector<400x128xf32>
    %dot_general3A_342 = tpu.matmul %max3A_337, %get3A_340, %dot_general3A_341 {dimension_numbers = #tpu.dot_dimension_numbers<[1], [0], [0], [1], [0, 0, 1, 1], [], []>, transpose_lhs_hint = false} : vector<400x64xf32>, vector<64x128xf32>, vector<400x128xf32> -> vector<400x128xf32>
    %add3A_343 = arith.addf %add3A_100, %dot_general3A_342 : vector<400x128xf32>
    %max3A_344 = arith.maximumf %max3A_322, %add3A_343 : vector<400x128xf32>
    %get3A_345 = arith.constant 0 : index
    %get3A_346 = arith.constant 11 : index
    %get3A_347 = arith.constant 0 : index
    %get3A_348 = arith.constant 0 : index
    %get3A_349 = vector.load %arg3[%get3A_345, %get3A_346, %get3A_347, %get3A_348] : memref<1x20x400x128xf32, #tpu.memory_space<vmem>>, vector<1x1x400x128xf32>
    %get3A_350 = vector.shape_cast %get3A_349 : vector<1x1x400x128xf32> to vector<400x128xf32>
    %slice3A_351 = vector.extract_strided_slice %get3A_350 {offsets = [0, 0], sizes = [400, 64], strides = [1, 1]} : vector<400x128xf32> to vector<400x64xf32>
    %sub3A_352 = arith.subf %get3A_3, %slice3A_351 : vector<400x64xf32>
    %sub3A_353 = vector.broadcast %div3A_69 : vector<1x64xf32> to vector<400x64xf32>
    %sub3A_354 = arith.subf %sub3A_352, %sub3A_353 : vector<400x64xf32>
    %mul3A_355 = vector.broadcast %mul3A_85 : vector<1x64xf32> to vector<400x64xf32>
    %mul3A_356 = arith.mulf %sub3A_354, %mul3A_355 : vector<400x64xf32>
    %max3A_357 = arith.constant 0.000000e+00 : f32
    %max3A_358 = vector.broadcast %max3A_357 : f32 to vector<400x64xf32>
    %max3A_359 = arith.maximumf %mul3A_356, %max3A_358 : vector<400x64xf32>
    %get3A_360 = arith.constant 0 : index
    %get3A_361 = arith.constant 0 : index
    %get3A_362 = vector.load %arg7[%get3A_360, %get3A_361] : memref<64x128xf32, #tpu.memory_space<vmem>>, vector<64x128xf32>
    %dot_general3A_363 = arith.constant dense<0.000000e+00> : vector<400x128xf32>
    %dot_general3A_364 = tpu.matmul %max3A_359, %get3A_362, %dot_general3A_363 {dimension_numbers = #tpu.dot_dimension_numbers<[1], [0], [0], [1], [0, 0, 1, 1], [], []>, transpose_lhs_hint = false} : vector<400x64xf32>, vector<64x128xf32>, vector<400x128xf32> -> vector<400x128xf32>
    %add3A_365 = arith.addf %add3A_100, %dot_general3A_364 : vector<400x128xf32>
    %max3A_366 = arith.maximumf %max3A_344, %add3A_365 : vector<400x128xf32>
    %get3A_367 = arith.constant 0 : index
    %get3A_368 = arith.constant 12 : index
    %get3A_369 = arith.constant 0 : index
    %get3A_370 = arith.constant 0 : index
    %get3A_371 = vector.load %arg3[%get3A_367, %get3A_368, %get3A_369, %get3A_370] : memref<1x20x400x128xf32, #tpu.memory_space<vmem>>, vector<1x1x400x128xf32>
    %get3A_372 = vector.shape_cast %get3A_371 : vector<1x1x400x128xf32> to vector<400x128xf32>
    %slice3A_373 = vector.extract_strided_slice %get3A_372 {offsets = [0, 0], sizes = [400, 64], strides = [1, 1]} : vector<400x128xf32> to vector<400x64xf32>
    %sub3A_374 = arith.subf %get3A_3, %slice3A_373 : vector<400x64xf32>
    %sub3A_375 = vector.broadcast %div3A_69 : vector<1x64xf32> to vector<400x64xf32>
    %sub3A_376 = arith.subf %sub3A_374, %sub3A_375 : vector<400x64xf32>
    %mul3A_377 = vector.broadcast %mul3A_85 : vector<1x64xf32> to vector<400x64xf32>
    %mul3A_378 = arith.mulf %sub3A_376, %mul3A_377 : vector<400x64xf32>
    %max3A_379 = arith.constant 0.000000e+00 : f32
    %max3A_380 = vector.broadcast %max3A_379 : f32 to vector<400x64xf32>
    %max3A_381 = arith.maximumf %mul3A_378, %max3A_380 : vector<400x64xf32>
    %get3A_382 = arith.constant 0 : index
    %get3A_383 = arith.constant 0 : index
    %get3A_384 = vector.load %arg7[%get3A_382, %get3A_383] : memref<64x128xf32, #tpu.memory_space<vmem>>, vector<64x128xf32>
    %dot_general3A_385 = arith.constant dense<0.000000e+00> : vector<400x128xf32>
    %dot_general3A_386 = tpu.matmul %max3A_381, %get3A_384, %dot_general3A_385 {dimension_numbers = #tpu.dot_dimension_numbers<[1], [0], [0], [1], [0, 0, 1, 1], [], []>, transpose_lhs_hint = false} : vector<400x64xf32>, vector<64x128xf32>, vector<400x128xf32> -> vector<400x128xf32>
    %add3A_387 = arith.addf %add3A_100, %dot_general3A_386 : vector<400x128xf32>
    %max3A_388 = arith.maximumf %max3A_366, %add3A_387 : vector<400x128xf32>
    %get3A_389 = arith.constant 0 : index
    %get3A_390 = arith.constant 13 : index
    %get3A_391 = arith.constant 0 : index
    %get3A_392 = arith.constant 0 : index
    %get3A_393 = vector.load %arg3[%get3A_389, %get3A_390, %get3A_391, %get3A_392] : memref<1x20x400x128xf32, #tpu.memory_space<vmem>>, vector<1x1x400x128xf32>
    %get3A_394 = vector.shape_cast %get3A_393 : vector<1x1x400x128xf32> to vector<400x128xf32>
    %slice3A_395 = vector.extract_strided_slice %get3A_394 {offsets = [0, 0], sizes = [400, 64], strides = [1, 1]} : vector<400x128xf32> to vector<400x64xf32>
    %sub3A_396 = arith.subf %get3A_3, %slice3A_395 : vector<400x64xf32>
    %sub3A_397 = vector.broadcast %div3A_69 : vector<1x64xf32> to vector<400x64xf32>
    %sub3A_398 = arith.subf %sub3A_396, %sub3A_397 : vector<400x64xf32>
    %mul3A_399 = vector.broadcast %mul3A_85 : vector<1x64xf32> to vector<400x64xf32>
    %mul3A_400 = arith.mulf %sub3A_398, %mul3A_399 : vector<400x64xf32>
    %max3A_401 = arith.constant 0.000000e+00 : f32
    %max3A_402 = vector.broadcast %max3A_401 : f32 to vector<400x64xf32>
    %max3A_403 = arith.maximumf %mul3A_400, %max3A_402 : vector<400x64xf32>
    %get3A_404 = arith.constant 0 : index
    %get3A_405 = arith.constant 0 : index
    %get3A_406 = vector.load %arg7[%get3A_404, %get3A_405] : memref<64x128xf32, #tpu.memory_space<vmem>>, vector<64x128xf32>
    %dot_general3A_407 = arith.constant dense<0.000000e+00> : vector<400x128xf32>
    %dot_general3A_408 = tpu.matmul %max3A_403, %get3A_406, %dot_general3A_407 {dimension_numbers = #tpu.dot_dimension_numbers<[1], [0], [0], [1], [0, 0, 1, 1], [], []>, transpose_lhs_hint = false} : vector<400x64xf32>, vector<64x128xf32>, vector<400x128xf32> -> vector<400x128xf32>
    %add3A_409 = arith.addf %add3A_100, %dot_general3A_408 : vector<400x128xf32>
    %max3A_410 = arith.maximumf %max3A_388, %add3A_409 : vector<400x128xf32>
    %get3A_411 = arith.constant 0 : index
    %get3A_412 = arith.constant 14 : index
    %get3A_413 = arith.constant 0 : index
    %get3A_414 = arith.constant 0 : index
    %get3A_415 = vector.load %arg3[%get3A_411, %get3A_412, %get3A_413, %get3A_414] : memref<1x20x400x128xf32, #tpu.memory_space<vmem>>, vector<1x1x400x128xf32>
    %get3A_416 = vector.shape_cast %get3A_415 : vector<1x1x400x128xf32> to vector<400x128xf32>
    %slice3A_417 = vector.extract_strided_slice %get3A_416 {offsets = [0, 0], sizes = [400, 64], strides = [1, 1]} : vector<400x128xf32> to vector<400x64xf32>
    %sub3A_418 = arith.subf %get3A_3, %slice3A_417 : vector<400x64xf32>
    %sub3A_419 = vector.broadcast %div3A_69 : vector<1x64xf32> to vector<400x64xf32>
    %sub3A_420 = arith.subf %sub3A_418, %sub3A_419 : vector<400x64xf32>
    %mul3A_421 = vector.broadcast %mul3A_85 : vector<1x64xf32> to vector<400x64xf32>
    %mul3A_422 = arith.mulf %sub3A_420, %mul3A_421 : vector<400x64xf32>
    %max3A_423 = arith.constant 0.000000e+00 : f32
    %max3A_424 = vector.broadcast %max3A_423 : f32 to vector<400x64xf32>
    %max3A_425 = arith.maximumf %mul3A_422, %max3A_424 : vector<400x64xf32>
    %get3A_426 = arith.constant 0 : index
    %get3A_427 = arith.constant 0 : index
    %get3A_428 = vector.load %arg7[%get3A_426, %get3A_427] : memref<64x128xf32, #tpu.memory_space<vmem>>, vector<64x128xf32>
    %dot_general3A_429 = arith.constant dense<0.000000e+00> : vector<400x128xf32>
    %dot_general3A_430 = tpu.matmul %max3A_425, %get3A_428, %dot_general3A_429 {dimension_numbers = #tpu.dot_dimension_numbers<[1], [0], [0], [1], [0, 0, 1, 1], [], []>, transpose_lhs_hint = false} : vector<400x64xf32>, vector<64x128xf32>, vector<400x128xf32> -> vector<400x128xf32>
    %add3A_431 = arith.addf %add3A_100, %dot_general3A_430 : vector<400x128xf32>
    %max3A_432 = arith.maximumf %max3A_410, %add3A_431 : vector<400x128xf32>
    %get3A_433 = arith.constant 0 : index
    %get3A_434 = arith.constant 15 : index
    %get3A_435 = arith.constant 0 : index
    %get3A_436 = arith.constant 0 : index
    %get3A_437 = vector.load %arg3[%get3A_433, %get3A_434, %get3A_435, %get3A_436] : memref<1x20x400x128xf32, #tpu.memory_space<vmem>>, vector<1x1x400x128xf32>
    %get3A_438 = vector.shape_cast %get3A_437 : vector<1x1x400x128xf32> to vector<400x128xf32>
    %slice3A_439 = vector.extract_strided_slice %get3A_438 {offsets = [0, 0], sizes = [400, 64], strides = [1, 1]} : vector<400x128xf32> to vector<400x64xf32>
    %sub3A_440 = arith.subf %get3A_3, %slice3A_439 : vector<400x64xf32>
    %sub3A_441 = vector.broadcast %div3A_69 : vector<1x64xf32> to vector<400x64xf32>
    %sub3A_442 = arith.subf %sub3A_440, %sub3A_441 : vector<400x64xf32>
    %mul3A_443 = vector.broadcast %mul3A_85 : vector<1x64xf32> to vector<400x64xf32>
    %mul3A_444 = arith.mulf %sub3A_442, %mul3A_443 : vector<400x64xf32>
    %max3A_445 = arith.constant 0.000000e+00 : f32
    %max3A_446 = vector.broadcast %max3A_445 : f32 to vector<400x64xf32>
    %max3A_447 = arith.maximumf %mul3A_444, %max3A_446 : vector<400x64xf32>
    %get3A_448 = arith.constant 0 : index
    %get3A_449 = arith.constant 0 : index
    %get3A_450 = vector.load %arg7[%get3A_448, %get3A_449] : memref<64x128xf32, #tpu.memory_space<vmem>>, vector<64x128xf32>
    %dot_general3A_451 = arith.constant dense<0.000000e+00> : vector<400x128xf32>
    %dot_general3A_452 = tpu.matmul %max3A_447, %get3A_450, %dot_general3A_451 {dimension_numbers = #tpu.dot_dimension_numbers<[1], [0], [0], [1], [0, 0, 1, 1], [], []>, transpose_lhs_hint = false} : vector<400x64xf32>, vector<64x128xf32>, vector<400x128xf32> -> vector<400x128xf32>
    %add3A_453 = arith.addf %add3A_100, %dot_general3A_452 : vector<400x128xf32>
    %max3A_454 = arith.maximumf %max3A_432, %add3A_453 : vector<400x128xf32>
    %get3A_455 = arith.constant 0 : index
    %get3A_456 = arith.constant 16 : index
    %get3A_457 = arith.constant 0 : index
    %get3A_458 = arith.constant 0 : index
    %get3A_459 = vector.load %arg3[%get3A_455, %get3A_456, %get3A_457, %get3A_458] : memref<1x20x400x128xf32, #tpu.memory_space<vmem>>, vector<1x1x400x128xf32>
    %get3A_460 = vector.shape_cast %get3A_459 : vector<1x1x400x128xf32> to vector<400x128xf32>
    %slice3A_461 = vector.extract_strided_slice %get3A_460 {offsets = [0, 0], sizes = [400, 64], strides = [1, 1]} : vector<400x128xf32> to vector<400x64xf32>
    %sub3A_462 = arith.subf %get3A_3, %slice3A_461 : vector<400x64xf32>
    %sub3A_463 = vector.broadcast %div3A_69 : vector<1x64xf32> to vector<400x64xf32>
    %sub3A_464 = arith.subf %sub3A_462, %sub3A_463 : vector<400x64xf32>
    %mul3A_465 = vector.broadcast %mul3A_85 : vector<1x64xf32> to vector<400x64xf32>
    %mul3A_466 = arith.mulf %sub3A_464, %mul3A_465 : vector<400x64xf32>
    %max3A_467 = arith.constant 0.000000e+00 : f32
    %max3A_468 = vector.broadcast %max3A_467 : f32 to vector<400x64xf32>
    %max3A_469 = arith.maximumf %mul3A_466, %max3A_468 : vector<400x64xf32>
    %get3A_470 = arith.constant 0 : index
    %get3A_471 = arith.constant 0 : index
    %get3A_472 = vector.load %arg7[%get3A_470, %get3A_471] : memref<64x128xf32, #tpu.memory_space<vmem>>, vector<64x128xf32>
    %dot_general3A_473 = arith.constant dense<0.000000e+00> : vector<400x128xf32>
    %dot_general3A_474 = tpu.matmul %max3A_469, %get3A_472, %dot_general3A_473 {dimension_numbers = #tpu.dot_dimension_numbers<[1], [0], [0], [1], [0, 0, 1, 1], [], []>, transpose_lhs_hint = false} : vector<400x64xf32>, vector<64x128xf32>, vector<400x128xf32> -> vector<400x128xf32>
    %add3A_475 = arith.addf %add3A_100, %dot_general3A_474 : vector<400x128xf32>
    %max3A_476 = arith.maximumf %max3A_454, %add3A_475 : vector<400x128xf32>
    %get3A_477 = arith.constant 0 : index
    %get3A_478 = arith.constant 17 : index
    %get3A_479 = arith.constant 0 : index
    %get3A_480 = arith.constant 0 : index
    %get3A_481 = vector.load %arg3[%get3A_477, %get3A_478, %get3A_479, %get3A_480] : memref<1x20x400x128xf32, #tpu.memory_space<vmem>>, vector<1x1x400x128xf32>
    %get3A_482 = vector.shape_cast %get3A_481 : vector<1x1x400x128xf32> to vector<400x128xf32>
    %slice3A_483 = vector.extract_strided_slice %get3A_482 {offsets = [0, 0], sizes = [400, 64], strides = [1, 1]} : vector<400x128xf32> to vector<400x64xf32>
    %sub3A_484 = arith.subf %get3A_3, %slice3A_483 : vector<400x64xf32>
    %sub3A_485 = vector.broadcast %div3A_69 : vector<1x64xf32> to vector<400x64xf32>
    %sub3A_486 = arith.subf %sub3A_484, %sub3A_485 : vector<400x64xf32>
    %mul3A_487 = vector.broadcast %mul3A_85 : vector<1x64xf32> to vector<400x64xf32>
    %mul3A_488 = arith.mulf %sub3A_486, %mul3A_487 : vector<400x64xf32>
    %max3A_489 = arith.constant 0.000000e+00 : f32
    %max3A_490 = vector.broadcast %max3A_489 : f32 to vector<400x64xf32>
    %max3A_491 = arith.maximumf %mul3A_488, %max3A_490 : vector<400x64xf32>
    %get3A_492 = arith.constant 0 : index
    %get3A_493 = arith.constant 0 : index
    %get3A_494 = vector.load %arg7[%get3A_492, %get3A_493] : memref<64x128xf32, #tpu.memory_space<vmem>>, vector<64x128xf32>
    %dot_general3A_495 = arith.constant dense<0.000000e+00> : vector<400x128xf32>
    %dot_general3A_496 = tpu.matmul %max3A_491, %get3A_494, %dot_general3A_495 {dimension_numbers = #tpu.dot_dimension_numbers<[1], [0], [0], [1], [0, 0, 1, 1], [], []>, transpose_lhs_hint = false} : vector<400x64xf32>, vector<64x128xf32>, vector<400x128xf32> -> vector<400x128xf32>
    %add3A_497 = arith.addf %add3A_100, %dot_general3A_496 : vector<400x128xf32>
    %max3A_498 = arith.maximumf %max3A_476, %add3A_497 : vector<400x128xf32>
    %get3A_499 = arith.constant 0 : index
    %get3A_500 = arith.constant 18 : index
    %get3A_501 = arith.constant 0 : index
    %get3A_502 = arith.constant 0 : index
    %get3A_503 = vector.load %arg3[%get3A_499, %get3A_500, %get3A_501, %get3A_502] : memref<1x20x400x128xf32, #tpu.memory_space<vmem>>, vector<1x1x400x128xf32>
    %get3A_504 = vector.shape_cast %get3A_503 : vector<1x1x400x128xf32> to vector<400x128xf32>
    %slice3A_505 = vector.extract_strided_slice %get3A_504 {offsets = [0, 0], sizes = [400, 64], strides = [1, 1]} : vector<400x128xf32> to vector<400x64xf32>
    %sub3A_506 = arith.subf %get3A_3, %slice3A_505 : vector<400x64xf32>
    %sub3A_507 = vector.broadcast %div3A_69 : vector<1x64xf32> to vector<400x64xf32>
    %sub3A_508 = arith.subf %sub3A_506, %sub3A_507 : vector<400x64xf32>
    %mul3A_509 = vector.broadcast %mul3A_85 : vector<1x64xf32> to vector<400x64xf32>
    %mul3A_510 = arith.mulf %sub3A_508, %mul3A_509 : vector<400x64xf32>
    %max3A_511 = arith.constant 0.000000e+00 : f32
    %max3A_512 = vector.broadcast %max3A_511 : f32 to vector<400x64xf32>
    %max3A_513 = arith.maximumf %mul3A_510, %max3A_512 : vector<400x64xf32>
    %get3A_514 = arith.constant 0 : index
    %get3A_515 = arith.constant 0 : index
    %get3A_516 = vector.load %arg7[%get3A_514, %get3A_515] : memref<64x128xf32, #tpu.memory_space<vmem>>, vector<64x128xf32>
    %dot_general3A_517 = arith.constant dense<0.000000e+00> : vector<400x128xf32>
    %dot_general3A_518 = tpu.matmul %max3A_513, %get3A_516, %dot_general3A_517 {dimension_numbers = #tpu.dot_dimension_numbers<[1], [0], [0], [1], [0, 0, 1, 1], [], []>, transpose_lhs_hint = false} : vector<400x64xf32>, vector<64x128xf32>, vector<400x128xf32> -> vector<400x128xf32>
    %add3A_519 = arith.addf %add3A_100, %dot_general3A_518 : vector<400x128xf32>
    %max3A_520 = arith.maximumf %max3A_498, %add3A_519 : vector<400x128xf32>
    %get3A_521 = arith.constant 0 : index
    %get3A_522 = arith.constant 19 : index
    %get3A_523 = arith.constant 0 : index
    %get3A_524 = arith.constant 0 : index
    %get3A_525 = vector.load %arg3[%get3A_521, %get3A_522, %get3A_523, %get3A_524] : memref<1x20x400x128xf32, #tpu.memory_space<vmem>>, vector<1x1x400x128xf32>
    %get3A_526 = vector.shape_cast %get3A_525 : vector<1x1x400x128xf32> to vector<400x128xf32>
    %slice3A_527 = vector.extract_strided_slice %get3A_526 {offsets = [0, 0], sizes = [400, 64], strides = [1, 1]} : vector<400x128xf32> to vector<400x64xf32>
    %sub3A_528 = arith.subf %get3A_3, %slice3A_527 : vector<400x64xf32>
    %sub3A_529 = vector.broadcast %div3A_69 : vector<1x64xf32> to vector<400x64xf32>
    %sub3A_530 = arith.subf %sub3A_528, %sub3A_529 : vector<400x64xf32>
    %mul3A_531 = vector.broadcast %mul3A_85 : vector<1x64xf32> to vector<400x64xf32>
    %mul3A_532 = arith.mulf %sub3A_530, %mul3A_531 : vector<400x64xf32>
    %max3A_533 = arith.constant 0.000000e+00 : f32
    %max3A_534 = vector.broadcast %max3A_533 : f32 to vector<400x64xf32>
    %max3A_535 = arith.maximumf %mul3A_532, %max3A_534 : vector<400x64xf32>
    %get3A_536 = arith.constant 0 : index
    %get3A_537 = arith.constant 0 : index
    %get3A_538 = vector.load %arg7[%get3A_536, %get3A_537] : memref<64x128xf32, #tpu.memory_space<vmem>>, vector<64x128xf32>
    %dot_general3A_539 = arith.constant dense<0.000000e+00> : vector<400x128xf32>
    %dot_general3A_540 = tpu.matmul %max3A_535, %get3A_538, %dot_general3A_539 {dimension_numbers = #tpu.dot_dimension_numbers<[1], [0], [0], [1], [0, 0, 1, 1], [], []>, transpose_lhs_hint = false} : vector<400x64xf32>, vector<64x128xf32>, vector<400x128xf32> -> vector<400x128xf32>
    %add3A_541 = arith.addf %add3A_100, %dot_general3A_540 : vector<400x128xf32>
    %max3A_542 = arith.maximumf %max3A_520, %add3A_541 : vector<400x128xf32>
    %swap3A = arith.constant 0 : index
    %swap3A_543 = arith.constant 0 : index
    %swap3A_544 = arith.constant 0 : index
    %swap3A_545 = vector.load %arg9[%swap3A, %swap3A_543, %swap3A_544] : memref<1x400x128xf32, #tpu.memory_space<vmem>>, vector<1x400x128xf32>
    %swap3A_546 = vector.shape_cast %swap3A_545 : vector<1x400x128xf32> to vector<400x128xf32>
    %swap3A_547 = vector.shape_cast %max3A_542 : vector<400x128xf32> to vector<1x400x128xf32>
    tpu.vector_store %arg9[%swap3A, %swap3A_543, %swap3A_544], %swap3A_547 {strides = array<i32>} : memref<1x400x128xf32, #tpu.memory_space<vmem>>, vector<1x400x128xf32>,
    return
  }
  func.func @transform_0(%arg0: i32, %arg1: i32) -> (i32, i32, i32) {
    %c0_i32 = arith.constant 0 : i32
    %c0_i32_0 = arith.constant 0 : i32
    return %arg0, %arg1, %c0_i32 : i32, i32, i32
  }
  func.func @transform_1(%arg0: i32, %arg1: i32) -> (i32, i32, i32, i32) {
    %c0_i32 = arith.constant 0 : i32
    %c0_i32_0 = arith.constant 0 : i32
    %c0_i32_1 = arith.constant 0 : i32
    return %arg0, %c0_i32, %arg1, %c0_i32_0 : i32, i32, i32, i32
  }
  func.func @transform_2(%arg0: i32, %arg1: i32) -> (i32, i32, i32) {
    %c0_i32 = arith.constant 0 : i32
    %c0_i32_0 = arith.constant 0 : i32
    %c0_i32_1 = arith.constant 0 : i32
    %c0_i32_2 = arith.constant 0 : i32
    return %c0_i32, %c0_i32_0, %c0_i32_1 : i32, i32, i32
  }
  func.func @transform_3(%arg0: i32, %arg1: i32) -> (i32, i32, i32) {
    %c0_i32 = arith.constant 0 : i32
    %c0_i32_0 = arith.constant 0 : i32
    %c0_i32_1 = arith.constant 0 : i32
    return %arg0, %c0_i32, %c0_i32_0 : i32, i32, i32
  }
  func.func @transform_4(%arg0: i32, %arg1: i32) -> (i32, i32) {
    %c0_i32 = arith.constant 0 : i32
    %c0_i32_0 = arith.constant 0 : i32
    %c0_i32_1 = arith.constant 0 : i32
    return %c0_i32, %c0_i32_0 : i32, i32
  }
  func.func @transform_5(%arg0: i32, %arg1: i32) -> (i32, i32) {
    %c0_i32 = arith.constant 0 : i32
    %c0_i32_0 = arith.constant 0 : i32
    %c0_i32_1 = arith.constant 0 : i32
    return %c0_i32, %c0_i32_0 : i32, i32
  }
  func.func @transform_6(%arg0: i32, %arg1: i32) -> (i32, i32) {
    %c0_i32 = arith.constant 0 : i32
    %c0_i32_0 = arith.constant 0 : i32
    %c0_i32_1 = arith.constant 0 : i32
    return %c0_i32, %c0_i32_0 : i32, i32
  }
  func.func @transform_7(%arg0: i32, %arg1: i32) -> (i32, i32, i32) {
    %c0_i32 = arith.constant 0 : i32
    %c0_i32_0 = arith.constant 0 : i32
    return %arg0, %arg1, %c0_i32 : i32, i32, i32
  }
}

</mosaic_0001>

<sc_bundles>
// kernel: kernel.11.cloned.1.call-start
scs
__scs_entry_jumppad:
0x0: {  	(pc) =	sbr.rel $0x88, $3  }
0x1: {  	(tag) =	ssettag $0x0;
	lr =	simm.s32 $0x1  }
0x2: {  	[smem:$0x3F93] =	sst lr;
	_ =	strace $0xD0000000  }
0x3: {  	_ = 	snop  }
0x4: {  	_ = 	snop  }
0x5: {  	_ = 	snop  }
0x6: {  	_ = 	snop  }
0x7: {  	_ = 	snop  }
__scs_overlays_trampoline_lowered:
0x8: {  	[smem:$0x3FA2] =	sst s0  }
0x9: {  	[smem:$0x3FA3] =	sst s1  }
0xa: {  	[smem:$0x3FA4] =	sst s2  }
0xb: {  	[smem:$0x3FA5] =	sst s3  }
0xc: {  	[smem:$0x3FA6] =	sst s4  }
0xd: {  	[smem:$0x3FA7] =	sst s5  }
0xe: {  	[smem:$0x3FA8] =	sst s6  }
0xf: {  	[smem:$0x3FA9] =	sst s7  }
0x10: {  	[smem:$0x3FAA] =	sst s8  }
0x11: {  	[smem:$0x3FAB] =	sst s9;
	s0 =	simm.s32 @!p0 $0x0  }
0x12: {  	s1 =	sld [smem:$0x3F91];
	s0 =	simm.s32 @p0 $0x1  }
0x13: {  	[smem:$0x3FAC] =	sst s0;
	s0 =	simm.s32 @!p1 $0x0  }
0x14: {  	s2 =	sld [smem:$0x3F90];
	s0 =	simm.s32 @p1 $0x1  }
0x15: {  	[smem:$0x3FAD] =	sst s0;
	s0 =	simm.s32 @!p2 $0x0  }
0x16: {  	s3 =	sld [smem:$0x3FDB];
	s0 =	simm.s32 @p2 $0x1  }
0x17: {  	s4 =	simm.s32 $0x1BF5;
	[smem:$0x3FAF] =	sst s0  }
0x18: {  	s0 =	sld [smem:$0x3F92];
	_ =	swait.ge [sflag:s4], $0x0  }
0x19: {  	s7 =	sld [smem:$0x3F93]  }
0x1a: {  	s8 =	sadd.s32 $0xFFFFE003, lr  }
0x1b: {  	s9 =	sadd.s32 $0xFFFFFEF7, lr;
	s5 =	simm.s32 $0xFFFFFFFF;
	p2 =	slt.u32 s8, $0xFFFFF086  }
0x1c: {  	p1 =	slt.u32 s9, $0xF7A;
	s5 =	simm.s32 @!p2 $0x0  }
0x1d: {  	s5 =	simm.s32 @p1 $0x1;
	p0 =	seq.s32 s7, s2  }
0x1e: {  	s7 =	smul.u32 @!p0 $0xF7A, s2;
	p2 =	seq.s32 @!p0 s5, $0x0  }
0x1f: {  	s9 =	smul.u32 $0xF7A, s1;
	s8 =	simm.s32 @!p0 $0x1BF5;
	p2 =	por !p2, p0  }
0x20: {  	[sflag:s8] =	ssyncset.s32 @!p0 $0xFFFFF086;
	s6 =	sadd.s32 @!p0 s3, s7;
	s7 =	simm.s32 @!p0 $0x108  }
0x21: {  	s3 =	sadd.s32 s3, s9;
	s6 =	sadd.s32 @!p0 $0x88, s6;
	s7 =	simm.s32 @p2 $0x1082  }
0x22: {  	[simem:s7], [sflag:s8] =	dma.local @!p0 [hbm:s6], $0xF7A  }
0x23: {  	s9 =	sor.u32 $0xD0000000, s2;
	s6 =	simm.s32 $0x108;
	_ =	swait.ge @!p0 [sflag:s8], $0x0  }
0x24: {  	s3 =	sadd.s32 $0x88, s3;
	s6 =	simm.s32 @!p1 $0x1082;
	[sflag:s4] =	ssyncset.s32 $0xFFFFF086  }
0x25: {  	[simem:s6], [sflag:s4] =	dma.local [hbm:s3], $0xF7A  }
0x26: {  	[smem:$0x3F93] =	sst s1;
	(tag) =	ssettag s2;
	_ =	strace s9  }
0x27: {  	s1 =	sld [smem:$0x3FA3]  }
0x28: {  	s2 =	sld [smem:$0x3FA4]  }
0x29: {  	s4 =	sld [smem:$0x3FA6]  }
0x2a: {  	p0 =	seq.s32 s5, $0x0;
	s5 =	sld [smem:$0x3FA7]  }
0x2b: {  	s6 =	sld [smem:$0x3FA8]  }
0x2c: {  	s7 =	sld [smem:$0x3FA9]  }
0x2d: {  	s3 =	simm.s32 $0x108;
	s8 =	sld [smem:$0x3FAA]  }
0x2e: {  	s3 =	simm.s32 @!p0 $0x1082;
	s9 =	sld [smem:$0x3FAB]  }
0x2f: {  	lr =	sadd.s32 s0, s3;
	s0 =	sld [smem:$0x3FA2]  }
0x30: {  	s3 =	sld [smem:$0x3FA5]  }
0x31: {  	[smem:$0x3FAE] =	sst s10  }
0x32: {  	s10 =	sld [smem:$0x3FAC];
	_ =	sdelay $0x3  }
0x33: {  	p0 =	seq.s32 s10, $0x1;
	s10 =	sld [smem:$0x3FAE];
	_ =	sdelay $0x3  }
0x34: {  	[smem:$0x3FAE] =	sst s10  }
0x35: {  	s10 =	sld [smem:$0x3FAD];
	_ =	sdelay $0x3  }
0x36: {  	p1 =	seq.s32 s10, $0x1;
	s10 =	sld [smem:$0x3FAE];
	_ =	sdelay $0x3  }
0x37: {  	[smem:$0x3FAE] =	sst s10  }
0x38: {  	s10 =	sld [smem:$0x3FAF]  }
0x39: {  	_ = 	snop;
	(pc) =	sbr.ind lr, $3  }
0x3a: {  	_ = 	snop  }
0x3b: {  	_ = 	snop  }
0x3c: {  	p2 =	seq.s32 s10, $0x1;
	s10 =	sld [smem:$0x3FAE]  }
0x3d: {  	_ =	shalt  }
0x3e: {  	_ =	shalt  }
0x3f: {  	_ =	shalt  }
0x40: {  	_ =	shalt  }
0x41: {  	_ =	shalt  }
0x42: {  	_ =	shalt  }
0x43: {  	_ =	shalt  }
0x44: {  	_ =	shalt  }
0x45: {  	_ =	shalt  }
0x46: {  	_ =	shalt  }
0x47: {  	_ =	shalt  }
0x48: {  	_ =	shalt  }
0x49: {  	_ =	shalt  }
0x4a: {  	_ =	shalt  }
0x4b: {  	_ =	shalt  }
0x4c: {  	_ =	shalt  }
0x4d: {  	_ =	shalt  }
0x4e: {  	_ =	shalt  }
0x4f: {  	_ =	shalt  }
0x50: {  	_ =	shalt  }
0x51: {  	_ =	shalt  }
0x52: {  	_ =	shalt  }
0x53: {  	_ =	shalt  }
0x54: {  	_ =	shalt  }
0x55: {  	_ =	shalt  }
0x56: {  	_ =	shalt  }
0x57: {  	_ =	shalt  }
0x58: {  	_ =	shalt  }
0x59: {  	_ =	shalt  }
0x5a: {  	_ =	shalt  }
0x5b: {  	_ =	shalt  }
0x5c: {  	_ =	shalt  }
0x5d: {  	_ =	shalt  }
0x5e: {  	_ =	shalt  }
0x5f: {  	_ =	shalt  }
0x60: {  	_ =	shalt  }
0x61: {  	_ =	shalt  }
0x62: {  	_ =	shalt  }
0x63: {  	_ =	shalt  }
0x64: {  	_ =	shalt  }
0x65: {  	_ =	shalt  }
0x66: {  	_ =	shalt  }
0x67: {  	_ =	shalt  }
0x68: {  	_ =	shalt  }
0x69: {  	_ =	shalt  }
0x6a: {  	_ =	shalt  }
0x6b: {  	_ =	shalt  }
0x6c: {  	_ =	shalt  }
0x6d: {  	_ =	shalt  }
0x6e: {  	_ =	shalt  }
0x6f: {  	_ =	shalt  }
0x70: {  	_ =	shalt  }
0x71: {  	_ =	shalt  }
0x72: {  	_ =	shalt  }
0x73: {  	_ =	shalt  }
0x74: {  	_ =	shalt  }
0x75: {  	_ =	shalt  }
0x76: {  	_ =	shalt  }
0x77: {  	_ =	shalt  }
0x78: {  	_ =	shalt  }
0x79: {  	_ =	shalt  }
0x7a: {  	_ =	shalt  }
0x7b: {  	_ =	shalt  }
0x7c: {  	_ =	shalt  }
0x7d: {  	_ =	shalt  }
0x7e: {  	_ =	shalt  }
0x7f: {  	_ =	shalt  }
0x80: {  	_ =	shalt  }
0x81: {  	_ =	shalt  }
0x82: {  	_ =	shalt  }
0x83: {  	_ =	shalt  }
0x84: {  	_ =	shalt  }
0x85: {  	_ =	shalt  }
0x86: {  	_ =	shalt  }
0x87: {  	_ =	shalt  }
.Lfunc_end0:
.L_simem_size_0:
called_computation_lowered:
.L_overlay_start_0:
0x88: {  	s2 =	sld [smem:$0x3FD9]  }
0x89: {  	s3 =	sld [smem:$0x3FFE];
	_ =	sdelay $0x1  }
0x8a: {  	s1 =	srdreg.scid  }
0x8b: {  	s0 =	sand.u32 $0x1, s1  }
0x8c: {  	s16 =	sshll.u32 s0, $0xA;
	s2 =	sadd.s32 s3, s2  }
0x8d: {  	s2 =	sadd.s32 s2, s16  }
0x8e: {  	[smem:$0x3FBA] =	sst s2  }
0x8f: {  	_ = 	snop  }
0x90: {  	(tm) =	ssettm $0x1  }
0x91: {  	s17 =	sld [smem:$0x3FFB];
	_ =	sdelay $0x3  }
0x92: {  	_ =	strace s17  }
0x93: {  	s2 =	sld [smem:$0x3FFC];
	_ =	sdelay $0x3  }
0x94: {  	_ =	strace s2  }
0x95: {  	s2 =	sld [smem:$0x3FFD];
	_ =	sdelay $0x3  }
0x96: {  	_ =	strace s2  }
0x97: {  	_ =	strace $0x8FFFFFFF  }
0x98: {  	s18 =	sld [smem:$0x3FDB];
	_ =	sdelay $0x1  }
0x99: {  	s19 =	simm.s32 $_scs_section_size  }
0x9a: {  	s4 =	simm.s32 $_size__tile_overlayer_lowered;
	s5 =	simm.s32 $_tile_overlayer_lowered  }
0x9b: {  	s22 =	simm.s32 $0x1BFF;
	s21 =	sshll.u32 s5, $0x1;
	s2 =	sadd.s32 s19, s18  }
0x9c: {  	s6 =	simm.s32 $0x0;
	s20 =	sshll.u32 s4, $0x1;
	s4 =	sadd.s32 s21, s2  }
0x9d: {  	[timem:s6], [sflag:s22] =	dma.local [hbm:s4], s20  }
0x9e: {  	_ =	swait.ge [sflag:s22], s20  }
0x9f: {  	s3 =	ssub.s32 $0x0, s20;
	[sflag:s22] =	ssyncset.done $0x0  }
0xa0: {  	[sflag:s22] =	ssyncadd.s32 s3;
	_ =	sdelay $0x1  }
0xa1: {  	s23 =	simm.s32 $0x1B8B  }
0xa2: {  	_ =	swait.ge [sflag:s23], $0x1  }
0xa3: {  	[sflag:s23] =	ssyncset.done $0x0  }
0xa4: {  	s25 =	simm.s32 $0x1B8E;
	s24 =	sld [smem:$0x3FFE];
	[sflag:s23] =	ssyncadd.s32 $0xFFFFFFFF  }
0xa5: {  	s26 =	simm.s32 $execute0_lowered;
	[smem:$0x3FD2] =	sst s25  }
0xa6: {  	s4 =	sshll.u32 s26, $0x1;
	_ =	strace $0x80000046;
	[dreg:$0x1] =	wrdreg $0xFFFFFFFF  }
0xa7: {  	s28 =	simm.s32 $_size_execute0_lowered;
	s2 =	sadd.s32 s2, s4;
	[dreg:$0x0] =	wrdreg $0x0  }
0xa8: {  	s4 =	sshll.u32 s28, $0x1;
	[dreg:$0x2] =	wrdreg s2  }
0xa9: {  	[dreg:$0x3] =	wrdreg s4  }
0xaa: {  	[dreg:$0x4] =	wrdreg $0xC0  }
0xab: {  	_ =	task [dreg:s6], $0x5FFFF  }
0xac: {  	[dreg:$0x1] =	wrdreg $0xFFFFFFFF  }
0xad: {  	[dreg:$0x0] =	wrdreg $0x60  }
0xae: {  	[dreg:$0x2] =	wrdreg s24  }
0xaf: {  	[dreg:$0x3] =	wrdreg $0x9  }
0xb0: {  	_ =	task.clear_ibuf [dreg:s6], $0x4FFFF;
	_ =	strace $0x90000046  }
0xb1: {  	s29 =	simm.s32 $0x9;
	_ =	strace $0x80000048  }
0xb2: {  	_ =	swait.ge [sflag:s29], $0x1  }
0xb3: {  	[sflag:s29] =	ssyncadd.s32 $0xFFFFFFFF  }
0xb4: {  	_ =	strace $0x90000048  }
0xb5: {  	_ =	sfence  }
0xb6: {  	s30 =	sld [smem:$0x0];
	_ =	sdelay $0x2  }
0xb7: {  	s31 =	sshll.u32 s1, $0xD;
	s1 =	sshrl.u32 s1, $0x2  }
0xb8: {  	s3 =	sand.u32 $0x4000, s31;
	s1 =	sadd.s32 s1, s30  }
0xb9: {  	s0 =	sor.u32 s3, s0;
	s1 =	sshll.u32 s1, $0x11  }
0xba: {  	s0 =	sor.u32 s1, s0  }
0xbb: {  	s0 =	sadd.s32 $0x8F2B, s0  }
0xbc: {  	[sflag:s0] =	ssyncadd.remote.s32 $0x1  }
0xbd: {  	_ =	sfence.sel $0xFFFF  }
0xbe: {  	[dreg:$0x0] =	wrdreg $0xFFFFFFFF;
	(pc) =	sbr.abs _section_cstart, $3  }
0xbf: {  	[dreg:$0x1] =	wrdreg $0xFFFFFFFF  }
0xc0: {  	_ =	task.clear_ibuf [dreg:s6], $0x2FFFF;
	_ =	strace $0x9FFFFFFF  }
0xc1: {  	(tm) =	ssettm $0x7FFFFFFF  }
tec
execute0_lowered:
.L_overlay_start_1:
0x0: {  	(tag) =	ssettag $0x1  }
0x1: {  	s1 =	srdreg.scid;
	s0 =	stileid.u32  }
0x2: {  	s4 =	rddreg [dreg:$0x0];
	s2 =	simm.s32 $0x0;
	s10 =	simm.s32 $0x1  }
0x3: {  	s11 =	simm.s32 $0x0;
	s3 =	sand.u32 $0x1, s1;
	s1 =	rddreg [dreg:$0x1]  }
0x4: {  	s5 =	sshll.u32 s0, $0x1;
	[smem:$0x7FF] =	sst s2;
	s6 =	smul.u32 $0x4E200, s0  }
0x5: {  	s5 =	sor.u32 s3, s5;
	s7 =	ssub.s32 $0x2, s3;
	s9 =	smul.u32 $0x27100, s3  }
0x6: {  	_ =	strace $0x80000047;
	s5 =	smul.u32 $0x2710, s5;
	s8 =	sshrl.u32 s7, $0x1  }
0x7: {  	s3 =	sadd.s32 $0xCE00, s4;
	s6 =	sadd.s32 s6, s4;
	s7 =	ssub.s32 s7, s8  }
0x8: {  	s6 =	sadd.s32 s9, s6;
	s8 =	simm.s32 $0x50;
	s5 =	sshrl.u32 s5, $0x3  }
0x9: {  	s9 =	simm.s32 $0x2780;
	s6 =	sadd.s32 $0x4B600, s6;
	s5 =	sadd.s32 s5, s4  }
0xa: {  	s4 =	sadd.s32 $0x3000, s5;
	s5 =	smax.u32 s7, $0x1;
	s7 =	simm.s32 $0x2  }
.LBB2_1:
0xb: {  	[tilespmem:s2], [sflag:$0x2] =	stream.linear.gather [hbm4b:s4+s2], $0x2710, $0x38;
	[tilespmem:$0x4F80] =	vst v63  }
0xc: {  	_ =	swait.ge [sflag:s7], $0x2710  }
0xd: {  	[sflag:s7] =	ssyncset.done $0x0  }
0xe: {  	s12 =	simm.s32 $0x0;
	[sflag:s7] =	ssyncadd.s32 $0xFFFFD8F0  }
0xf: {  	[tilespmem:s9], [sflag:$0x1] =	stream.indirect.gather [hbm4b:s3+s8], $0x80, s12, s8, $0xb8;
	[tilespmem:$0x4F80] =	vst v63  }
0x10: {  	_ =	swait.ge [sflag:s10], $0x2800  }
0x11: {  	[sflag:s10] =	ssyncset.done $0x0  }
0x12: {  	[sflag:s10] =	ssyncadd.s32 $0xFFFFD800  }
0x13: {  	[hbm4b:s6+s2] =	stream.linear.scatter [tilespmem:s9], [sflag:$0x2], $0x2800, $0x38;
	[tilespmem:$0x4F80] =	vst v63  }
0x14: {  	s13 =	simm.s32 $0x140;
	_ =	swait.ge [sflag:s7], $0x2800  }
0x15: {  	s14 =	simm.s32 $0x280;
	s12 =	sadd.s32 $0x500, s6;
	[sflag:s7] =	ssyncset.done $0x0  }
.LBB2_2:
0x16: {  	s15 =	sshra.s32 s13, $0x2  }
0x17: {  	[sflag:s7] =	ssyncadd.s32 $0xFFFFD800;
	s13 =	smov.u32 s14;
	s16 =	sadd.s32 $0x140, s14  }
0x18: {  	[tilespmem:s9], [sflag:$0x1] =	stream.indirect.gather [hbm4b:s3+s8], $0x80, s15, s8, $0xb8;
	[tilespmem:$0x4F80] =	vst v63  }
0x19: {  	p0 =	sne.s32 s14, $0x9B00;
	_ =	swait.ge [sflag:s10], $0x2800  }
.Ltmp0:
0x1a: {  	[sflag:s10] =	ssyncset.done $0x0;
	(pc) =	sbr.rel @p0 .LBB2_2-.Ltmp0, $4  }
0x1b: {  	[sflag:s10] =	ssyncadd.s32 $0xFFFFD800  }
0x1c: {  	[hbm4b:s12+s2] =	stream.linear.scatter [tilespmem:s9], [sflag:$0x2], $0x2800, $0x38;
	[tilespmem:$0x4F80] =	vst v63  }
0x1d: {  	_ =	swait.ge [sflag:s7], $0x2800  }
0x1e: {  	s14 =	smov.u32 s16;
	s12 =	sadd.s32 $0x500, s12;
	[sflag:s7] =	ssyncset.done $0x0  }
0x1f: {  	s13 =	sshra.s32 s13, $0x2;
	[sflag:s7] =	ssyncadd.s32 $0xFFFFD800  }
0x20: {  	[tilespmem:s9], [sflag:$0x1] =	stream.indirect.gather [hbm4b:s3+s8], $0x80, s13, s8, $0xb8;
	[tilespmem:$0x4F80] =	vst v63  }
0x21: {  	s11 =	sadd.s32 $0x1, s11;
	_ =	swait.ge [sflag:s10], $0x2800  }
0x22: {  	p0 =	sne.s32 s11, s5;
	[sflag:s10] =	ssyncset.done $0x0  }
.Ltmp1:
0x23: {  	[sflag:s10] =	ssyncadd.s32 $0xFFFFD800;
	(pc) =	sbr.rel @p0 .LBB2_1-.Ltmp1, $4  }
0x24: {  	[hbm4b:s12+s2] =	stream.linear.scatter [tilespmem:s9], [sflag:$0x2], $0x2800, $0x38;
	[tilespmem:$0x4F80] =	vst v63  }
0x25: {  	_ =	swait.ge [sflag:s7], $0x2800  }
0x26: {  	[sflag:s7] =	ssyncset.done $0x0  }
0x27: {  	[sflag:s7] =	ssyncadd.s32 $0xFFFFD800  }
0x28: {  	_ =	sfence.sel $0x180000  }
0x29: {  	[bflag:$0x0] =	sbarrier.arrive $0xFFFF  }
0x2a: {  	p0 =	sne.s32 s0, $0x0;
	_ =	strace $0x90000047  }
0x2b: {  	s0 =	sadd.s32 @!p0 $0x100000, s1;
	[bflag:$0x2] =	sbarrier.arrive $0xFFFF  }
0x2c: {  	[sflag:s0] =	ssyncadd.tile.s32 @!p0 $0x1;
	_ =	shalt  }
.Lfunc_end2:
_tile_overlayer_lowered:
.L_overlay_start_2:
0x2d: {  	(tag) =	ssettag $0x2  }
0x2e: {  	s0 =	rddreg [dreg:$0x0];
	s2 =	stileid.u32  }
0x2f: {  	s1 =	rddreg [dreg:$0x1];
	p0 =	sne.s32 s2, $0x0  }
0x30: {  	s3 =	rddreg [dreg:$0x2];
	[bflag:$0x3] =	sbarrier.arrive $0xFFFF;
	s2 =	simm.s32 @!p0 $0x1C02  }
0x31: {  	[timem:s3], [sflag:s2] =	dma.local @!p0 [hbm:s0], s1  }
0x32: {  	s0 =	simm.s32 @!p0 $0x2  }
0x33: {  	_ =	swait.ge @!p0 [sflag:s0], s1  }
0x34: {  	s1 =	ssub.s32 @!p0 $0x0, s1;
	[sflag:s0] =	ssyncset.done @!p0 $0x0  }
0x35: {  	[sflag:s0] =	ssyncadd.s32 @!p0 s1  }
0x36: {  	[bflag:$0x3] =	sbarrier.arrive $0xFFFF  }
0x37: {  	_ =	shalt  }

// kernel: kernel.14.cloned.1.call-start
scs
__scs_entry_jumppad:
0x0: {  	(pc) =	sbr.rel $0x88, $3  }
0x1: {  	(tag) =	ssettag $0x0;
	lr =	simm.s32 $0x1  }
0x2: {  	[smem:$0x3F93] =	sst lr;
	_ =	strace $0xD0000000  }
0x3: {  	_ = 	snop  }
0x4: {  	_ = 	snop  }
0x5: {  	_ = 	snop  }
0x6: {  	_ = 	snop  }
0x7: {  	_ = 	snop  }
__scs_overlays_trampoline_lowered:
0x8: {  	[smem:$0x3FA2] =	sst s0  }
0x9: {  	[smem:$0x3FA3] =	sst s1  }
0xa: {  	[smem:$0x3FA4] =	sst s2  }
0xb: {  	[smem:$0x3FA5] =	sst s3  }
0xc: {  	[smem:$0x3FA6] =	sst s4  }
0xd: {  	[smem:$0x3FA7] =	sst s5  }
0xe: {  	[smem:$0x3FA8] =	sst s6  }
0xf: {  	[smem:$0x3FA9] =	sst s7  }
0x10: {  	[smem:$0x3FAA] =	sst s8  }
0x11: {  	[smem:$0x3FAB] =	sst s9;
	s0 =	simm.s32 @!p0 $0x0  }
0x12: {  	s1 =	sld [smem:$0x3F91];
	s0 =	simm.s32 @p0 $0x1  }
0x13: {  	[smem:$0x3FAC] =	sst s0;
	s0 =	simm.s32 @!p1 $0x0  }
0x14: {  	s2 =	sld [smem:$0x3F90];
	s0 =	simm.s32 @p1 $0x1  }
0x15: {  	[smem:$0x3FAD] =	sst s0;
	s0 =	simm.s32 @!p2 $0x0  }
0x16: {  	s3 =	sld [smem:$0x3FDB];
	s0 =	simm.s32 @p2 $0x1  }
0x17: {  	s4 =	simm.s32 $0x1BF5;
	[smem:$0x3FAF] =	sst s0  }
0x18: {  	s0 =	sld [smem:$0x3F92];
	_ =	swait.ge [sflag:s4], $0x0  }
0x19: {  	s7 =	sld [smem:$0x3F93]  }
0x1a: {  	s8 =	sadd.s32 $0xFFFFE003, lr  }
0x1b: {  	s9 =	sadd.s32 $0xFFFFFEF7, lr;
	s5 =	simm.s32 $0xFFFFFFFF;
	p2 =	slt.u32 s8, $0xFFFFF086  }
0x1c: {  	p1 =	slt.u32 s9, $0xF7A;
	s5 =	simm.s32 @!p2 $0x0  }
0x1d: {  	s5 =	simm.s32 @p1 $0x1;
	p0 =	seq.s32 s7, s2  }
0x1e: {  	s7 =	smul.u32 @!p0 $0xF7A, s2;
	p2 =	seq.s32 @!p0 s5, $0x0  }
0x1f: {  	s9 =	smul.u32 $0xF7A, s1;
	s8 =	simm.s32 @!p0 $0x1BF5;
	p2 =	por !p2, p0  }
0x20: {  	[sflag:s8] =	ssyncset.s32 @!p0 $0xFFFFF086;
	s6 =	sadd.s32 @!p0 s3, s7;
	s7 =	simm.s32 @!p0 $0x108  }
0x21: {  	s3 =	sadd.s32 s3, s9;
	s6 =	sadd.s32 @!p0 $0x88, s6;
	s7 =	simm.s32 @p2 $0x1082  }
0x22: {  	[simem:s7], [sflag:s8] =	dma.local @!p0 [hbm:s6], $0xF7A  }
0x23: {  	s9 =	sor.u32 $0xD0000000, s2;
	s6 =	simm.s32 $0x108;
	_ =	swait.ge @!p0 [sflag:s8], $0x0  }
0x24: {  	s3 =	sadd.s32 $0x88, s3;
	s6 =	simm.s32 @!p1 $0x1082;
	[sflag:s4] =	ssyncset.s32 $0xFFFFF086  }
0x25: {  	[simem:s6], [sflag:s4] =	dma.local [hbm:s3], $0xF7A  }
0x26: {  	[smem:$0x3F93] =	sst s1;
	(tag) =	ssettag s2;
	_ =	strace s9  }
0x27: {  	s1 =	sld [smem:$0x3FA3]  }
0x28: {  	s2 =	sld [smem:$0x3FA4]  }
0x29: {  	s4 =	sld [smem:$0x3FA6]  }
0x2a: {  	p0 =	seq.s32 s5, $0x0;
	s5 =	sld [smem:$0x3FA7]  }
0x2b: {  	s6 =	sld [smem:$0x3FA8]  }
0x2c: {  	s7 =	sld [smem:$0x3FA9]  }
0x2d: {  	s3 =	simm.s32 $0x108;
	s8 =	sld [smem:$0x3FAA]  }
0x2e: {  	s3 =	simm.s32 @!p0 $0x1082;
	s9 =	sld [smem:$0x3FAB]  }
0x2f: {  	lr =	sadd.s32 s0, s3;
	s0 =	sld [smem:$0x3FA2]  }
0x30: {  	s3 =	sld [smem:$0x3FA5]  }
0x31: {  	[smem:$0x3FAE] =	sst s10  }
0x32: {  	s10 =	sld [smem:$0x3FAC];
	_ =	sdelay $0x3  }
0x33: {  	p0 =	seq.s32 s10, $0x1;
	s10 =	sld [smem:$0x3FAE];
	_ =	sdelay $0x3  }
0x34: {  	[smem:$0x3FAE] =	sst s10  }
0x35: {  	s10 =	sld [smem:$0x3FAD];
	_ =	sdelay $0x3  }
0x36: {  	p1 =	seq.s32 s10, $0x1;
	s10 =	sld [smem:$0x3FAE];
	_ =	sdelay $0x3  }
0x37: {  	[smem:$0x3FAE] =	sst s10  }
0x38: {  	s10 =	sld [smem:$0x3FAF]  }
0x39: {  	_ = 	snop;
	(pc) =	sbr.ind lr, $3  }
0x3a: {  	_ = 	snop  }
0x3b: {  	_ = 	snop  }
0x3c: {  	p2 =	seq.s32 s10, $0x1;
	s10 =	sld [smem:$0x3FAE]  }
0x3d: {  	_ =	shalt  }
0x3e: {  	_ =	shalt  }
0x3f: {  	_ =	shalt  }
0x40: {  	_ =	shalt  }
0x41: {  	_ =	shalt  }
0x42: {  	_ =	shalt  }
0x43: {  	_ =	shalt  }
0x44: {  	_ =	shalt  }
0x45: {  	_ =	shalt  }
0x46: {  	_ =	shalt  }
0x47: {  	_ =	shalt  }
0x48: {  	_ =	shalt  }
0x49: {  	_ =	shalt  }
0x4a: {  	_ =	shalt  }
0x4b: {  	_ =	shalt  }
0x4c: {  	_ =	shalt  }
0x4d: {  	_ =	shalt  }
0x4e: {  	_ =	shalt  }
0x4f: {  	_ =	shalt  }
0x50: {  	_ =	shalt  }
0x51: {  	_ =	shalt  }
0x52: {  	_ =	shalt  }
0x53: {  	_ =	shalt  }
0x54: {  	_ =	shalt  }
0x55: {  	_ =	shalt  }
0x56: {  	_ =	shalt  }
0x57: {  	_ =	shalt  }
0x58: {  	_ =	shalt  }
0x59: {  	_ =	shalt  }
0x5a: {  	_ =	shalt  }
0x5b: {  	_ =	shalt  }
0x5c: {  	_ =	shalt  }
0x5d: {  	_ =	shalt  }
0x5e: {  	_ =	shalt  }
0x5f: {  	_ =	shalt  }
0x60: {  	_ =	shalt  }
0x61: {  	_ =	shalt  }
0x62: {  	_ =	shalt  }
0x63: {  	_ =	shalt  }
0x64: {  	_ =	shalt  }
0x65: {  	_ =	shalt  }
0x66: {  	_ =	shalt  }
0x67: {  	_ =	shalt  }
0x68: {  	_ =	shalt  }
0x69: {  	_ =	shalt  }
0x6a: {  	_ =	shalt  }
0x6b: {  	_ =	shalt  }
0x6c: {  	_ =	shalt  }
0x6d: {  	_ =	shalt  }
0x6e: {  	_ =	shalt  }
0x6f: {  	_ =	shalt  }
0x70: {  	_ =	shalt  }
0x71: {  	_ =	shalt  }
0x72: {  	_ =	shalt  }
0x73: {  	_ =	shalt  }
0x74: {  	_ =	shalt  }
0x75: {  	_ =	shalt  }
0x76: {  	_ =	shalt  }
0x77: {  	_ =	shalt  }
0x78: {  	_ =	shalt  }
0x79: {  	_ =	shalt  }
0x7a: {  	_ =	shalt  }
0x7b: {  	_ =	shalt  }
0x7c: {  	_ =	shalt  }
0x7d: {  	_ =	shalt  }
0x7e: {  	_ =	shalt  }
0x7f: {  	_ =	shalt  }
0x80: {  	_ =	shalt  }
0x81: {  	_ =	shalt  }
0x82: {  	_ =	shalt  }
0x83: {  	_ =	shalt  }
0x84: {  	_ =	shalt  }
0x85: {  	_ =	shalt  }
0x86: {  	_ =	shalt  }
0x87: {  	_ =	shalt  }
.Lfunc_end0:
.L_simem_size_0:
called_computation.1_lowered:
.L_overlay_start_0:
0x88: {  	s2 =	sld [smem:$0x3FD9]  }
0x89: {  	s3 =	sld [smem:$0x3FFE];
	_ =	sdelay $0x1  }
0x8a: {  	s1 =	srdreg.scid  }
0x8b: {  	s0 =	sand.u32 $0x1, s1  }
0x8c: {  	s16 =	sshll.u32 s0, $0xA;
	s2 =	sadd.s32 s3, s2  }
0x8d: {  	s2 =	sadd.s32 s2, s16  }
0x8e: {  	[smem:$0x3FBA] =	sst s2  }
0x8f: {  	_ = 	snop  }
0x90: {  	(tm) =	ssettm $0x1  }
0x91: {  	s17 =	sld [smem:$0x3FFB];
	_ =	sdelay $0x3  }
0x92: {  	_ =	strace s17  }
0x93: {  	s2 =	sld [smem:$0x3FFC];
	_ =	sdelay $0x3  }
0x94: {  	_ =	strace s2  }
0x95: {  	s2 =	sld [smem:$0x3FFD];
	_ =	sdelay $0x3  }
0x96: {  	_ =	strace s2  }
0x97: {  	_ =	strace $0x8FFFFFFF  }
0x98: {  	s18 =	sld [smem:$0x3FDB];
	_ =	sdelay $0x1  }
0x99: {  	s19 =	simm.s32 $_scs_section_size  }
0x9a: {  	s4 =	simm.s32 $_size__tile_overlayer_lowered;
	s5 =	simm.s32 $_tile_overlayer_lowered  }
0x9b: {  	s22 =	simm.s32 $0x1BFF;
	s21 =	sshll.u32 s5, $0x1;
	s2 =	sadd.s32 s19, s18  }
0x9c: {  	s6 =	simm.s32 $0x0;
	s20 =	sshll.u32 s4, $0x1;
	s4 =	sadd.s32 s21, s2  }
0x9d: {  	[timem:s6], [sflag:s22] =	dma.local [hbm:s4], s20  }
0x9e: {  	_ =	swait.ge [sflag:s22], s20  }
0x9f: {  	s3 =	ssub.s32 $0x0, s20;
	[sflag:s22] =	ssyncset.done $0x0  }
0xa0: {  	[sflag:s22] =	ssyncadd.s32 s3;
	_ =	sdelay $0x1  }
0xa1: {  	s23 =	simm.s32 $0x1B8B  }
0xa2: {  	_ =	swait.ge [sflag:s23], $0x1  }
0xa3: {  	[sflag:s23] =	ssyncset.done $0x0  }
0xa4: {  	s25 =	simm.s32 $0x1B8E;
	s24 =	sld [smem:$0x3FFE];
	[sflag:s23] =	ssyncadd.s32 $0xFFFFFFFF  }
0xa5: {  	s26 =	simm.s32 $execute0_lowered;
	[smem:$0x3FD2] =	sst s25  }
0xa6: {  	s4 =	sshll.u32 s26, $0x1;
	_ =	strace $0x80000049;
	[dreg:$0x1] =	wrdreg $0xFFFFFFFF  }
0xa7: {  	s28 =	simm.s32 $_size_execute0_lowered;
	s2 =	sadd.s32 s2, s4;
	[dreg:$0x0] =	wrdreg $0x0  }
0xa8: {  	s4 =	sshll.u32 s28, $0x1;
	[dreg:$0x2] =	wrdreg s2  }
0xa9: {  	[dreg:$0x3] =	wrdreg s4  }
0xaa: {  	[dreg:$0x4] =	wrdreg $0xC0  }
0xab: {  	_ =	task [dreg:s6], $0x5FFFF  }
0xac: {  	[dreg:$0x1] =	wrdreg $0xFFFFFFFF  }
0xad: {  	[dreg:$0x0] =	wrdreg $0x60  }
0xae: {  	[dreg:$0x2] =	wrdreg s24  }
0xaf: {  	[dreg:$0x3] =	wrdreg $0x9  }
0xb0: {  	_ =	task.clear_ibuf [dreg:s6], $0x4FFFF;
	_ =	strace $0x90000049  }
0xb1: {  	s29 =	simm.s32 $0x9;
	_ =	strace $0x8000004B  }
0xb2: {  	_ =	swait.ge [sflag:s29], $0x1  }
0xb3: {  	[sflag:s29] =	ssyncadd.s32 $0xFFFFFFFF  }
0xb4: {  	_ =	strace $0x9000004B  }
0xb5: {  	_ =	sfence  }
0xb6: {  	s30 =	sld [smem:$0x0];
	_ =	sdelay $0x2  }
0xb7: {  	s31 =	sshll.u32 s1, $0xD;
	s1 =	sshrl.u32 s1, $0x2  }
0xb8: {  	s3 =	sand.u32 $0x4000, s31;
	s1 =	sadd.s32 s1, s30  }
0xb9: {  	s0 =	sor.u32 s3, s0;
	s1 =	sshll.u32 s1, $0x11  }
0xba: {  	s0 =	sor.u32 s1, s0  }
0xbb: {  	s0 =	sadd.s32 $0x8F2B, s0  }
0xbc: {  	[sflag:s0] =	ssyncadd.remote.s32 $0x1  }
0xbd: {  	_ =	sfence.sel $0xFFFF  }
0xbe: {  	[dreg:$0x0] =	wrdreg $0xFFFFFFFF;
	(pc) =	sbr.abs _section_cstart, $3  }
0xbf: {  	[dreg:$0x1] =	wrdreg $0xFFFFFFFF  }
0xc0: {  	_ =	task.clear_ibuf [dreg:s6], $0x2FFFF;
	_ =	strace $0x9FFFFFFF  }
0xc1: {  	(tm) =	ssettm $0x7FFFFFFF  }
tec
execute0_lowered:
.L_overlay_start_1:
0x0: {  	(tag) =	ssettag $0x1  }
0x1: {  	s1 =	srdreg.scid;
	s0 =	stileid.u32  }
0x2: {  	s4 =	rddreg [dreg:$0x0];
	s2 =	simm.s32 $0x0;
	s10 =	simm.s32 $0x1  }
0x3: {  	s11 =	simm.s32 $0x0;
	s3 =	sand.u32 $0x1, s1;
	s1 =	rddreg [dreg:$0x1]  }
0x4: {  	s5 =	sshll.u32 s0, $0x1;
	[smem:$0x7FF] =	sst s2;
	s6 =	smul.u32 $0x4E200, s0  }
0x5: {  	s5 =	sor.u32 s3, s5;
	s7 =	ssub.s32 $0x2, s3;
	s9 =	smul.u32 $0x27100, s3  }
0x6: {  	_ =	strace $0x8000004A;
	s5 =	smul.u32 $0x2710, s5;
	s8 =	sshrl.u32 s7, $0x1  }
0x7: {  	s3 =	sadd.s32 $0xCC00, s4;
	s6 =	sadd.s32 s6, s4;
	s7 =	ssub.s32 s7, s8  }
0x8: {  	s6 =	sadd.s32 s9, s6;
	s8 =	simm.s32 $0x50;
	s5 =	sshrl.u32 s5, $0x3  }
0x9: {  	s9 =	simm.s32 $0x2780;
	s6 =	sadd.s32 $0x4B400, s6;
	s5 =	sadd.s32 s5, s4  }
0xa: {  	s4 =	sadd.s32 $0x2E00, s5;
	s5 =	smax.u32 s7, $0x1;
	s7 =	simm.s32 $0x2  }
.LBB2_1:
0xb: {  	[tilespmem:s2], [sflag:$0x2] =	stream.linear.gather [hbm4b:s4+s2], $0x2710, $0x38;
	[tilespmem:$0x4F80] =	vst v63  }
0xc: {  	_ =	swait.ge [sflag:s7], $0x2710  }
0xd: {  	[sflag:s7] =	ssyncset.done $0x0  }
0xe: {  	s12 =	simm.s32 $0x0;
	[sflag:s7] =	ssyncadd.s32 $0xFFFFD8F0  }
0xf: {  	[tilespmem:s9], [sflag:$0x1] =	stream.indirect.gather [hbm4b:s3+s8], $0x80, s12, s8, $0xb8;
	[tilespmem:$0x4F80] =	vst v63  }
0x10: {  	_ =	swait.ge [sflag:s10], $0x2800  }
0x11: {  	[sflag:s10] =	ssyncset.done $0x0  }
0x12: {  	[sflag:s10] =	ssyncadd.s32 $0xFFFFD800  }
0x13: {  	[hbm4b:s6+s2] =	stream.linear.scatter [tilespmem:s9], [sflag:$0x2], $0x2800, $0x38;
	[tilespmem:$0x4F80] =	vst v63  }
0x14: {  	s13 =	simm.s32 $0x140;
	_ =	swait.ge [sflag:s7], $0x2800  }
0x15: {  	s14 =	simm.s32 $0x280;
	s12 =	sadd.s32 $0x500, s6;
	[sflag:s7] =	ssyncset.done $0x0  }
.LBB2_2:
0x16: {  	s15 =	sshra.s32 s13, $0x2  }
0x17: {  	[sflag:s7] =	ssyncadd.s32 $0xFFFFD800;
	s13 =	smov.u32 s14;
	s16 =	sadd.s32 $0x140, s14  }
0x18: {  	[tilespmem:s9], [sflag:$0x1] =	stream.indirect.gather [hbm4b:s3+s8], $0x80, s15, s8, $0xb8;
	[tilespmem:$0x4F80] =	vst v63  }
0x19: {  	p0 =	sne.s32 s14, $0x9B00;
	_ =	swait.ge [sflag:s10], $0x2800  }
.Ltmp0:
0x1a: {  	[sflag:s10] =	ssyncset.done $0x0;
	(pc) =	sbr.rel @p0 .LBB2_2-.Ltmp0, $4  }
0x1b: {  	[sflag:s10] =	ssyncadd.s32 $0xFFFFD800  }
0x1c: {  	[hbm4b:s12+s2] =	stream.linear.scatter [tilespmem:s9], [sflag:$0x2], $0x2800, $0x38;
	[tilespmem:$0x4F80] =	vst v63  }
0x1d: {  	_ =	swait.ge [sflag:s7], $0x2800  }
0x1e: {  	s14 =	smov.u32 s16;
	s12 =	sadd.s32 $0x500, s12;
	[sflag:s7] =	ssyncset.done $0x0  }
0x1f: {  	s13 =	sshra.s32 s13, $0x2;
	[sflag:s7] =	ssyncadd.s32 $0xFFFFD800  }
0x20: {  	[tilespmem:s9], [sflag:$0x1] =	stream.indirect.gather [hbm4b:s3+s8], $0x80, s13, s8, $0xb8;
	[tilespmem:$0x4F80] =	vst v63  }
0x21: {  	s11 =	sadd.s32 $0x1, s11;
	_ =	swait.ge [sflag:s10], $0x2800  }
0x22: {  	p0 =	sne.s32 s11, s5;
	[sflag:s10] =	ssyncset.done $0x0  }
.Ltmp1:
0x23: {  	[sflag:s10] =	ssyncadd.s32 $0xFFFFD800;
	(pc) =	sbr.rel @p0 .LBB2_1-.Ltmp1, $4  }
0x24: {  	[hbm4b:s12+s2] =	stream.linear.scatter [tilespmem:s9], [sflag:$0x2], $0x2800, $0x38;
	[tilespmem:$0x4F80] =	vst v63  }
0x25: {  	_ =	swait.ge [sflag:s7], $0x2800  }
0x26: {  	[sflag:s7] =	ssyncset.done $0x0  }
0x27: {  	[sflag:s7] =	ssyncadd.s32 $0xFFFFD800  }
0x28: {  	_ =	sfence.sel $0x180000  }
0x29: {  	[bflag:$0x0] =	sbarrier.arrive $0xFFFF  }
0x2a: {  	p0 =	sne.s32 s0, $0x0;
	_ =	strace $0x9000004A  }
0x2b: {  	s0 =	sadd.s32 @!p0 $0x100000, s1;
	[bflag:$0x2] =	sbarrier.arrive $0xFFFF  }
0x2c: {  	[sflag:s0] =	ssyncadd.tile.s32 @!p0 $0x1;
	_ =	shalt  }
.Lfunc_end2:
_tile_overlayer_lowered:
.L_overlay_start_2:
0x2d: {  	(tag) =	ssettag $0x2  }
0x2e: {  	s0 =	rddreg [dreg:$0x0];
	s2 =	stileid.u32  }
0x2f: {  	s1 =	rddreg [dreg:$0x1];
	p0 =	sne.s32 s2, $0x0  }
0x30: {  	s3 =	rddreg [dreg:$0x2];
	[bflag:$0x3] =	sbarrier.arrive $0xFFFF;
	s2 =	simm.s32 @!p0 $0x1C02  }
0x31: {  	[timem:s3], [sflag:s2] =	dma.local @!p0 [hbm:s0], s1  }
0x32: {  	s0 =	simm.s32 @!p0 $0x2  }
0x33: {  	_ =	swait.ge @!p0 [sflag:s0], s1  }
0x34: {  	s1 =	ssub.s32 @!p0 $0x0, s1;
	[sflag:s0] =	ssyncset.done @!p0 $0x0  }
0x35: {  	[sflag:s0] =	ssyncadd.s32 @!p0 s1  }
0x36: {  	[bflag:$0x3] =	sbarrier.arrive $0xFFFF  }
0x37: {  	_ =	shalt  }

</sc_bundles>
